<compile_context>
chip_gen: v7x
topology: tpu7x:2x2x1
jax: 0.10.2.dev20260603
libtpu: 0.0.44.dev20260713+nightly
codegen_flags: <defaults>
</compile_context>

<pallas_src>
import functools

import jax
import jax.numpy as jnp
from jax import lax
from jax.experimental import pallas as pl
from jax.experimental.pallas import tpu as pltpu
from jax.experimental.pallas import tpu_sc as plsc

NN = 10000
NE = 320000
DN = 128
DE = 16
DG = 200
DP = 208
NBLK = 1000
EBLK = 512
NCORE = 2
NSUB = 16
NW = NCORE * NSUB
CH = 80


def _leaky(x):
    return jnp.where(x >= 0, x, 0.01 * x)


def _elu(x):
    return jnp.where(x > 0, x, jnp.exp(x) - 1.0)



def _make_gather(d):
    per_w = NE // NW
    mesh = plsc.VectorSubcoreMesh(core_axis_name="c", subcore_axis_name="s")

    kf = 5
    grp = kf * CH
    ngrp = per_w // grp

    @functools.partial(
        pl.kernel, mesh=mesh,
        out_type=[jax.ShapeDtypeStruct((NE, d), jnp.float32),
                  jax.ShapeDtypeStruct((NE, 8), jnp.float32)],
        compiler_params=pltpu.CompilerParams(use_tc_tiling_on_sc=False),
        scratch_types=[
            pltpu.VMEM((per_w,), jnp.int32),
            pltpu.VMEM((per_w,), jnp.int32),
            pltpu.VMEM((grp, d), jnp.float32),
            pltpu.VMEM((grp, 8), jnp.float32),
            pltpu.SemaphoreType.DMA,
        ],
    )
    def gk(tab1_hbm, idxa_hbm, tab2_hbm, idxb_hbm, out1_hbm, out2_hbm,
           idxa_v, idxb_v, rows1_v, rows2_v, sem):
        wid = lax.axis_index("s") * NCORE + lax.axis_index("c")
        pltpu.sync_copy(idxa_hbm.at[pl.ds(wid * per_w, per_w)], idxa_v)
        pltpu.sync_copy(idxb_hbm.at[pl.ds(wid * per_w, per_w)], idxb_v)

        def body(g, carry):
            waits = []
            for i in range(kf):
                waits.append(pltpu.async_copy(
                    tab1_hbm.at[idxa_v.at[pl.ds(g * grp + i * CH, CH)]],
                    rows1_v.at[pl.ds(i * CH, CH)], sem))
                waits.append(pltpu.async_copy(
                    tab2_hbm.at[idxb_v.at[pl.ds(g * grp + i * CH, CH)]],
                    rows2_v.at[pl.ds(i * CH, CH)], sem))
            for w in waits:
                w.wait()
            pltpu.sync_copy(
                rows1_v, out1_hbm.at[pl.ds(wid * per_w + g * grp, grp)])
            pltpu.sync_copy(
                rows2_v, out2_hbm.at[pl.ds(wid * per_w + g * grp, grp)])
            return carry

        lax.fori_loop(0, ngrp, body, 0)

    return gk


HALF = NN // NCORE
ACC = HALF + 8


def _make_scatter_add():
    per_s = NE // NSUB
    nloop = per_s // CH
    dump = 200
    ndump = HALF // dump
    mesh = plsc.VectorSubcoreMesh(core_axis_name="c", subcore_axis_name="s")

    @functools.partial(
        pl.kernel, mesh=mesh,
        out_type=jax.ShapeDtypeStruct((NN, DP), jnp.float32),
        compiler_params=pltpu.CompilerParams(use_tc_tiling_on_sc=False),
        scratch_types=[
            pltpu.VMEM((2, CH), jnp.int32),
            pltpu.VMEM((2, CH, DP), jnp.float32),
            pltpu.VMEM_SHARED((ACC, DP), jnp.float32),
            pltpu.SemaphoreType.DMA,
            pltpu.SemaphoreType.DMA,
        ],
    )
    def sk(rows_hbm, dst_hbm, zero_hbm, out_hbm, idx_v, rows_v, acc_sh,
           sem0, sem1):
        cid = lax.axis_index("c")
        sid = lax.axis_index("s")
        lo = cid * HALF
        sems = (sem0, sem1)

        @pl.when(sid == 0)
        def _():
            pltpu.sync_copy(zero_hbm, acc_sh)

        plsc.subcore_barrier()

        def fire(t, b):
            base = sid * per_s + t * CH
            wi = pltpu.async_copy(
                dst_hbm.at[pl.ds(base, CH)], idx_v.at[b], sems[b])
            wr = pltpu.async_copy(
                rows_hbm.at[pl.ds(base, CH)], rows_v.at[b], sems[b])
            return wi, wr

        def drain_and_scatter(b, waits):
            for w in waits:
                w.wait()
            for k in range(CH // 16):
                v = idx_v[b, pl.ds(k * 16, 16)] - lo
                ok = (v >= 0) & (v < HALF)
                idx_v[b, pl.ds(k * 16, 16)] = jnp.where(ok, v, HALF)
            pltpu.sync_copy(rows_v.at[b], acc_sh.at[idx_v.at[b]], add=True)

        def pair(g, carry):
            t = g * 2
            wa = fire(t, 0)
            wb = fire(t + 1, 1)
            drain_and_scatter(0, wa)
            drain_and_scatter(1, wb)
            return carry

        lax.fori_loop(0, nloop // 2, pair, 0)
        plsc.subcore_barrier()

        for t in range((ndump + NSUB - 1) // NSUB):
            j = sid + NSUB * t

            @pl.when(j < ndump)
            def _():
                pltpu.sync_copy(
                    acc_sh.at[pl.ds(j * dump, dump)],
                    out_hbm.at[pl.ds(lo + j * dump, dump)])

    return sk



def _node_pre_body(nf, pnW, pnb, Wn, w1, hv_o, p_o, s1_o):
    hv = _leaky(jnp.dot(nf[...], pnW[...],
                        preferred_element_type=jnp.float32) + pnb[...])
    hv_o[...] = hv
    p_o[...] = jnp.dot(nf[...], Wn[...], preferred_element_type=jnp.float32)
    s1 = jnp.dot(hv, w1[...], preferred_element_type=jnp.float32)
    s1_o[...] = jnp.concatenate(
        [s1, jnp.zeros((s1.shape[0], 7), jnp.float32)], axis=1)


def _edge1_body(ps, ef, s1d, We, b1, w2, b2, etW, etb, out):
    he1 = _leaky(ps[...] + jnp.dot(ef[...], We[...],
                                   preferred_element_type=jnp.float32)
                 + b1[...])
    t = jnp.dot(he1, w2[...], preferred_element_type=jnp.float32)
    w = jnp.exp(_leaky(t + s1d[:, 0:1] + b2[0, 0]))
    m = jnp.dot(he1, etW[...], preferred_element_type=jnp.float32) + etb[...]
    out[...] = jnp.concatenate(
        [w * m, w, jnp.zeros((w.shape[0], 7), jnp.float32)], axis=1)


def _gru_mid_body(part, hv, Wi, Wh, bi, bh, pnW, pnb, u1, u2,
                  h_o, t2_o, q1_o):
    p = part[...]
    num = p[:, :DG]
    den = p[:, DG:DG + 1]
    c = jnp.where(den > 0, num / den, 0.0)
    x = _elu(c)
    gi = jnp.dot(x, Wi[...], preferred_element_type=jnp.float32) + bi[...]
    gh = jnp.dot(hv[...], Wh[...], preferred_element_type=jnp.float32) + bh[...]
    r = jax.nn.sigmoid(gi[:, :DG] + gh[:, :DG])
    z = jax.nn.sigmoid(gi[:, DG:2 * DG] + gh[:, DG:2 * DG])
    n = jnp.tanh(gi[:, 2 * DG:] + r * gh[:, 2 * DG:])
    h = jnp.maximum((1.0 - z) * n + z * hv[...], 0.0)
    h_o[...] = h
    hp = jnp.dot(h, pnW[...], preferred_element_type=jnp.float32) + pnb[...]
    q2 = jnp.dot(h, u2[...], preferred_element_type=jnp.float32)
    q1 = jnp.dot(h, u1[...], preferred_element_type=jnp.float32)
    t2_o[...] = jnp.concatenate(
        [hp, q2, jnp.zeros((hp.shape[0], 7), jnp.float32)], axis=1)
    q1_o[...] = jnp.concatenate(
        [q1, jnp.zeros((q1.shape[0], 7), jnp.float32)], axis=1)


def _edge2_body(hs, q1d, b2, out):
    h = hs[...]
    w = jnp.exp(_leaky(h[:, DG:DG + 1] + q1d[:, 0:1] + b2[0, 0]))
    out[...] = jnp.concatenate(
        [w * h[:, :DG], w, jnp.zeros((w.shape[0], 7), jnp.float32)], axis=1)


def _gru_fin_body(part, hv, Wi, Wh, bi, bh, h_o):
    p = part[...]
    num = p[:, :DG]
    den = p[:, DG:DG + 1]
    c = jnp.where(den > 0, num / den, 0.0)
    x = _elu(c)
    gi = jnp.dot(x, Wi[...], preferred_element_type=jnp.float32) + bi[...]
    gh = jnp.dot(hv[...], Wh[...], preferred_element_type=jnp.float32) + bh[...]
    r = jax.nn.sigmoid(gi[:, :DG] + gh[:, :DG])
    z = jax.nn.sigmoid(gi[:, DG:2 * DG] + gh[:, DG:2 * DG])
    n = jnp.tanh(gi[:, 2 * DG:] + r * gh[:, 2 * DG:])
    h_o[...] = jnp.maximum((1.0 - z) * n + z * hv[...], 0.0)


def _full(shape):
    return pl.BlockSpec(shape, lambda i: tuple(0 for _ in shape))


def _rows(shape):
    return pl.BlockSpec(shape, lambda i: (i,) + tuple(0 for _ in shape[1:]))


def kernel(node_feats, edge_feats, edge_index, gc_pn_W, gc_pn_b, gc_pe1_W,
           gc_pe1_b, gc_pe2_W, gc_pe2_b, gc_et_W, gc_et_b, gc_gru_Wi,
           gc_gru_Wh, gc_gru_bi, gc_gru_bh, l1_pe_W, l1_pe_b, l1_pn_W,
           l1_pn_b, l1_gru_Wi, l1_gru_Wh, l1_gru_bi, l1_gru_bh):
    f32 = jnp.float32
    src = edge_index[0]
    dst = edge_index[1]
    Wn = gc_pe1_W[:DN]
    We = gc_pe1_W[DN:]
    w1 = gc_pe2_W[:DG]
    w2 = gc_pe2_W[DG:]
    u1 = l1_pe_W[:DG]
    u2 = l1_pe_W[DG:]
    b1 = gc_pe1_b.reshape(1, DG)
    b2 = gc_pe2_b.reshape(1, 1)
    pnb = gc_pn_b.reshape(1, DG)
    etb = gc_et_b.reshape(1, DG)
    bi1 = gc_gru_bi.reshape(1, 3 * DG)
    bh1 = gc_gru_bh.reshape(1, 3 * DG)
    l1b = l1_pe_b.reshape(1, 1)
    l1pnb = l1_pn_b.reshape(1, DG)
    bi2 = l1_gru_bi.reshape(1, 3 * DG)
    bh2 = l1_gru_bh.reshape(1, 3 * DG)
    zero_tab = jnp.zeros((ACC, DP), f32)

    ng = NN // NBLK
    eg = NE // EBLK

    hv_new, ptab, s1tab = pl.pallas_call(
        _node_pre_body,
        grid=(ng,),
        in_specs=[_rows((NBLK, DN)), _full((DN, DG)), _full((1, DG)),
                  _full((DN, DG)), _full((DG, 1))],
        out_specs=[_rows((NBLK, DG)), _rows((NBLK, DG)), _rows((NBLK, 8))],
        out_shape=[jax.ShapeDtypeStruct((NN, DG), f32),
                   jax.ShapeDtypeStruct((NN, DG), f32),
                   jax.ShapeDtypeStruct((NN, 8), f32)],
    )(node_feats, gc_pn_W, pnb, Wn, w1)

    psrc, s1d = _make_gather(DG)(ptab, src, s1tab, dst)

    rows1 = pl.pallas_call(
        _edge1_body,
        grid=(eg,),
        in_specs=[_rows((EBLK, DG)), _rows((EBLK, DE)), _rows((EBLK, 8)),
                  _full((DE, DG)), _full((1, DG)), _full((DG, 1)),
                  _full((1, 1)), _full((DG, DG)), _full((1, DG))],
        out_specs=_rows((EBLK, DP)),
        out_shape=jax.ShapeDtypeStruct((NE, DP), f32),
    )(psrc, edge_feats, s1d, We, b1, w2, b2, gc_et_W, etb)

    part1 = _make_scatter_add()(rows1, dst, zero_tab)

    h, t2tab, q1tab = pl.pallas_call(
        _gru_mid_body,
        grid=(ng,),
        in_specs=[_rows((NBLK, DP)),
                  _rows((NBLK, DG)),
                  _full((DG, 3 * DG)), _full((DG, 3 * DG)),
                  _full((1, 3 * DG)), _full((1, 3 * DG)),
                  _full((DG, DG)), _full((1, DG)),
                  _full((DG, 1)), _full((DG, 1))],
        out_specs=[_rows((NBLK, DG)), _rows((NBLK, DP)), _rows((NBLK, 8))],
        out_shape=[jax.ShapeDtypeStruct((NN, DG), f32),
                   jax.ShapeDtypeStruct((NN, DP), f32),
                   jax.ShapeDtypeStruct((NN, 8), f32)],
    )(part1, hv_new, gc_gru_Wi, gc_gru_Wh, bi1, bh1, l1_pn_W, l1pnb, u1, u2)

    hsrc, q1d = _make_gather(DP)(t2tab, src, q1tab, dst)

    rows2 = pl.pallas_call(
        _edge2_body,
        grid=(eg,),
        in_specs=[_rows((EBLK, DP)), _rows((EBLK, 8)), _full((1, 1))],
        out_specs=_rows((EBLK, DP)),
        out_shape=jax.ShapeDtypeStruct((NE, DP), f32),
    )(hsrc, q1d, l1b)

    part2 = _make_scatter_add()(rows2, dst, zero_tab)

    h2 = pl.pallas_call(
        _gru_fin_body,
        grid=(ng,),
        in_specs=[_rows((NBLK, DP)),
                  _rows((NBLK, DG)),
                  _full((DG, 3 * DG)), _full((DG, 3 * DG)),
                  _full((1, 3 * DG)), _full((1, 3 * DG))],
        out_specs=_rows((NBLK, DG)),
        out_shape=jax.ShapeDtypeStruct((NN, DG), f32),
    )(part2, h, l1_gru_Wi, l1_gru_Wh, bi2, bh2)

    return h2.reshape(NN // 100, 100, DG)

# --- scband reference (transcript-rebuilt; emitter-appended) ---
"""Pipeline reference for scband-attentive-fpembedding-82240033783924 (READ-ONLY COPY).

The authoritative reference and input builder live on the scoring server;
editing this copy changes nothing except your own understanding.
"""

import jax, jax.numpy as jnp
import numpy as np

N_NODES = 10000
N_GRAPHS = 100
NODES_PER_GRAPH = 100
N_EDGES = 320000
D_NODE = 128
D_EDGE = 16
G = 200

def _init(key, shape):
    bound = 1.0 / np.sqrt(shape[0])
    return jax.random.uniform(key, shape, jnp.float32, -bound, bound)

def setup_inputs(seed: int = 0):
    key = jax.random.key(seed)
    ks = jax.random.split(key, 16)
    inp = {}
    inp['node_feats'] = jax.random.normal(ks[0], (N_NODES, D_NODE), jnp.float32)
    inp['edge_feats'] = jax.random.normal(ks[1], (N_EDGES, D_EDGE), jnp.float32)
    inp['edge_index'] = jax.random.randint(ks[2], (2, N_EDGES), 0, N_NODES, jnp.int32)
    inp['gc_pn_W'] = _init(ks[3], (D_NODE, G)); inp['gc_pn_b'] = jnp.zeros((G,), jnp.float32)
    inp['gc_pe1_W'] = _init(ks[4], (D_NODE + D_EDGE, G)); inp['gc_pe1_b'] = jnp.zeros((G,), jnp.float32)
    inp['gc_pe2_W'] = _init(ks[5], (2 * G, 1)); inp['gc_pe2_b'] = jnp.zeros((1,), jnp.float32)
    inp['gc_et_W'] = _init(ks[6], (G, G)); inp['gc_et_b'] = jnp.zeros((G,), jnp.float32)
    inp['gc_gru_Wi'] = _init(ks[7], (G, 3 * G)); inp['gc_gru_Wh'] = _init(ks[8], (G, 3 * G))
    inp['gc_gru_bi'] = jnp.zeros((3 * G,), jnp.float32); inp['gc_gru_bh'] = jnp.zeros((3 * G,), jnp.float32)
    inp['l1_pe_W'] = _init(ks[9], (2 * G, 1)); inp['l1_pe_b'] = jnp.zeros((1,), jnp.float32)
    inp['l1_pn_W'] = _init(ks[10], (G, G)); inp['l1_pn_b'] = jnp.zeros((G,), jnp.float32)
    inp['l1_gru_Wi'] = _init(ks[11], (G, 3 * G)); inp['l1_gru_Wh'] = _init(ks[12], (G, 3 * G))
    inp['l1_gru_bi'] = jnp.zeros((3 * G,), jnp.float32); inp['l1_gru_bh'] = jnp.zeros((3 * G,), jnp.float32)
    return inp

def _edge_softmax(logits, dst, n_nodes):
    m = jax.lax.stop_gradient(jax.ops.segment_max(logits, dst, num_segments=n_nodes))
    ex = jnp.exp(logits - m[dst])
    s = jax.ops.segment_sum(ex, dst, num_segments=n_nodes)
    return ex / s[dst]

def _gru_cell(x, h, Wi, Wh, bi, bh):
    gi = x @ Wi + bi
    gh = h @ Wh + bh
    i_r, i_z, i_n = jnp.split(gi, 3, axis=-1)
    h_r, h_z, h_n = jnp.split(gh, 3, axis=-1)
    r = jax.nn.sigmoid(i_r + h_r)
    z = jax.nn.sigmoid(i_z + h_z)
    n = jnp.tanh(i_n + r * h_n)
    return (1.0 - z) * n + z * h

def reference(node_feats, edge_feats, edge_index, gc_pn_W, gc_pn_b, gc_pe1_W, gc_pe1_b, gc_pe2_W, gc_pe2_b, gc_et_W, gc_et_b, gc_gru_Wi, gc_gru_Wh, gc_gru_bi, gc_gru_bh, l1_pe_W, l1_pe_b, l1_pn_W, l1_pn_b, l1_gru_Wi, l1_gru_Wh, l1_gru_bi, l1_gru_bh):
    src = edge_index[0]
    dst = edge_index[1]
    n = node_feats.shape[0]
    # GetContext (initial context layer)
    hv_new = jax.nn.leaky_relu(node_feats @ gc_pn_W + gc_pn_b)
    he1 = jnp.concatenate([node_feats[src], edge_feats], axis=1)
    he1 = jax.nn.leaky_relu(he1 @ gc_pe1_W + gc_pe1_b)
    he2 = jnp.concatenate([hv_new[dst], he1], axis=1)
    logits = jax.nn.leaky_relu(he2 @ gc_pe2_W + gc_pe2_b)
    a = _edge_softmax(logits, dst, n)
    e = a * (he1 @ gc_et_W + gc_et_b)
    c = jax.ops.segment_sum(e, dst, num_segments=n)
    h = jax.nn.relu(_gru_cell(jax.nn.elu(c), hv_new, gc_gru_Wi, gc_gru_Wh, gc_gru_bi, gc_gru_bh))
    # GNNLayer (num_layers=2 -> one extra layer)
    he = jnp.concatenate([h[dst], h[src]], axis=1)
    logits2 = jax.nn.leaky_relu(he @ l1_pe_W + l1_pe_b)
    a2 = _edge_softmax(logits2, dst, n)
    hv_proj = h @ l1_pn_W + l1_pn_b
    c2 = jax.ops.segment_sum(hv_proj[src] * a2, dst, num_segments=n)
    h2 = jax.nn.relu(_gru_cell(jax.nn.elu(c2), h, l1_gru_Wi, l1_gru_Wh, l1_gru_bi, l1_gru_bh))
    # pad_sequence(split(node_feats, batch_num_nodes)): 100 graphs x 100 nodes each -> reshape
    return h2.reshape(N_GRAPHS, NODES_PER_GRAPH, G)

if __name__ == "__main__":
    import jax
    _d = setup_inputs()
    print(jax.jit(kernel)(*tuple(_d.values())))

</pallas_src>

<mosaic_0001>
#map = affine_map<(d0, d1) -> (0, 0)>
#map1 = affine_map<(d0, d1) -> (0)>
module attributes {stable_mosaic.version = 14 : i64} {
  func.func @gk(%arg0: i32, %arg1: i32, %arg2: memref<10000x208xf32, #tpu.memory_space<hbm>>, %arg3: memref<320000xi32, #tpu.memory_space<hbm>>, %arg4: memref<10000x8xf32, #tpu.memory_space<hbm>>, %arg5: memref<320000xi32, #tpu.memory_space<hbm>>, %arg6: memref<320000x208xf32, #tpu.memory_space<hbm>>, %arg7: memref<320000x8xf32, #tpu.memory_space<hbm>>, %arg8: memref<10000xi32, #tpu.memory_space<vmem>>, %arg9: memref<10000xi32, #tpu.memory_space<vmem>>, %arg10: memref<400x208xf32, #tpu.memory_space<vmem>>, %arg11: memref<400x8xf32, #tpu.memory_space<vmem>>, %arg12: memref<!tpu.dma_semaphore, #tpu.memory_space<semaphore_mem>>) attributes {dimension_semantics = [#tpu.dimension_semantics<core_parallel>, #tpu.dimension_semantics<subcore_parallel>], iteration_bounds = array<i64: 2, 16>, scalar_prefetch = 0 : i64, scratch_operands = 5 : i64, tpu.core_type = #tpu.core_type<sc_vector_subcore>, window_params = [{transform_indices = #map}, {transform_indices = #map1}, {transform_indices = #map}, {transform_indices = #map1}, {transform_indices = #map}, {transform_indices = #map}]} {
    %mul3A = arith.constant 2 : i32
    %mul3A_0 = arith.muli %arg1, %mul3A : i32
    %add3A = arith.addi %mul3A_0, %arg0 : i32
    %mul3A_1 = arith.constant 10000 : i32
    %mul3A_2 = arith.muli %add3A, %mul3A_1 : i32
    "tpu.region"() ({
      %run_scoped3A = tpu.sem_alloc : memref<!tpu.dma_semaphore, #tpu.memory_space<semaphore_mem>>
      %dma_start3A = tpu.memref_slice %arg3[%mul3A_2] : memref<320000xi32, #tpu.memory_space<hbm>> -> memref<10000xi32, #tpu.memory_space<hbm>>
      %dma_start3A_10 = tpu.memref_slice %arg3[%mul3A_2] : memref<320000xi32, #tpu.memory_space<hbm>> -> memref<10000xi32, #tpu.memory_space<hbm>>
      tpu.enqueue_dma source(%dma_start3A_10 : memref<10000xi32, #tpu.memory_space<hbm>>) target(%arg8 : memref<10000xi32, #tpu.memory_space<vmem>>) target_semaphore(%run_scoped3A : memref<!tpu.dma_semaphore, #tpu.memory_space<semaphore_mem>>)
      %dma_wait3A = tpu.memref_slice %arg3[%mul3A_2] : memref<320000xi32, #tpu.memory_space<hbm>> -> memref<10000xi32, #tpu.memory_space<hbm>>
      %dma_wait3A_11 = tpu.memref_slice %arg3[%mul3A_2] : memref<320000xi32, #tpu.memory_space<hbm>> -> memref<10000xi32, #tpu.memory_space<hbm>>
      tpu.wait_dma2 semaphore(%run_scoped3A : memref<!tpu.dma_semaphore, #tpu.memory_space<semaphore_mem>>) src(%dma_wait3A_11 : memref<10000xi32, #tpu.memory_space<hbm>>) dst(%arg8 : memref<10000xi32, #tpu.memory_space<vmem>>)
      tpu.yield
    }) : () -> ()
    %mul3A_3 = arith.constant 10000 : i32
    %mul3A_4 = arith.muli %add3A, %mul3A_3 : i32
    "tpu.region"() ({
      %run_scoped3A = tpu.sem_alloc : memref<!tpu.dma_semaphore, #tpu.memory_space<semaphore_mem>>
      %dma_start3A = tpu.memref_slice %arg5[%mul3A_4] : memref<320000xi32, #tpu.memory_space<hbm>> -> memref<10000xi32, #tpu.memory_space<hbm>>
      %dma_start3A_10 = tpu.memref_slice %arg5[%mul3A_4] : memref<320000xi32, #tpu.memory_space<hbm>> -> memref<10000xi32, #tpu.memory_space<hbm>>
      tpu.enqueue_dma source(%dma_start3A_10 : memref<10000xi32, #tpu.memory_space<hbm>>) target(%arg9 : memref<10000xi32, #tpu.memory_space<vmem>>) target_semaphore(%run_scoped3A : memref<!tpu.dma_semaphore, #tpu.memory_space<semaphore_mem>>)
      %dma_wait3A = tpu.memref_slice %arg5[%mul3A_4] : memref<320000xi32, #tpu.memory_space<hbm>> -> memref<10000xi32, #tpu.memory_space<hbm>>
      %dma_wait3A_11 = tpu.memref_slice %arg5[%mul3A_4] : memref<320000xi32, #tpu.memory_space<hbm>> -> memref<10000xi32, #tpu.memory_space<hbm>>
      tpu.wait_dma2 semaphore(%run_scoped3A : memref<!tpu.dma_semaphore, #tpu.memory_space<semaphore_mem>>) src(%dma_wait3A_11 : memref<10000xi32, #tpu.memory_space<hbm>>) dst(%arg9 : memref<10000xi32, #tpu.memory_space<vmem>>)
      tpu.yield
    }) : () -> ()
    %scan3A = arith.constant 0 : i32
    %scan3A_5 = arith.constant 0 : i32
    %scan3A_6 = arith.constant 25 : i32
    %scan3A_7 = arith.addi %scan3A_5, %scan3A_6 : i32
    %scan3A_8 = arith.constant 1 : i32
    scf.for %scan3A_10 = %scan3A_5 to %scan3A_7 step %scan3A_8  : i32 {
      %mul3A_11 = arith.constant 400 : i32
      %mul3A_12 = arith.muli %scan3A_10, %mul3A_11 : i32
      %add3A_13 = arith.constant 0 : i32
      %add3A_14 = arith.addi %mul3A_12, %add3A_13 : i32
      %dma_start3A = arith.constant 0 : i32
      %dma_start3A_15 = arith.constant 0 : i32
      %dma_start3A_16 = tpu.memref_slice %arg10[%dma_start3A, %dma_start3A_15] : memref<400x208xf32, #tpu.memory_space<vmem>> -> memref<80x208xf32, #tpu.memory_space<vmem>>
      %dma_start3A_17 = tpu.memref_slice %arg8[%add3A_14] : memref<10000xi32, #tpu.memory_space<vmem>> -> memref<80xi32, #tpu.memory_space<vmem>>
      %dma_start3A_18 = arith.constant 0 : i32
      %dma_start3A_19 = arith.constant 0 : i32
      %dma_start3A_20 = tpu.memref_slice %arg2[%dma_start3A_18, %dma_start3A_19] : memref<10000x208xf32, #tpu.memory_space<hbm>> -> memref<10000x208xf32, #tpu.memory_space<hbm>>
      tpu.enqueue_indirect_dma source(%dma_start3A_20 : memref<10000x208xf32, #tpu.memory_space<hbm>>) target(%dma_start3A_16 : memref<80x208xf32, #tpu.memory_space<vmem>>) offsets(%dma_start3A_17 : memref<80xi32, #tpu.memory_space<vmem>>) semaphore(%arg12 : memref<!tpu.dma_semaphore, #tpu.memory_space<semaphore_mem>>)
      %mul3A_21 = arith.constant 400 : i32
      %mul3A_22 = arith.muli %scan3A_10, %mul3A_21 : i32
      %add3A_23 = arith.constant 0 : i32
      %add3A_24 = arith.addi %mul3A_22, %add3A_23 : i32
      %dma_start3A_25 = arith.constant 0 : i32
      %dma_start3A_26 = arith.constant 0 : i32
      %dma_start3A_27 = tpu.memref_slice %arg11[%dma_start3A_25, %dma_start3A_26] : memref<400x8xf32, #tpu.memory_space<vmem>> -> memref<80x8xf32, #tpu.memory_space<vmem>>
      %dma_start3A_28 = tpu.memref_slice %arg9[%add3A_24] : memref<10000xi32, #tpu.memory_space<vmem>> -> memref<80xi32, #tpu.memory_space<vmem>>
      %dma_start3A_29 = arith.constant 0 : i32
      %dma_start3A_30 = arith.constant 0 : i32
      %dma_start3A_31 = tpu.memref_slice %arg4[%dma_start3A_29, %dma_start3A_30] : memref<10000x8xf32, #tpu.memory_space<hbm>> -> memref<10000x8xf32, #tpu.memory_space<hbm>>
      tpu.enqueue_indirect_dma source(%dma_start3A_31 : memref<10000x8xf32, #tpu.memory_space<hbm>>) target(%dma_start3A_27 : memref<80x8xf32, #tpu.memory_space<vmem>>) offsets(%dma_start3A_28 : memref<80xi32, #tpu.memory_space<vmem>>) semaphore(%arg12 : memref<!tpu.dma_semaphore, #tpu.memory_space<semaphore_mem>>)
      %mul3A_32 = arith.constant 400 : i32
      %mul3A_33 = arith.muli %scan3A_10, %mul3A_32 : i32
      %add3A_34 = arith.constant 80 : i32
      %add3A_35 = arith.addi %mul3A_33, %add3A_34 : i32
      %dma_start3A_36 = arith.constant 80 : i32
      %dma_start3A_37 = arith.constant 0 : i32
      %dma_start3A_38 = tpu.memref_slice %arg10[%dma_start3A_36, %dma_start3A_37] : memref<400x208xf32, #tpu.memory_space<vmem>> -> memref<80x208xf32, #tpu.memory_space<vmem>>
      %dma_start3A_39 = tpu.memref_slice %arg8[%add3A_35] : memref<10000xi32, #tpu.memory_space<vmem>> -> memref<80xi32, #tpu.memory_space<vmem>>
      %dma_start3A_40 = arith.constant 0 : i32
      %dma_start3A_41 = arith.constant 0 : i32
      %dma_start3A_42 = tpu.memref_slice %arg2[%dma_start3A_40, %dma_start3A_41] : memref<10000x208xf32, #tpu.memory_space<hbm>> -> memref<10000x208xf32, #tpu.memory_space<hbm>>
      tpu.enqueue_indirect_dma source(%dma_start3A_42 : memref<10000x208xf32, #tpu.memory_space<hbm>>) target(%dma_start3A_38 : memref<80x208xf32, #tpu.memory_space<vmem>>) offsets(%dma_start3A_39 : memref<80xi32, #tpu.memory_space<vmem>>) semaphore(%arg12 : memref<!tpu.dma_semaphore, #tpu.memory_space<semaphore_mem>>)
      %mul3A_43 = arith.constant 400 : i32
      %mul3A_44 = arith.muli %scan3A_10, %mul3A_43 : i32
      %add3A_45 = arith.constant 80 : i32
      %add3A_46 = arith.addi %mul3A_44, %add3A_45 : i32
      %dma_start3A_47 = arith.constant 80 : i32
      %dma_start3A_48 = arith.constant 0 : i32
      %dma_start3A_49 = tpu.memref_slice %arg11[%dma_start3A_47, %dma_start3A_48] : memref<400x8xf32, #tpu.memory_space<vmem>> -> memref<80x8xf32, #tpu.memory_space<vmem>>
      %dma_start3A_50 = tpu.memref_slice %arg9[%add3A_46] : memref<10000xi32, #tpu.memory_space<vmem>> -> memref<80xi32, #tpu.memory_space<vmem>>
      %dma_start3A_51 = arith.constant 0 : i32
      %dma_start3A_52 = arith.constant 0 : i32
      %dma_start3A_53 = tpu.memref_slice %arg4[%dma_start3A_51, %dma_start3A_52] : memref<10000x8xf32, #tpu.memory_space<hbm>> -> memref<10000x8xf32, #tpu.memory_space<hbm>>
      tpu.enqueue_indirect_dma source(%dma_start3A_53 : memref<10000x8xf32, #tpu.memory_space<hbm>>) target(%dma_start3A_49 : memref<80x8xf32, #tpu.memory_space<vmem>>) offsets(%dma_start3A_50 : memref<80xi32, #tpu.memory_space<vmem>>) semaphore(%arg12 : memref<!tpu.dma_semaphore, #tpu.memory_space<semaphore_mem>>)
      %mul3A_54 = arith.constant 400 : i32
      %mul3A_55 = arith.muli %scan3A_10, %mul3A_54 : i32
      %add3A_56 = arith.constant 160 : i32
      %add3A_57 = arith.addi %mul3A_55, %add3A_56 : i32
      %dma_start3A_58 = arith.constant 160 : i32
      %dma_start3A_59 = arith.constant 0 : i32
      %dma_start3A_60 = tpu.memref_slice %arg10[%dma_start3A_58, %dma_start3A_59] : memref<400x208xf32, #tpu.memory_space<vmem>> -> memref<80x208xf32, #tpu.memory_space<vmem>>
      %dma_start3A_61 = tpu.memref_slice %arg8[%add3A_57] : memref<10000xi32, #tpu.memory_space<vmem>> -> memref<80xi32, #tpu.memory_space<vmem>>
      %dma_start3A_62 = arith.constant 0 : i32
      %dma_start3A_63 = arith.constant 0 : i32
      %dma_start3A_64 = tpu.memref_slice %arg2[%dma_start3A_62, %dma_start3A_63] : memref<10000x208xf32, #tpu.memory_space<hbm>> -> memref<10000x208xf32, #tpu.memory_space<hbm>>
      tpu.enqueue_indirect_dma source(%dma_start3A_64 : memref<10000x208xf32, #tpu.memory_space<hbm>>) target(%dma_start3A_60 : memref<80x208xf32, #tpu.memory_space<vmem>>) offsets(%dma_start3A_61 : memref<80xi32, #tpu.memory_space<vmem>>) semaphore(%arg12 : memref<!tpu.dma_semaphore, #tpu.memory_space<semaphore_mem>>)
      %mul3A_65 = arith.constant 400 : i32
      %mul3A_66 = arith.muli %scan3A_10, %mul3A_65 : i32
      %add3A_67 = arith.constant 160 : i32
      %add3A_68 = arith.addi %mul3A_66, %add3A_67 : i32
      %dma_start3A_69 = arith.constant 160 : i32
      %dma_start3A_70 = arith.constant 0 : i32
      %dma_start3A_71 = tpu.memref_slice %arg11[%dma_start3A_69, %dma_start3A_70] : memref<400x8xf32, #tpu.memory_space<vmem>> -> memref<80x8xf32, #tpu.memory_space<vmem>>
      %dma_start3A_72 = tpu.memref_slice %arg9[%add3A_68] : memref<10000xi32, #tpu.memory_space<vmem>> -> memref<80xi32, #tpu.memory_space<vmem>>
      %dma_start3A_73 = arith.constant 0 : i32
      %dma_start3A_74 = arith.constant 0 : i32
      %dma_start3A_75 = tpu.memref_slice %arg4[%dma_start3A_73, %dma_start3A_74] : memref<10000x8xf32, #tpu.memory_space<hbm>> -> memref<10000x8xf32, #tpu.memory_space<hbm>>
      tpu.enqueue_indirect_dma source(%dma_start3A_75 : memref<10000x8xf32, #tpu.memory_space<hbm>>) target(%dma_start3A_71 : memref<80x8xf32, #tpu.memory_space<vmem>>) offsets(%dma_start3A_72 : memref<80xi32, #tpu.memory_space<vmem>>) semaphore(%arg12 : memref<!tpu.dma_semaphore, #tpu.memory_space<semaphore_mem>>)
      %mul3A_76 = arith.constant 400 : i32
      %mul3A_77 = arith.muli %scan3A_10, %mul3A_76 : i32
      %add3A_78 = arith.constant 240 : i32
      %add3A_79 = arith.addi %mul3A_77, %add3A_78 : i32
      %dma_start3A_80 = arith.constant 240 : i32
      %dma_start3A_81 = arith.constant 0 : i32
      %dma_start3A_82 = tpu.memref_slice %arg10[%dma_start3A_80, %dma_start3A_81] : memref<400x208xf32, #tpu.memory_space<vmem>> -> memref<80x208xf32, #tpu.memory_space<vmem>>
      %dma_start3A_83 = tpu.memref_slice %arg8[%add3A_79] : memref<10000xi32, #tpu.memory_space<vmem>> -> memref<80xi32, #tpu.memory_space<vmem>>
      %dma_start3A_84 = arith.constant 0 : i32
      %dma_start3A_85 = arith.constant 0 : i32
      %dma_start3A_86 = tpu.memref_slice %arg2[%dma_start3A_84, %dma_start3A_85] : memref<10000x208xf32, #tpu.memory_space<hbm>> -> memref<10000x208xf32, #tpu.memory_space<hbm>>
      tpu.enqueue_indirect_dma source(%dma_start3A_86 : memref<10000x208xf32, #tpu.memory_space<hbm>>) target(%dma_start3A_82 : memref<80x208xf32, #tpu.memory_space<vmem>>) offsets(%dma_start3A_83 : memref<80xi32, #tpu.memory_space<vmem>>) semaphore(%arg12 : memref<!tpu.dma_semaphore, #tpu.memory_space<semaphore_mem>>)
      %mul3A_87 = arith.constant 400 : i32
      %mul3A_88 = arith.muli %scan3A_10, %mul3A_87 : i32
      %add3A_89 = arith.constant 240 : i32
      %add3A_90 = arith.addi %mul3A_88, %add3A_89 : i32
      %dma_start3A_91 = arith.constant 240 : i32
      %dma_start3A_92 = arith.constant 0 : i32
      %dma_start3A_93 = tpu.memref_slice %arg11[%dma_start3A_91, %dma_start3A_92] : memref<400x8xf32, #tpu.memory_space<vmem>> -> memref<80x8xf32, #tpu.memory_space<vmem>>
      %dma_start3A_94 = tpu.memref_slice %arg9[%add3A_90] : memref<10000xi32, #tpu.memory_space<vmem>> -> memref<80xi32, #tpu.memory_space<vmem>>
      %dma_start3A_95 = arith.constant 0 : i32
      %dma_start3A_96 = arith.constant 0 : i32
      %dma_start3A_97 = tpu.memref_slice %arg4[%dma_start3A_95, %dma_start3A_96] : memref<10000x8xf32, #tpu.memory_space<hbm>> -> memref<10000x8xf32, #tpu.memory_space<hbm>>
      tpu.enqueue_indirect_dma source(%dma_start3A_97 : memref<10000x8xf32, #tpu.memory_space<hbm>>) target(%dma_start3A_93 : memref<80x8xf32, #tpu.memory_space<vmem>>) offsets(%dma_start3A_94 : memref<80xi32, #tpu.memory_space<vmem>>) semaphore(%arg12 : memref<!tpu.dma_semaphore, #tpu.memory_space<semaphore_mem>>)
      %mul3A_98 = arith.constant 400 : i32
      %mul3A_99 = arith.muli %scan3A_10, %mul3A_98 : i32
      %add3A_100 = arith.constant 320 : i32
      %add3A_101 = arith.addi %mul3A_99, %add3A_100 : i32
      %dma_start3A_102 = arith.constant 320 : i32
      %dma_start3A_103 = arith.constant 0 : i32
      %dma_start3A_104 = tpu.memref_slice %arg10[%dma_start3A_102, %dma_start3A_103] : memref<400x208xf32, #tpu.memory_space<vmem>> -> memref<80x208xf32, #tpu.memory_space<vmem>>
      %dma_start3A_105 = tpu.memref_slice %arg8[%add3A_101] : memref<10000xi32, #tpu.memory_space<vmem>> -> memref<80xi32, #tpu.memory_space<vmem>>
      %dma_start3A_106 = arith.constant 0 : i32
      %dma_start3A_107 = arith.constant 0 : i32
      %dma_start3A_108 = tpu.memref_slice %arg2[%dma_start3A_106, %dma_start3A_107] : memref<10000x208xf32, #tpu.memory_space<hbm>> -> memref<10000x208xf32, #tpu.memory_space<hbm>>
      tpu.enqueue_indirect_dma source(%dma_start3A_108 : memref<10000x208xf32, #tpu.memory_space<hbm>>) target(%dma_start3A_104 : memref<80x208xf32, #tpu.memory_space<vmem>>) offsets(%dma_start3A_105 : memref<80xi32, #tpu.memory_space<vmem>>) semaphore(%arg12 : memref<!tpu.dma_semaphore, #tpu.memory_space<semaphore_mem>>)
      %mul3A_109 = arith.constant 400 : i32
      %mul3A_110 = arith.muli %scan3A_10, %mul3A_109 : i32
      %add3A_111 = arith.constant 320 : i32
      %add3A_112 = arith.addi %mul3A_110, %add3A_111 : i32
      %dma_start3A_113 = arith.constant 320 : i32
      %dma_start3A_114 = arith.constant 0 : i32
      %dma_start3A_115 = tpu.memref_slice %arg11[%dma_start3A_113, %dma_start3A_114] : memref<400x8xf32, #tpu.memory_space<vmem>> -> memref<80x8xf32, #tpu.memory_space<vmem>>
      %dma_start3A_116 = tpu.memref_slice %arg9[%add3A_112] : memref<10000xi32, #tpu.memory_space<vmem>> -> memref<80xi32, #tpu.memory_space<vmem>>
      %dma_start3A_117 = arith.constant 0 : i32
      %dma_start3A_118 = arith.constant 0 : i32
      %dma_start3A_119 = tpu.memref_slice %arg4[%dma_start3A_117, %dma_start3A_118] : memref<10000x8xf32, #tpu.memory_space<hbm>> -> memref<10000x8xf32, #tpu.memory_space<hbm>>
      tpu.enqueue_indirect_dma source(%dma_start3A_119 : memref<10000x8xf32, #tpu.memory_space<hbm>>) target(%dma_start3A_115 : memref<80x8xf32, #tpu.memory_space<vmem>>) offsets(%dma_start3A_116 : memref<80xi32, #tpu.memory_space<vmem>>) semaphore(%arg12 : memref<!tpu.dma_semaphore, #tpu.memory_space<semaphore_mem>>)
      %dma_wait3A = arith.constant 0 : i32
      %dma_wait3A_120 = arith.constant 0 : i32
      %dma_wait3A_121 = tpu.memref_slice %arg10[%dma_wait3A, %dma_wait3A_120] : memref<400x208xf32, #tpu.memory_space<vmem>> -> memref<80x208xf32, #tpu.memory_space<vmem>>
      %dma_wait3A_122 = tpu.memref_slice %arg8[%add3A_14] : memref<10000xi32, #tpu.memory_space<vmem>> -> memref<80xi32, #tpu.memory_space<vmem>>
      %dma_wait3A_123 = arith.constant 0 : i32
      %dma_wait3A_124 = arith.constant 0 : i32
      %dma_wait3A_125 = tpu.memref_slice %arg2[%dma_wait3A_123, %dma_wait3A_124] : memref<10000x208xf32, #tpu.memory_space<hbm>> -> memref<10000x208xf32, #tpu.memory_space<hbm>>
      tpu.wait_indirect_dma semaphore(%arg12 : memref<!tpu.dma_semaphore, #tpu.memory_space<semaphore_mem>>) src(%dma_wait3A_125 : memref<10000x208xf32, #tpu.memory_space<hbm>>) dst(%dma_wait3A_121 : memref<80x208xf32, #tpu.memory_space<vmem>>)
      %dma_wait3A_126 = arith.constant 0 : i32
      %dma_wait3A_127 = arith.constant 0 : i32
      %dma_wait3A_128 = tpu.memref_slice %arg11[%dma_wait3A_126, %dma_wait3A_127] : memref<400x8xf32, #tpu.memory_space<vmem>> -> memref<80x8xf32, #tpu.memory_space<vmem>>
      %dma_wait3A_129 = tpu.memref_slice %arg9[%add3A_24] : memref<10000xi32, #tpu.memory_space<vmem>> -> memref<80xi32, #tpu.memory_space<vmem>>
      %dma_wait3A_130 = arith.constant 0 : i32
      %dma_wait3A_131 = arith.constant 0 : i32
      %dma_wait3A_132 = tpu.memref_slice %arg4[%dma_wait3A_130, %dma_wait3A_131] : memref<10000x8xf32, #tpu.memory_space<hbm>> -> memref<10000x8xf32, #tpu.memory_space<hbm>>
      tpu.wait_indirect_dma semaphore(%arg12 : memref<!tpu.dma_semaphore, #tpu.memory_space<semaphore_mem>>) src(%dma_wait3A_132 : memref<10000x8xf32, #tpu.memory_space<hbm>>) dst(%dma_wait3A_128 : memref<80x8xf32, #tpu.memory_space<vmem>>)
      %dma_wait3A_133 = arith.constant 80 : i32
      %dma_wait3A_134 = arith.constant 0 : i32
      %dma_wait3A_135 = tpu.memref_slice %arg10[%dma_wait3A_133, %dma_wait3A_134] : memref<400x208xf32, #tpu.memory_space<vmem>> -> memref<80x208xf32, #tpu.memory_space<vmem>>
      %dma_wait3A_136 = tpu.memref_slice %arg8[%add3A_35] : memref<10000xi32, #tpu.memory_space<vmem>> -> memref<80xi32, #tpu.memory_space<vmem>>
      %dma_wait3A_137 = arith.constant 0 : i32
      %dma_wait3A_138 = arith.constant 0 : i32
      %dma_wait3A_139 = tpu.memref_slice %arg2[%dma_wait3A_137, %dma_wait3A_138] : memref<10000x208xf32, #tpu.memory_space<hbm>> -> memref<10000x208xf32, #tpu.memory_space<hbm>>
      tpu.wait_indirect_dma semaphore(%arg12 : memref<!tpu.dma_semaphore, #tpu.memory_space<semaphore_mem>>) src(%dma_wait3A_139 : memref<10000x208xf32, #tpu.memory_space<hbm>>) dst(%dma_wait3A_135 : memref<80x208xf32, #tpu.memory_space<vmem>>)
      %dma_wait3A_140 = arith.constant 80 : i32
      %dma_wait3A_141 = arith.constant 0 : i32
      %dma_wait3A_142 = tpu.memref_slice %arg11[%dma_wait3A_140, %dma_wait3A_141] : memref<400x8xf32, #tpu.memory_space<vmem>> -> memref<80x8xf32, #tpu.memory_space<vmem>>
      %dma_wait3A_143 = tpu.memref_slice %arg9[%add3A_46] : memref<10000xi32, #tpu.memory_space<vmem>> -> memref<80xi32, #tpu.memory_space<vmem>>
      %dma_wait3A_144 = arith.constant 0 : i32
      %dma_wait3A_145 = arith.constant 0 : i32
      %dma_wait3A_146 = tpu.memref_slice %arg4[%dma_wait3A_144, %dma_wait3A_145] : memref<10000x8xf32, #tpu.memory_space<hbm>> -> memref<10000x8xf32, #tpu.memory_space<hbm>>
      tpu.wait_indirect_dma semaphore(%arg12 : memref<!tpu.dma_semaphore, #tpu.memory_space<semaphore_mem>>) src(%dma_wait3A_146 : memref<10000x8xf32, #tpu.memory_space<hbm>>) dst(%dma_wait3A_142 : memref<80x8xf32, #tpu.memory_space<vmem>>)
      %dma_wait3A_147 = arith.constant 160 : i32
      %dma_wait3A_148 = arith.constant 0 : i32
      %dma_wait3A_149 = tpu.memref_slice %arg10[%dma_wait3A_147, %dma_wait3A_148] : memref<400x208xf32, #tpu.memory_space<vmem>> -> memref<80x208xf32, #tpu.memory_space<vmem>>
      %dma_wait3A_150 = tpu.memref_slice %arg8[%add3A_57] : memref<10000xi32, #tpu.memory_space<vmem>> -> memref<80xi32, #tpu.memory_space<vmem>>
      %dma_wait3A_151 = arith.constant 0 : i32
      %dma_wait3A_152 = arith.constant 0 : i32
      %dma_wait3A_153 = tpu.memref_slice %arg2[%dma_wait3A_151, %dma_wait3A_152] : memref<10000x208xf32, #tpu.memory_space<hbm>> -> memref<10000x208xf32, #tpu.memory_space<hbm>>
      tpu.wait_indirect_dma semaphore(%arg12 : memref<!tpu.dma_semaphore, #tpu.memory_space<semaphore_mem>>) src(%dma_wait3A_153 : memref<10000x208xf32, #tpu.memory_space<hbm>>) dst(%dma_wait3A_149 : memref<80x208xf32, #tpu.memory_space<vmem>>)
      %dma_wait3A_154 = arith.constant 160 : i32
      %dma_wait3A_155 = arith.constant 0 : i32
      %dma_wait3A_156 = tpu.memref_slice %arg11[%dma_wait3A_154, %dma_wait3A_155] : memref<400x8xf32, #tpu.memory_space<vmem>> -> memref<80x8xf32, #tpu.memory_space<vmem>>
      %dma_wait3A_157 = tpu.memref_slice %arg9[%add3A_68] : memref<10000xi32, #tpu.memory_space<vmem>> -> memref<80xi32, #tpu.memory_space<vmem>>
      %dma_wait3A_158 = arith.constant 0 : i32
      %dma_wait3A_159 = arith.constant 0 : i32
      %dma_wait3A_160 = tpu.memref_slice %arg4[%dma_wait3A_158, %dma_wait3A_159] : memref<10000x8xf32, #tpu.memory_space<hbm>> -> memref<10000x8xf32, #tpu.memory_space<hbm>>
      tpu.wait_indirect_dma semaphore(%arg12 : memref<!tpu.dma_semaphore, #tpu.memory_space<semaphore_mem>>) src(%dma_wait3A_160 : memref<10000x8xf32, #tpu.memory_space<hbm>>) dst(%dma_wait3A_156 : memref<80x8xf32, #tpu.memory_space<vmem>>)
      %dma_wait3A_161 = arith.constant 240 : i32
      %dma_wait3A_162 = arith.constant 0 : i32
      %dma_wait3A_163 = tpu.memref_slice %arg10[%dma_wait3A_161, %dma_wait3A_162] : memref<400x208xf32, #tpu.memory_space<vmem>> -> memref<80x208xf32, #tpu.memory_space<vmem>>
      %dma_wait3A_164 = tpu.memref_slice %arg8[%add3A_79] : memref<10000xi32, #tpu.memory_space<vmem>> -> memref<80xi32, #tpu.memory_space<vmem>>
      %dma_wait3A_165 = arith.constant 0 : i32
      %dma_wait3A_166 = arith.constant 0 : i32
      %dma_wait3A_167 = tpu.memref_slice %arg2[%dma_wait3A_165, %dma_wait3A_166] : memref<10000x208xf32, #tpu.memory_space<hbm>> -> memref<10000x208xf32, #tpu.memory_space<hbm>>
      tpu.wait_indirect_dma semaphore(%arg12 : memref<!tpu.dma_semaphore, #tpu.memory_space<semaphore_mem>>) src(%dma_wait3A_167 : memref<10000x208xf32, #tpu.memory_space<hbm>>) dst(%dma_wait3A_163 : memref<80x208xf32, #tpu.memory_space<vmem>>)
      %dma_wait3A_168 = arith.constant 240 : i32
      %dma_wait3A_169 = arith.constant 0 : i32
      %dma_wait3A_170 = tpu.memref_slice %arg11[%dma_wait3A_168, %dma_wait3A_169] : memref<400x8xf32, #tpu.memory_space<vmem>> -> memref<80x8xf32, #tpu.memory_space<vmem>>
      %dma_wait3A_171 = tpu.memref_slice %arg9[%add3A_90] : memref<10000xi32, #tpu.memory_space<vmem>> -> memref<80xi32, #tpu.memory_space<vmem>>
      %dma_wait3A_172 = arith.constant 0 : i32
      %dma_wait3A_173 = arith.constant 0 : i32
      %dma_wait3A_174 = tpu.memref_slice %arg4[%dma_wait3A_172, %dma_wait3A_173] : memref<10000x8xf32, #tpu.memory_space<hbm>> -> memref<10000x8xf32, #tpu.memory_space<hbm>>
      tpu.wait_indirect_dma semaphore(%arg12 : memref<!tpu.dma_semaphore, #tpu.memory_space<semaphore_mem>>) src(%dma_wait3A_174 : memref<10000x8xf32, #tpu.memory_space<hbm>>) dst(%dma_wait3A_170 : memref<80x8xf32, #tpu.memory_space<vmem>>)
      %dma_wait3A_175 = arith.constant 320 : i32
      %dma_wait3A_176 = arith.constant 0 : i32
      %dma_wait3A_177 = tpu.memref_slice %arg10[%dma_wait3A_175, %dma_wait3A_176] : memref<400x208xf32, #tpu.memory_space<vmem>> -> memref<80x208xf32, #tpu.memory_space<vmem>>
      %dma_wait3A_178 = tpu.memref_slice %arg8[%add3A_101] : memref<10000xi32, #tpu.memory_space<vmem>> -> memref<80xi32, #tpu.memory_space<vmem>>
      %dma_wait3A_179 = arith.constant 0 : i32
      %dma_wait3A_180 = arith.constant 0 : i32
      %dma_wait3A_181 = tpu.memref_slice %arg2[%dma_wait3A_179, %dma_wait3A_180] : memref<10000x208xf32, #tpu.memory_space<hbm>> -> memref<10000x208xf32, #tpu.memory_space<hbm>>
      tpu.wait_indirect_dma semaphore(%arg12 : memref<!tpu.dma_semaphore, #tpu.memory_space<semaphore_mem>>) src(%dma_wait3A_181 : memref<10000x208xf32, #tpu.memory_space<hbm>>) dst(%dma_wait3A_177 : memref<80x208xf32, #tpu.memory_space<vmem>>)
      %dma_wait3A_182 = arith.constant 320 : i32
      %dma_wait3A_183 = arith.constant 0 : i32
      %dma_wait3A_184 = tpu.memref_slice %arg11[%dma_wait3A_182, %dma_wait3A_183] : memref<400x8xf32, #tpu.memory_space<vmem>> -> memref<80x8xf32, #tpu.memory_space<vmem>>
      %dma_wait3A_185 = tpu.memref_slice %arg9[%add3A_112] : memref<10000xi32, #tpu.memory_space<vmem>> -> memref<80xi32, #tpu.memory_space<vmem>>
      %dma_wait3A_186 = arith.constant 0 : i32
      %dma_wait3A_187 = arith.constant 0 : i32
      %dma_wait3A_188 = tpu.memref_slice %arg4[%dma_wait3A_186, %dma_wait3A_187] : memref<10000x8xf32, #tpu.memory_space<hbm>> -> memref<10000x8xf32, #tpu.memory_space<hbm>>
      tpu.wait_indirect_dma semaphore(%arg12 : memref<!tpu.dma_semaphore, #tpu.memory_space<semaphore_mem>>) src(%dma_wait3A_188 : memref<10000x8xf32, #tpu.memory_space<hbm>>) dst(%dma_wait3A_184 : memref<80x8xf32, #tpu.memory_space<vmem>>)
      %mul3A_189 = arith.constant 10000 : i32
      %mul3A_190 = arith.muli %add3A, %mul3A_189 : i32
      %mul3A_191 = arith.constant 400 : i32
      %mul3A_192 = arith.muli %scan3A_10, %mul3A_191 : i32
      %add3A_193 = arith.addi %mul3A_190, %mul3A_192 : i32
      "tpu.region"() ({
        %run_scoped3A = tpu.sem_alloc : memref<!tpu.dma_semaphore, #tpu.memory_space<semaphore_mem>>
        %dma_start3A_199 = arith.constant 0 : i32
        %dma_start3A_200 = tpu.memref_slice %arg6[%add3A_193, %dma_start3A_199] : memref<320000x208xf32, #tpu.memory_space<hbm>> -> memref<400x208xf32, #tpu.memory_space<hbm>>
        %dma_start3A_201 = arith.constant 0 : i32
        %dma_start3A_202 = tpu.memref_slice %arg6[%add3A_193, %dma_start3A_201] : memref<320000x208xf32, #tpu.memory_space<hbm>> -> memref<400x208xf32, #tpu.memory_space<hbm>>
        tpu.enqueue_dma source(%arg10 : memref<400x208xf32, #tpu.memory_space<vmem>>) target(%dma_start3A_202 : memref<400x208xf32, #tpu.memory_space<hbm>>) target_semaphore(%run_scoped3A : memref<!tpu.dma_semaphore, #tpu.memory_space<semaphore_mem>>)
        %dma_wait3A_203 = arith.constant 0 : i32
        %dma_wait3A_204 = tpu.memref_slice %arg6[%add3A_193, %dma_wait3A_203] : memref<320000x208xf32, #tpu.memory_space<hbm>> -> memref<400x208xf32, #tpu.memory_space<hbm>>
        %dma_wait3A_205 = arith.constant 0 : i32
        %dma_wait3A_206 = tpu.memref_slice %arg6[%add3A_193, %dma_wait3A_205] : memref<320000x208xf32, #tpu.memory_space<hbm>> -> memref<400x208xf32, #tpu.memory_space<hbm>>
        tpu.wait_dma2 semaphore(%run_scoped3A : memref<!tpu.dma_semaphore, #tpu.memory_space<semaphore_mem>>) src(%arg10 : memref<400x208xf32, #tpu.memory_space<vmem>>) dst(%dma_wait3A_206 : memref<400x208xf32, #tpu.memory_space<hbm>>)
        tpu.yield
      }) : () -> ()
      %mul3A_194 = arith.constant 10000 : i32
      %mul3A_195 = arith.muli %add3A, %mul3A_194 : i32
      %mul3A_196 = arith.constant 400 : i32
      %mul3A_197 = arith.muli %scan3A_10, %mul3A_196 : i32
      %add3A_198 = arith.addi %mul3A_195, %mul3A_197 : i32
      "tpu.region"() ({
        %run_scoped3A = tpu.sem_alloc : memref<!tpu.dma_semaphore, #tpu.memory_space<semaphore_mem>>
        %dma_start3A_199 = arith.constant 0 : i32
        %dma_start3A_200 = tpu.memref_slice %arg7[%add3A_198, %dma_start3A_199] : memref<320000x8xf32, #tpu.memory_space<hbm>> -> memref<400x8xf32, #tpu.memory_space<hbm>>
        %dma_start3A_201 = arith.constant 0 : i32
        %dma_start3A_202 = tpu.memref_slice %arg7[%add3A_198, %dma_start3A_201] : memref<320000x8xf32, #tpu.memory_space<hbm>> -> memref<400x8xf32, #tpu.memory_space<hbm>>
        tpu.enqueue_dma source(%arg11 : memref<400x8xf32, #tpu.memory_space<vmem>>) target(%dma_start3A_202 : memref<400x8xf32, #tpu.memory_space<hbm>>) target_semaphore(%run_scoped3A : memref<!tpu.dma_semaphore, #tpu.memory_space<semaphore_mem>>)
        %dma_wait3A_203 = arith.constant 0 : i32
        %dma_wait3A_204 = tpu.memref_slice %arg7[%add3A_198, %dma_wait3A_203] : memref<320000x8xf32, #tpu.memory_space<hbm>> -> memref<400x8xf32, #tpu.memory_space<hbm>>
        %dma_wait3A_205 = arith.constant 0 : i32
        %dma_wait3A_206 = tpu.memref_slice %arg7[%add3A_198, %dma_wait3A_205] : memref<320000x8xf32, #tpu.memory_space<hbm>> -> memref<400x8xf32, #tpu.memory_space<hbm>>
        tpu.wait_dma2 semaphore(%run_scoped3A : memref<!tpu.dma_semaphore, #tpu.memory_space<semaphore_mem>>) src(%arg11 : memref<400x8xf32, #tpu.memory_space<vmem>>) dst(%dma_wait3A_206 : memref<400x8xf32, #tpu.memory_space<hbm>>)
        tpu.yield
      }) : () -> ()
    }
    %scan3A_9 = arith.constant 25 : i32
    return
  }
}

#map = affine_map<(d0, d1) -> (0, 0)>
#map1 = affine_map<(d0, d1) -> (0)>
module attributes {stable_mosaic.version = 14 : i64} {
  func.func @gk(%arg0: i32, %arg1: i32, %arg2: memref<10000x200xf32, #tpu.memory_space<hbm>>, %arg3: memref<320000xi32, #tpu.memory_space<hbm>>, %arg4: memref<10000x8xf32, #tpu.memory_space<hbm>>, %arg5: memref<320000xi32, #tpu.memory_space<hbm>>, %arg6: memref<320000x200xf32, #tpu.memory_space<hbm>>, %arg7: memref<320000x8xf32, #tpu.memory_space<hbm>>, %arg8: memref<10000xi32, #tpu.memory_space<vmem>>, %arg9: memref<10000xi32, #tpu.memory_space<vmem>>, %arg10: memref<400x200xf32, #tpu.memory_space<vmem>>, %arg11: memref<400x8xf32, #tpu.memory_space<vmem>>, %arg12: memref<!tpu.dma_semaphore, #tpu.memory_space<semaphore_mem>>) attributes {dimension_semantics = [#tpu.dimension_semantics<core_parallel>, #tpu.dimension_semantics<subcore_parallel>], iteration_bounds = array<i64: 2, 16>, scalar_prefetch = 0 : i64, scratch_operands = 5 : i64, tpu.core_type = #tpu.core_type<sc_vector_subcore>, window_params = [{transform_indices = #map}, {transform_indices = #map1}, {transform_indices = #map}, {transform_indices = #map1}, {transform_indices = #map}, {transform_indices = #map}]} {
    %mul3A = arith.constant 2 : i32
    %mul3A_0 = arith.muli %arg1, %mul3A : i32
    %add3A = arith.addi %mul3A_0, %arg0 : i32
    %mul3A_1 = arith.constant 10000 : i32
    %mul3A_2 = arith.muli %add3A, %mul3A_1 : i32
    "tpu.region"() ({
      %run_scoped3A = tpu.sem_alloc : memref<!tpu.dma_semaphore, #tpu.memory_space<semaphore_mem>>
      %dma_start3A = tpu.memref_slice %arg3[%mul3A_2] : memref<320000xi32, #tpu.memory_space<hbm>> -> memref<10000xi32, #tpu.memory_space<hbm>>
      %dma_start3A_10 = tpu.memref_slice %arg3[%mul3A_2] : memref<320000xi32, #tpu.memory_space<hbm>> -> memref<10000xi32, #tpu.memory_space<hbm>>
      tpu.enqueue_dma source(%dma_start3A_10 : memref<10000xi32, #tpu.memory_space<hbm>>) target(%arg8 : memref<10000xi32, #tpu.memory_space<vmem>>) target_semaphore(%run_scoped3A : memref<!tpu.dma_semaphore, #tpu.memory_space<semaphore_mem>>)
      %dma_wait3A = tpu.memref_slice %arg3[%mul3A_2] : memref<320000xi32, #tpu.memory_space<hbm>> -> memref<10000xi32, #tpu.memory_space<hbm>>
      %dma_wait3A_11 = tpu.memref_slice %arg3[%mul3A_2] : memref<320000xi32, #tpu.memory_space<hbm>> -> memref<10000xi32, #tpu.memory_space<hbm>>
      tpu.wait_dma2 semaphore(%run_scoped3A : memref<!tpu.dma_semaphore, #tpu.memory_space<semaphore_mem>>) src(%dma_wait3A_11 : memref<10000xi32, #tpu.memory_space<hbm>>) dst(%arg8 : memref<10000xi32, #tpu.memory_space<vmem>>)
      tpu.yield
    }) : () -> ()
    %mul3A_3 = arith.constant 10000 : i32
    %mul3A_4 = arith.muli %add3A, %mul3A_3 : i32
    "tpu.region"() ({
      %run_scoped3A = tpu.sem_alloc : memref<!tpu.dma_semaphore, #tpu.memory_space<semaphore_mem>>
      %dma_start3A = tpu.memref_slice %arg5[%mul3A_4] : memref<320000xi32, #tpu.memory_space<hbm>> -> memref<10000xi32, #tpu.memory_space<hbm>>
      %dma_start3A_10 = tpu.memref_slice %arg5[%mul3A_4] : memref<320000xi32, #tpu.memory_space<hbm>> -> memref<10000xi32, #tpu.memory_space<hbm>>
      tpu.enqueue_dma source(%dma_start3A_10 : memref<10000xi32, #tpu.memory_space<hbm>>) target(%arg9 : memref<10000xi32, #tpu.memory_space<vmem>>) target_semaphore(%run_scoped3A : memref<!tpu.dma_semaphore, #tpu.memory_space<semaphore_mem>>)
      %dma_wait3A = tpu.memref_slice %arg5[%mul3A_4] : memref<320000xi32, #tpu.memory_space<hbm>> -> memref<10000xi32, #tpu.memory_space<hbm>>
      %dma_wait3A_11 = tpu.memref_slice %arg5[%mul3A_4] : memref<320000xi32, #tpu.memory_space<hbm>> -> memref<10000xi32, #tpu.memory_space<hbm>>
      tpu.wait_dma2 semaphore(%run_scoped3A : memref<!tpu.dma_semaphore, #tpu.memory_space<semaphore_mem>>) src(%dma_wait3A_11 : memref<10000xi32, #tpu.memory_space<hbm>>) dst(%arg9 : memref<10000xi32, #tpu.memory_space<vmem>>)
      tpu.yield
    }) : () -> ()
    %scan3A = arith.constant 0 : i32
    %scan3A_5 = arith.constant 0 : i32
    %scan3A_6 = arith.constant 25 : i32
    %scan3A_7 = arith.addi %scan3A_5, %scan3A_6 : i32
    %scan3A_8 = arith.constant 1 : i32
    scf.for %scan3A_10 = %scan3A_5 to %scan3A_7 step %scan3A_8  : i32 {
      %mul3A_11 = arith.constant 400 : i32
      %mul3A_12 = arith.muli %scan3A_10, %mul3A_11 : i32
      %add3A_13 = arith.constant 0 : i32
      %add3A_14 = arith.addi %mul3A_12, %add3A_13 : i32
      %dma_start3A = arith.constant 0 : i32
      %dma_start3A_15 = arith.constant 0 : i32
      %dma_start3A_16 = tpu.memref_slice %arg10[%dma_start3A, %dma_start3A_15] : memref<400x200xf32, #tpu.memory_space<vmem>> -> memref<80x200xf32, #tpu.memory_space<vmem>>
      %dma_start3A_17 = tpu.memref_slice %arg8[%add3A_14] : memref<10000xi32, #tpu.memory_space<vmem>> -> memref<80xi32, #tpu.memory_space<vmem>>
      %dma_start3A_18 = arith.constant 0 : i32
      %dma_start3A_19 = arith.constant 0 : i32
      %dma_start3A_20 = tpu.memref_slice %arg2[%dma_start3A_18, %dma_start3A_19] : memref<10000x200xf32, #tpu.memory_space<hbm>> -> memref<10000x200xf32, #tpu.memory_space<hbm>>
      tpu.enqueue_indirect_dma source(%dma_start3A_20 : memref<10000x200xf32, #tpu.memory_space<hbm>>) target(%dma_start3A_16 : memref<80x200xf32, #tpu.memory_space<vmem>>) offsets(%dma_start3A_17 : memref<80xi32, #tpu.memory_space<vmem>>) semaphore(%arg12 : memref<!tpu.dma_semaphore, #tpu.memory_space<semaphore_mem>>)
      %mul3A_21 = arith.constant 400 : i32
      %mul3A_22 = arith.muli %scan3A_10, %mul3A_21 : i32
      %add3A_23 = arith.constant 0 : i32
      %add3A_24 = arith.addi %mul3A_22, %add3A_23 : i32
      %dma_start3A_25 = arith.constant 0 : i32
      %dma_start3A_26 = arith.constant 0 : i32
      %dma_start3A_27 = tpu.memref_slice %arg11[%dma_start3A_25, %dma_start3A_26] : memref<400x8xf32, #tpu.memory_space<vmem>> -> memref<80x8xf32, #tpu.memory_space<vmem>>
      %dma_start3A_28 = tpu.memref_slice %arg9[%add3A_24] : memref<10000xi32, #tpu.memory_space<vmem>> -> memref<80xi32, #tpu.memory_space<vmem>>
      %dma_start3A_29 = arith.constant 0 : i32
      %dma_start3A_30 = arith.constant 0 : i32
      %dma_start3A_31 = tpu.memref_slice %arg4[%dma_start3A_29, %dma_start3A_30] : memref<10000x8xf32, #tpu.memory_space<hbm>> -> memref<10000x8xf32, #tpu.memory_space<hbm>>
      tpu.enqueue_indirect_dma source(%dma_start3A_31 : memref<10000x8xf32, #tpu.memory_space<hbm>>) target(%dma_start3A_27 : memref<80x8xf32, #tpu.memory_space<vmem>>) offsets(%dma_start3A_28 : memref<80xi32, #tpu.memory_space<vmem>>) semaphore(%arg12 : memref<!tpu.dma_semaphore, #tpu.memory_space<semaphore_mem>>)
      %mul3A_32 = arith.constant 400 : i32
      %mul3A_33 = arith.muli %scan3A_10, %mul3A_32 : i32
      %add3A_34 = arith.constant 80 : i32
      %add3A_35 = arith.addi %mul3A_33, %add3A_34 : i32
      %dma_start3A_36 = arith.constant 80 : i32
      %dma_start3A_37 = arith.constant 0 : i32
      %dma_start3A_38 = tpu.memref_slice %arg10[%dma_start3A_36, %dma_start3A_37] : memref<400x200xf32, #tpu.memory_space<vmem>> -> memref<80x200xf32, #tpu.memory_space<vmem>>
      %dma_start3A_39 = tpu.memref_slice %arg8[%add3A_35] : memref<10000xi32, #tpu.memory_space<vmem>> -> memref<80xi32, #tpu.memory_space<vmem>>
      %dma_start3A_40 = arith.constant 0 : i32
      %dma_start3A_41 = arith.constant 0 : i32
      %dma_start3A_42 = tpu.memref_slice %arg2[%dma_start3A_40, %dma_start3A_41] : memref<10000x200xf32, #tpu.memory_space<hbm>> -> memref<10000x200xf32, #tpu.memory_space<hbm>>
      tpu.enqueue_indirect_dma source(%dma_start3A_42 : memref<10000x200xf32, #tpu.memory_space<hbm>>) target(%dma_start3A_38 : memref<80x200xf32, #tpu.memory_space<vmem>>) offsets(%dma_start3A_39 : memref<80xi32, #tpu.memory_space<vmem>>) semaphore(%arg12 : memref<!tpu.dma_semaphore, #tpu.memory_space<semaphore_mem>>)
      %mul3A_43 = arith.constant 400 : i32
      %mul3A_44 = arith.muli %scan3A_10, %mul3A_43 : i32
      %add3A_45 = arith.constant 80 : i32
      %add3A_46 = arith.addi %mul3A_44, %add3A_45 : i32
      %dma_start3A_47 = arith.constant 80 : i32
      %dma_start3A_48 = arith.constant 0 : i32
      %dma_start3A_49 = tpu.memref_slice %arg11[%dma_start3A_47, %dma_start3A_48] : memref<400x8xf32, #tpu.memory_space<vmem>> -> memref<80x8xf32, #tpu.memory_space<vmem>>
      %dma_start3A_50 = tpu.memref_slice %arg9[%add3A_46] : memref<10000xi32, #tpu.memory_space<vmem>> -> memref<80xi32, #tpu.memory_space<vmem>>
      %dma_start3A_51 = arith.constant 0 : i32
      %dma_start3A_52 = arith.constant 0 : i32
      %dma_start3A_53 = tpu.memref_slice %arg4[%dma_start3A_51, %dma_start3A_52] : memref<10000x8xf32, #tpu.memory_space<hbm>> -> memref<10000x8xf32, #tpu.memory_space<hbm>>
      tpu.enqueue_indirect_dma source(%dma_start3A_53 : memref<10000x8xf32, #tpu.memory_space<hbm>>) target(%dma_start3A_49 : memref<80x8xf32, #tpu.memory_space<vmem>>) offsets(%dma_start3A_50 : memref<80xi32, #tpu.memory_space<vmem>>) semaphore(%arg12 : memref<!tpu.dma_semaphore, #tpu.memory_space<semaphore_mem>>)
      %mul3A_54 = arith.constant 400 : i32
      %mul3A_55 = arith.muli %scan3A_10, %mul3A_54 : i32
      %add3A_56 = arith.constant 160 : i32
      %add3A_57 = arith.addi %mul3A_55, %add3A_56 : i32
      %dma_start3A_58 = arith.constant 160 : i32
      %dma_start3A_59 = arith.constant 0 : i32
      %dma_start3A_60 = tpu.memref_slice %arg10[%dma_start3A_58, %dma_start3A_59] : memref<400x200xf32, #tpu.memory_space<vmem>> -> memref<80x200xf32, #tpu.memory_space<vmem>>
      %dma_start3A_61 = tpu.memref_slice %arg8[%add3A_57] : memref<10000xi32, #tpu.memory_space<vmem>> -> memref<80xi32, #tpu.memory_space<vmem>>
      %dma_start3A_62 = arith.constant 0 : i32
      %dma_start3A_63 = arith.constant 0 : i32
      %dma_start3A_64 = tpu.memref_slice %arg2[%dma_start3A_62, %dma_start3A_63] : memref<10000x200xf32, #tpu.memory_space<hbm>> -> memref<10000x200xf32, #tpu.memory_space<hbm>>
      tpu.enqueue_indirect_dma source(%dma_start3A_64 : memref<10000x200xf32, #tpu.memory_space<hbm>>) target(%dma_start3A_60 : memref<80x200xf32, #tpu.memory_space<vmem>>) offsets(%dma_start3A_61 : memref<80xi32, #tpu.memory_space<vmem>>) semaphore(%arg12 : memref<!tpu.dma_semaphore, #tpu.memory_space<semaphore_mem>>)
      %mul3A_65 = arith.constant 400 : i32
      %mul3A_66 = arith.muli %scan3A_10, %mul3A_65 : i32
      %add3A_67 = arith.constant 160 : i32
      %add3A_68 = arith.addi %mul3A_66, %add3A_67 : i32
      %dma_start3A_69 = arith.constant 160 : i32
      %dma_start3A_70 = arith.constant 0 : i32
      %dma_start3A_71 = tpu.memref_slice %arg11[%dma_start3A_69, %dma_start3A_70] : memref<400x8xf32, #tpu.memory_space<vmem>> -> memref<80x8xf32, #tpu.memory_space<vmem>>
      %dma_start3A_72 = tpu.memref_slice %arg9[%add3A_68] : memref<10000xi32, #tpu.memory_space<vmem>> -> memref<80xi32, #tpu.memory_space<vmem>>
      %dma_start3A_73 = arith.constant 0 : i32
      %dma_start3A_74 = arith.constant 0 : i32
      %dma_start3A_75 = tpu.memref_slice %arg4[%dma_start3A_73, %dma_start3A_74] : memref<10000x8xf32, #tpu.memory_space<hbm>> -> memref<10000x8xf32, #tpu.memory_space<hbm>>
      tpu.enqueue_indirect_dma source(%dma_start3A_75 : memref<10000x8xf32, #tpu.memory_space<hbm>>) target(%dma_start3A_71 : memref<80x8xf32, #tpu.memory_space<vmem>>) offsets(%dma_start3A_72 : memref<80xi32, #tpu.memory_space<vmem>>) semaphore(%arg12 : memref<!tpu.dma_semaphore, #tpu.memory_space<semaphore_mem>>)
      %mul3A_76 = arith.constant 400 : i32
      %mul3A_77 = arith.muli %scan3A_10, %mul3A_76 : i32
      %add3A_78 = arith.constant 240 : i32
      %add3A_79 = arith.addi %mul3A_77, %add3A_78 : i32
      %dma_start3A_80 = arith.constant 240 : i32
      %dma_start3A_81 = arith.constant 0 : i32
      %dma_start3A_82 = tpu.memref_slice %arg10[%dma_start3A_80, %dma_start3A_81] : memref<400x200xf32, #tpu.memory_space<vmem>> -> memref<80x200xf32, #tpu.memory_space<vmem>>
      %dma_start3A_83 = tpu.memref_slice %arg8[%add3A_79] : memref<10000xi32, #tpu.memory_space<vmem>> -> memref<80xi32, #tpu.memory_space<vmem>>
      %dma_start3A_84 = arith.constant 0 : i32
      %dma_start3A_85 = arith.constant 0 : i32
      %dma_start3A_86 = tpu.memref_slice %arg2[%dma_start3A_84, %dma_start3A_85] : memref<10000x200xf32, #tpu.memory_space<hbm>> -> memref<10000x200xf32, #tpu.memory_space<hbm>>
      tpu.enqueue_indirect_dma source(%dma_start3A_86 : memref<10000x200xf32, #tpu.memory_space<hbm>>) target(%dma_start3A_82 : memref<80x200xf32, #tpu.memory_space<vmem>>) offsets(%dma_start3A_83 : memref<80xi32, #tpu.memory_space<vmem>>) semaphore(%arg12 : memref<!tpu.dma_semaphore, #tpu.memory_space<semaphore_mem>>)
      %mul3A_87 = arith.constant 400 : i32
      %mul3A_88 = arith.muli %scan3A_10, %mul3A_87 : i32
      %add3A_89 = arith.constant 240 : i32
      %add3A_90 = arith.addi %mul3A_88, %add3A_89 : i32
      %dma_start3A_91 = arith.constant 240 : i32
      %dma_start3A_92 = arith.constant 0 : i32
      %dma_start3A_93 = tpu.memref_slice %arg11[%dma_start3A_91, %dma_start3A_92] : memref<400x8xf32, #tpu.memory_space<vmem>> -> memref<80x8xf32, #tpu.memory_space<vmem>>
      %dma_start3A_94 = tpu.memref_slice %arg9[%add3A_90] : memref<10000xi32, #tpu.memory_space<vmem>> -> memref<80xi32, #tpu.memory_space<vmem>>
      %dma_start3A_95 = arith.constant 0 : i32
      %dma_start3A_96 = arith.constant 0 : i32
      %dma_start3A_97 = tpu.memref_slice %arg4[%dma_start3A_95, %dma_start3A_96] : memref<10000x8xf32, #tpu.memory_space<hbm>> -> memref<10000x8xf32, #tpu.memory_space<hbm>>
      tpu.enqueue_indirect_dma source(%dma_start3A_97 : memref<10000x8xf32, #tpu.memory_space<hbm>>) target(%dma_start3A_93 : memref<80x8xf32, #tpu.memory_space<vmem>>) offsets(%dma_start3A_94 : memref<80xi32, #tpu.memory_space<vmem>>) semaphore(%arg12 : memref<!tpu.dma_semaphore, #tpu.memory_space<semaphore_mem>>)
      %mul3A_98 = arith.constant 400 : i32
      %mul3A_99 = arith.muli %scan3A_10, %mul3A_98 : i32
      %add3A_100 = arith.constant 320 : i32
      %add3A_101 = arith.addi %mul3A_99, %add3A_100 : i32
      %dma_start3A_102 = arith.constant 320 : i32
      %dma_start3A_103 = arith.constant 0 : i32
      %dma_start3A_104 = tpu.memref_slice %arg10[%dma_start3A_102, %dma_start3A_103] : memref<400x200xf32, #tpu.memory_space<vmem>> -> memref<80x200xf32, #tpu.memory_space<vmem>>
      %dma_start3A_105 = tpu.memref_slice %arg8[%add3A_101] : memref<10000xi32, #tpu.memory_space<vmem>> -> memref<80xi32, #tpu.memory_space<vmem>>
      %dma_start3A_106 = arith.constant 0 : i32
      %dma_start3A_107 = arith.constant 0 : i32
      %dma_start3A_108 = tpu.memref_slice %arg2[%dma_start3A_106, %dma_start3A_107] : memref<10000x200xf32, #tpu.memory_space<hbm>> -> memref<10000x200xf32, #tpu.memory_space<hbm>>
      tpu.enqueue_indirect_dma source(%dma_start3A_108 : memref<10000x200xf32, #tpu.memory_space<hbm>>) target(%dma_start3A_104 : memref<80x200xf32, #tpu.memory_space<vmem>>) offsets(%dma_start3A_105 : memref<80xi32, #tpu.memory_space<vmem>>) semaphore(%arg12 : memref<!tpu.dma_semaphore, #tpu.memory_space<semaphore_mem>>)
      %mul3A_109 = arith.constant 400 : i32
      %mul3A_110 = arith.muli %scan3A_10, %mul3A_109 : i32
      %add3A_111 = arith.constant 320 : i32
      %add3A_112 = arith.addi %mul3A_110, %add3A_111 : i32
      %dma_start3A_113 = arith.constant 320 : i32
      %dma_start3A_114 = arith.constant 0 : i32
      %dma_start3A_115 = tpu.memref_slice %arg11[%dma_start3A_113, %dma_start3A_114] : memref<400x8xf32, #tpu.memory_space<vmem>> -> memref<80x8xf32, #tpu.memory_space<vmem>>
      %dma_start3A_116 = tpu.memref_slice %arg9[%add3A_112] : memref<10000xi32, #tpu.memory_space<vmem>> -> memref<80xi32, #tpu.memory_space<vmem>>
      %dma_start3A_117 = arith.constant 0 : i32
      %dma_start3A_118 = arith.constant 0 : i32
      %dma_start3A_119 = tpu.memref_slice %arg4[%dma_start3A_117, %dma_start3A_118] : memref<10000x8xf32, #tpu.memory_space<hbm>> -> memref<10000x8xf32, #tpu.memory_space<hbm>>
      tpu.enqueue_indirect_dma source(%dma_start3A_119 : memref<10000x8xf32, #tpu.memory_space<hbm>>) target(%dma_start3A_115 : memref<80x8xf32, #tpu.memory_space<vmem>>) offsets(%dma_start3A_116 : memref<80xi32, #tpu.memory_space<vmem>>) semaphore(%arg12 : memref<!tpu.dma_semaphore, #tpu.memory_space<semaphore_mem>>)
      %dma_wait3A = arith.constant 0 : i32
      %dma_wait3A_120 = arith.constant 0 : i32
      %dma_wait3A_121 = tpu.memref_slice %arg10[%dma_wait3A, %dma_wait3A_120] : memref<400x200xf32, #tpu.memory_space<vmem>> -> memref<80x200xf32, #tpu.memory_space<vmem>>
      %dma_wait3A_122 = tpu.memref_slice %arg8[%add3A_14] : memref<10000xi32, #tpu.memory_space<vmem>> -> memref<80xi32, #tpu.memory_space<vmem>>
      %dma_wait3A_123 = arith.constant 0 : i32
      %dma_wait3A_124 = arith.constant 0 : i32
      %dma_wait3A_125 = tpu.memref_slice %arg2[%dma_wait3A_123, %dma_wait3A_124] : memref<10000x200xf32, #tpu.memory_space<hbm>> -> memref<10000x200xf32, #tpu.memory_space<hbm>>
      tpu.wait_indirect_dma semaphore(%arg12 : memref<!tpu.dma_semaphore, #tpu.memory_space<semaphore_mem>>) src(%dma_wait3A_125 : memref<10000x200xf32, #tpu.memory_space<hbm>>) dst(%dma_wait3A_121 : memref<80x200xf32, #tpu.memory_space<vmem>>)
      %dma_wait3A_126 = arith.constant 0 : i32
      %dma_wait3A_127 = arith.constant 0 : i32
      %dma_wait3A_128 = tpu.memref_slice %arg11[%dma_wait3A_126, %dma_wait3A_127] : memref<400x8xf32, #tpu.memory_space<vmem>> -> memref<80x8xf32, #tpu.memory_space<vmem>>
      %dma_wait3A_129 = tpu.memref_slice %arg9[%add3A_24] : memref<10000xi32, #tpu.memory_space<vmem>> -> memref<80xi32, #tpu.memory_space<vmem>>
      %dma_wait3A_130 = arith.constant 0 : i32
      %dma_wait3A_131 = arith.constant 0 : i32
      %dma_wait3A_132 = tpu.memref_slice %arg4[%dma_wait3A_130, %dma_wait3A_131] : memref<10000x8xf32, #tpu.memory_space<hbm>> -> memref<10000x8xf32, #tpu.memory_space<hbm>>
      tpu.wait_indirect_dma semaphore(%arg12 : memref<!tpu.dma_semaphore, #tpu.memory_space<semaphore_mem>>) src(%dma_wait3A_132 : memref<10000x8xf32, #tpu.memory_space<hbm>>) dst(%dma_wait3A_128 : memref<80x8xf32, #tpu.memory_space<vmem>>)
      %dma_wait3A_133 = arith.constant 80 : i32
      %dma_wait3A_134 = arith.constant 0 : i32
      %dma_wait3A_135 = tpu.memref_slice %arg10[%dma_wait3A_133, %dma_wait3A_134] : memref<400x200xf32, #tpu.memory_space<vmem>> -> memref<80x200xf32, #tpu.memory_space<vmem>>
      %dma_wait3A_136 = tpu.memref_slice %arg8[%add3A_35] : memref<10000xi32, #tpu.memory_space<vmem>> -> memref<80xi32, #tpu.memory_space<vmem>>
      %dma_wait3A_137 = arith.constant 0 : i32
      %dma_wait3A_138 = arith.constant 0 : i32
      %dma_wait3A_139 = tpu.memref_slice %arg2[%dma_wait3A_137, %dma_wait3A_138] : memref<10000x200xf32, #tpu.memory_space<hbm>> -> memref<10000x200xf32, #tpu.memory_space<hbm>>
      tpu.wait_indirect_dma semaphore(%arg12 : memref<!tpu.dma_semaphore, #tpu.memory_space<semaphore_mem>>) src(%dma_wait3A_139 : memref<10000x200xf32, #tpu.memory_space<hbm>>) dst(%dma_wait3A_135 : memref<80x200xf32, #tpu.memory_space<vmem>>)
      %dma_wait3A_140 = arith.constant 80 : i32
      %dma_wait3A_141 = arith.constant 0 : i32
      %dma_wait3A_142 = tpu.memref_slice %arg11[%dma_wait3A_140, %dma_wait3A_141] : memref<400x8xf32, #tpu.memory_space<vmem>> -> memref<80x8xf32, #tpu.memory_space<vmem>>
      %dma_wait3A_143 = tpu.memref_slice %arg9[%add3A_46] : memref<10000xi32, #tpu.memory_space<vmem>> -> memref<80xi32, #tpu.memory_space<vmem>>
      %dma_wait3A_144 = arith.constant 0 : i32
      %dma_wait3A_145 = arith.constant 0 : i32
      %dma_wait3A_146 = tpu.memref_slice %arg4[%dma_wait3A_144, %dma_wait3A_145] : memref<10000x8xf32, #tpu.memory_space<hbm>> -> memref<10000x8xf32, #tpu.memory_space<hbm>>
      tpu.wait_indirect_dma semaphore(%arg12 : memref<!tpu.dma_semaphore, #tpu.memory_space<semaphore_mem>>) src(%dma_wait3A_146 : memref<10000x8xf32, #tpu.memory_space<hbm>>) dst(%dma_wait3A_142 : memref<80x8xf32, #tpu.memory_space<vmem>>)
      %dma_wait3A_147 = arith.constant 160 : i32
      %dma_wait3A_148 = arith.constant 0 : i32
      %dma_wait3A_149 = tpu.memref_slice %arg10[%dma_wait3A_147, %dma_wait3A_148] : memref<400x200xf32, #tpu.memory_space<vmem>> -> memref<80x200xf32, #tpu.memory_space<vmem>>
      %dma_wait3A_150 = tpu.memref_slice %arg8[%add3A_57] : memref<10000xi32, #tpu.memory_space<vmem>> -> memref<80xi32, #tpu.memory_space<vmem>>
      %dma_wait3A_151 = arith.constant 0 : i32
      %dma_wait3A_152 = arith.constant 0 : i32
      %dma_wait3A_153 = tpu.memref_slice %arg2[%dma_wait3A_151, %dma_wait3A_152] : memref<10000x200xf32, #tpu.memory_space<hbm>> -> memref<10000x200xf32, #tpu.memory_space<hbm>>
      tpu.wait_indirect_dma semaphore(%arg12 : memref<!tpu.dma_semaphore, #tpu.memory_space<semaphore_mem>>) src(%dma_wait3A_153 : memref<10000x200xf32, #tpu.memory_space<hbm>>) dst(%dma_wait3A_149 : memref<80x200xf32, #tpu.memory_space<vmem>>)
      %dma_wait3A_154 = arith.constant 160 : i32
      %dma_wait3A_155 = arith.constant 0 : i32
      %dma_wait3A_156 = tpu.memref_slice %arg11[%dma_wait3A_154, %dma_wait3A_155] : memref<400x8xf32, #tpu.memory_space<vmem>> -> memref<80x8xf32, #tpu.memory_space<vmem>>
      %dma_wait3A_157 = tpu.memref_slice %arg9[%add3A_68] : memref<10000xi32, #tpu.memory_space<vmem>> -> memref<80xi32, #tpu.memory_space<vmem>>
      %dma_wait3A_158 = arith.constant 0 : i32
      %dma_wait3A_159 = arith.constant 0 : i32
      %dma_wait3A_160 = tpu.memref_slice %arg4[%dma_wait3A_158, %dma_wait3A_159] : memref<10000x8xf32, #tpu.memory_space<hbm>> -> memref<10000x8xf32, #tpu.memory_space<hbm>>
      tpu.wait_indirect_dma semaphore(%arg12 : memref<!tpu.dma_semaphore, #tpu.memory_space<semaphore_mem>>) src(%dma_wait3A_160 : memref<10000x8xf32, #tpu.memory_space<hbm>>) dst(%dma_wait3A_156 : memref<80x8xf32, #tpu.memory_space<vmem>>)
      %dma_wait3A_161 = arith.constant 240 : i32
      %dma_wait3A_162 = arith.constant 0 : i32
      %dma_wait3A_163 = tpu.memref_slice %arg10[%dma_wait3A_161, %dma_wait3A_162] : memref<400x200xf32, #tpu.memory_space<vmem>> -> memref<80x200xf32, #tpu.memory_space<vmem>>
      %dma_wait3A_164 = tpu.memref_slice %arg8[%add3A_79] : memref<10000xi32, #tpu.memory_space<vmem>> -> memref<80xi32, #tpu.memory_space<vmem>>
      %dma_wait3A_165 = arith.constant 0 : i32
      %dma_wait3A_166 = arith.constant 0 : i32
      %dma_wait3A_167 = tpu.memref_slice %arg2[%dma_wait3A_165, %dma_wait3A_166] : memref<10000x200xf32, #tpu.memory_space<hbm>> -> memref<10000x200xf32, #tpu.memory_space<hbm>>
      tpu.wait_indirect_dma semaphore(%arg12 : memref<!tpu.dma_semaphore, #tpu.memory_space<semaphore_mem>>) src(%dma_wait3A_167 : memref<10000x200xf32, #tpu.memory_space<hbm>>) dst(%dma_wait3A_163 : memref<80x200xf32, #tpu.memory_space<vmem>>)
      %dma_wait3A_168 = arith.constant 240 : i32
      %dma_wait3A_169 = arith.constant 0 : i32
      %dma_wait3A_170 = tpu.memref_slice %arg11[%dma_wait3A_168, %dma_wait3A_169] : memref<400x8xf32, #tpu.memory_space<vmem>> -> memref<80x8xf32, #tpu.memory_space<vmem>>
      %dma_wait3A_171 = tpu.memref_slice %arg9[%add3A_90] : memref<10000xi32, #tpu.memory_space<vmem>> -> memref<80xi32, #tpu.memory_space<vmem>>
      %dma_wait3A_172 = arith.constant 0 : i32
      %dma_wait3A_173 = arith.constant 0 : i32
      %dma_wait3A_174 = tpu.memref_slice %arg4[%dma_wait3A_172, %dma_wait3A_173] : memref<10000x8xf32, #tpu.memory_space<hbm>> -> memref<10000x8xf32, #tpu.memory_space<hbm>>
      tpu.wait_indirect_dma semaphore(%arg12 : memref<!tpu.dma_semaphore, #tpu.memory_space<semaphore_mem>>) src(%dma_wait3A_174 : memref<10000x8xf32, #tpu.memory_space<hbm>>) dst(%dma_wait3A_170 : memref<80x8xf32, #tpu.memory_space<vmem>>)
      %dma_wait3A_175 = arith.constant 320 : i32
      %dma_wait3A_176 = arith.constant 0 : i32
      %dma_wait3A_177 = tpu.memref_slice %arg10[%dma_wait3A_175, %dma_wait3A_176] : memref<400x200xf32, #tpu.memory_space<vmem>> -> memref<80x200xf32, #tpu.memory_space<vmem>>
      %dma_wait3A_178 = tpu.memref_slice %arg8[%add3A_101] : memref<10000xi32, #tpu.memory_space<vmem>> -> memref<80xi32, #tpu.memory_space<vmem>>
      %dma_wait3A_179 = arith.constant 0 : i32
      %dma_wait3A_180 = arith.constant 0 : i32
      %dma_wait3A_181 = tpu.memref_slice %arg2[%dma_wait3A_179, %dma_wait3A_180] : memref<10000x200xf32, #tpu.memory_space<hbm>> -> memref<10000x200xf32, #tpu.memory_space<hbm>>
      tpu.wait_indirect_dma semaphore(%arg12 : memref<!tpu.dma_semaphore, #tpu.memory_space<semaphore_mem>>) src(%dma_wait3A_181 : memref<10000x200xf32, #tpu.memory_space<hbm>>) dst(%dma_wait3A_177 : memref<80x200xf32, #tpu.memory_space<vmem>>)
      %dma_wait3A_182 = arith.constant 320 : i32
      %dma_wait3A_183 = arith.constant 0 : i32
      %dma_wait3A_184 = tpu.memref_slice %arg11[%dma_wait3A_182, %dma_wait3A_183] : memref<400x8xf32, #tpu.memory_space<vmem>> -> memref<80x8xf32, #tpu.memory_space<vmem>>
      %dma_wait3A_185 = tpu.memref_slice %arg9[%add3A_112] : memref<10000xi32, #tpu.memory_space<vmem>> -> memref<80xi32, #tpu.memory_space<vmem>>
      %dma_wait3A_186 = arith.constant 0 : i32
      %dma_wait3A_187 = arith.constant 0 : i32
      %dma_wait3A_188 = tpu.memref_slice %arg4[%dma_wait3A_186, %dma_wait3A_187] : memref<10000x8xf32, #tpu.memory_space<hbm>> -> memref<10000x8xf32, #tpu.memory_space<hbm>>
      tpu.wait_indirect_dma semaphore(%arg12 : memref<!tpu.dma_semaphore, #tpu.memory_space<semaphore_mem>>) src(%dma_wait3A_188 : memref<10000x8xf32, #tpu.memory_space<hbm>>) dst(%dma_wait3A_184 : memref<80x8xf32, #tpu.memory_space<vmem>>)
      %mul3A_189 = arith.constant 10000 : i32
      %mul3A_190 = arith.muli %add3A, %mul3A_189 : i32
      %mul3A_191 = arith.constant 400 : i32
      %mul3A_192 = arith.muli %scan3A_10, %mul3A_191 : i32
      %add3A_193 = arith.addi %mul3A_190, %mul3A_192 : i32
      "tpu.region"() ({
        %run_scoped3A = tpu.sem_alloc : memref<!tpu.dma_semaphore, #tpu.memory_space<semaphore_mem>>
        %dma_start3A_199 = arith.constant 0 : i32
        %dma_start3A_200 = tpu.memref_slice %arg6[%add3A_193, %dma_start3A_199] : memref<320000x200xf32, #tpu.memory_space<hbm>> -> memref<400x200xf32, #tpu.memory_space<hbm>>
        %dma_start3A_201 = arith.constant 0 : i32
        %dma_start3A_202 = tpu.memref_slice %arg6[%add3A_193, %dma_start3A_201] : memref<320000x200xf32, #tpu.memory_space<hbm>> -> memref<400x200xf32, #tpu.memory_space<hbm>>
        tpu.enqueue_dma source(%arg10 : memref<400x200xf32, #tpu.memory_space<vmem>>) target(%dma_start3A_202 : memref<400x200xf32, #tpu.memory_space<hbm>>) target_semaphore(%run_scoped3A : memref<!tpu.dma_semaphore, #tpu.memory_space<semaphore_mem>>)
        %dma_wait3A_203 = arith.constant 0 : i32
        %dma_wait3A_204 = tpu.memref_slice %arg6[%add3A_193, %dma_wait3A_203] : memref<320000x200xf32, #tpu.memory_space<hbm>> -> memref<400x200xf32, #tpu.memory_space<hbm>>
        %dma_wait3A_205 = arith.constant 0 : i32
        %dma_wait3A_206 = tpu.memref_slice %arg6[%add3A_193, %dma_wait3A_205] : memref<320000x200xf32, #tpu.memory_space<hbm>> -> memref<400x200xf32, #tpu.memory_space<hbm>>
        tpu.wait_dma2 semaphore(%run_scoped3A : memref<!tpu.dma_semaphore, #tpu.memory_space<semaphore_mem>>) src(%arg10 : memref<400x200xf32, #tpu.memory_space<vmem>>) dst(%dma_wait3A_206 : memref<400x200xf32, #tpu.memory_space<hbm>>)
        tpu.yield
      }) : () -> ()
      %mul3A_194 = arith.constant 10000 : i32
      %mul3A_195 = arith.muli %add3A, %mul3A_194 : i32
      %mul3A_196 = arith.constant 400 : i32
      %mul3A_197 = arith.muli %scan3A_10, %mul3A_196 : i32
      %add3A_198 = arith.addi %mul3A_195, %mul3A_197 : i32
      "tpu.region"() ({
        %run_scoped3A = tpu.sem_alloc : memref<!tpu.dma_semaphore, #tpu.memory_space<semaphore_mem>>
        %dma_start3A_199 = arith.constant 0 : i32
        %dma_start3A_200 = tpu.memref_slice %arg7[%add3A_198, %dma_start3A_199] : memref<320000x8xf32, #tpu.memory_space<hbm>> -> memref<400x8xf32, #tpu.memory_space<hbm>>
        %dma_start3A_201 = arith.constant 0 : i32
        %dma_start3A_202 = tpu.memref_slice %arg7[%add3A_198, %dma_start3A_201] : memref<320000x8xf32, #tpu.memory_space<hbm>> -> memref<400x8xf32, #tpu.memory_space<hbm>>
        tpu.enqueue_dma source(%arg11 : memref<400x8xf32, #tpu.memory_space<vmem>>) target(%dma_start3A_202 : memref<400x8xf32, #tpu.memory_space<hbm>>) target_semaphore(%run_scoped3A : memref<!tpu.dma_semaphore, #tpu.memory_space<semaphore_mem>>)
        %dma_wait3A_203 = arith.constant 0 : i32
        %dma_wait3A_204 = tpu.memref_slice %arg7[%add3A_198, %dma_wait3A_203] : memref<320000x8xf32, #tpu.memory_space<hbm>> -> memref<400x8xf32, #tpu.memory_space<hbm>>
        %dma_wait3A_205 = arith.constant 0 : i32
        %dma_wait3A_206 = tpu.memref_slice %arg7[%add3A_198, %dma_wait3A_205] : memref<320000x8xf32, #tpu.memory_space<hbm>> -> memref<400x8xf32, #tpu.memory_space<hbm>>
        tpu.wait_dma2 semaphore(%run_scoped3A : memref<!tpu.dma_semaphore, #tpu.memory_space<semaphore_mem>>) src(%arg11 : memref<400x8xf32, #tpu.memory_space<vmem>>) dst(%dma_wait3A_206 : memref<400x8xf32, #tpu.memory_space<hbm>>)
        tpu.yield
      }) : () -> ()
    }
    %scan3A_9 = arith.constant 25 : i32
    return
  }
}

#map = affine_map<(d0, d1) -> (0, 0)>
#map1 = affine_map<(d0, d1) -> (0)>
module attributes {stable_mosaic.version = 14 : i64} {
  func.func @sk(%arg0: i32, %arg1: i32, %arg2: memref<320000x208xf32, #tpu.memory_space<hbm>>, %arg3: memref<320000xi32, #tpu.memory_space<hbm>>, %arg4: memref<5008x208xf32, #tpu.memory_space<hbm>>, %arg5: memref<10000x208xf32, #tpu.memory_space<hbm>>, %arg6: memref<2x80xi32, #tpu.memory_space<vmem>>, %arg7: memref<2x80x208xf32, #tpu.memory_space<vmem>>, %arg8: memref<5008x208xf32, #tpu.memory_space<vmem_shared>>, %arg9: memref<!tpu.dma_semaphore, #tpu.memory_space<semaphore_mem>>, %arg10: memref<!tpu.dma_semaphore, #tpu.memory_space<semaphore_mem>>) attributes {dimension_semantics = [#tpu.dimension_semantics<core_parallel>, #tpu.dimension_semantics<subcore_parallel>], iteration_bounds = array<i64: 2, 16>, scalar_prefetch = 0 : i64, scratch_operands = 5 : i64, tpu.core_type = #tpu.core_type<sc_vector_subcore>, window_params = [{transform_indices = #map}, {transform_indices = #map1}, {transform_indices = #map}, {transform_indices = #map}]} {
    %mul3A = arith.constant 5000 : i32
    %mul3A_0 = arith.muli %arg0, %mul3A : i32
    %eq3A = arith.constant 0 : i32
    %eq3A_1 = arith.cmpi eq, %arg1, %eq3A : i32
    %convert_element_type3A = arith.extui %eq3A_1 : i1 to i32
    %cond3A = arith.constant 0 : i32
    %cond3A_2 = arith.cmpi ne, %convert_element_type3A, %cond3A : i32
    scf.if %cond3A_2 {
      "tpu.region"() ({
        %run_scoped3A = tpu.sem_alloc : memref<!tpu.dma_semaphore, #tpu.memory_space<semaphore_mem>>
        tpu.enqueue_dma source(%arg4 : memref<5008x208xf32, #tpu.memory_space<hbm>>) target(%arg8 : memref<5008x208xf32, #tpu.memory_space<vmem_shared>>) target_semaphore(%run_scoped3A : memref<!tpu.dma_semaphore, #tpu.memory_space<semaphore_mem>>)
        tpu.wait_dma2 semaphore(%run_scoped3A : memref<!tpu.dma_semaphore, #tpu.memory_space<semaphore_mem>>) src(%arg4 : memref<5008x208xf32, #tpu.memory_space<hbm>>) dst(%arg8 : memref<5008x208xf32, #tpu.memory_space<vmem_shared>>)
        tpu.yield
      }) : () -> ()
    } else {
    }
    %barrier3A = arith.constant 0 : index
    tpu.barrier barrier_id(%barrier3A)
    %scan3A = arith.constant 0 : i32
    %scan3A_3 = arith.constant 0 : i32
    %scan3A_4 = arith.constant 125 : i32
    %scan3A_5 = arith.addi %scan3A_3, %scan3A_4 : i32
    %scan3A_6 = arith.constant 1 : i32
    scf.for %scan3A_21 = %scan3A_3 to %scan3A_5 step %scan3A_6  : i32 {
      %mul3A_22 = arith.constant 2 : i32
      %mul3A_23 = arith.muli %scan3A_21, %mul3A_22 : i32
      %mul3A_24 = arith.constant 20000 : i32
      %mul3A_25 = arith.muli %arg1, %mul3A_24 : i32
      %mul3A_26 = arith.constant 80 : i32
      %mul3A_27 = arith.muli %mul3A_23, %mul3A_26 : i32
      %add3A_28 = arith.addi %mul3A_25, %mul3A_27 : i32
      %dma_start3A = arith.constant 0 : i32
      %dma_start3A_29 = arith.constant 0 : i32
      %dma_start3A_30 = tpu.memref_slice %arg6[%dma_start3A, %dma_start3A_29] : memref<2x80xi32, #tpu.memory_space<vmem>> -> memref<1x80xi32, #tpu.memory_space<vmem>>
      %dma_start3A_31 = tpu.memref_squeeze %dma_start3A_30 : memref<1x80xi32, #tpu.memory_space<vmem>> -> memref<80xi32, #tpu.memory_space<vmem>>
      %dma_start3A_32 = tpu.memref_slice %arg3[%add3A_28] : memref<320000xi32, #tpu.memory_space<hbm>> -> memref<80xi32, #tpu.memory_space<hbm>>
      %dma_start3A_33 = arith.constant 0 : i32
      %dma_start3A_34 = tpu.memref_slice %arg6[%dma_start3A, %dma_start3A_33] : memref<2x80xi32, #tpu.memory_space<vmem>> -> memref<1x80xi32, #tpu.memory_space<vmem>>
      %dma_start3A_35 = tpu.memref_squeeze %dma_start3A_34 : memref<1x80xi32, #tpu.memory_space<vmem>> -> memref<80xi32, #tpu.memory_space<vmem>>
      %dma_start3A_36 = tpu.memref_slice %arg3[%add3A_28] : memref<320000xi32, #tpu.memory_space<hbm>> -> memref<80xi32, #tpu.memory_space<hbm>>
      tpu.enqueue_dma source(%dma_start3A_36 : memref<80xi32, #tpu.memory_space<hbm>>) target(%dma_start3A_35 : memref<80xi32, #tpu.memory_space<vmem>>) target_semaphore(%arg9 : memref<!tpu.dma_semaphore, #tpu.memory_space<semaphore_mem>>)
      %dma_start3A_37 = arith.constant 0 : i32
      %dma_start3A_38 = arith.constant 0 : i32
      %dma_start3A_39 = arith.constant 0 : i32
      %dma_start3A_40 = tpu.memref_slice %arg7[%dma_start3A_37, %dma_start3A_38, %dma_start3A_39] : memref<2x80x208xf32, #tpu.memory_space<vmem>> -> memref<1x80x208xf32, #tpu.memory_space<vmem>>
      %dma_start3A_41 = tpu.memref_squeeze %dma_start3A_40 : memref<1x80x208xf32, #tpu.memory_space<vmem>> -> memref<80x208xf32, #tpu.memory_space<vmem>>
      %dma_start3A_42 = arith.constant 0 : i32
      %dma_start3A_43 = tpu.memref_slice %arg2[%add3A_28, %dma_start3A_42] : memref<320000x208xf32, #tpu.memory_space<hbm>> -> memref<80x208xf32, #tpu.memory_space<hbm>>
      %dma_start3A_44 = arith.constant 0 : i32
      %dma_start3A_45 = arith.constant 0 : i32
      %dma_start3A_46 = tpu.memref_slice %arg7[%dma_start3A_37, %dma_start3A_44, %dma_start3A_45] : memref<2x80x208xf32, #tpu.memory_space<vmem>> -> memref<1x80x208xf32, #tpu.memory_space<vmem>>
      %dma_start3A_47 = tpu.memref_squeeze %dma_start3A_46 : memref<1x80x208xf32, #tpu.memory_space<vmem>> -> memref<80x208xf32, #tpu.memory_space<vmem>>
      %dma_start3A_48 = arith.constant 0 : i32
      %dma_start3A_49 = tpu.memref_slice %arg2[%add3A_28, %dma_start3A_48] : memref<320000x208xf32, #tpu.memory_space<hbm>> -> memref<80x208xf32, #tpu.memory_space<hbm>>
      tpu.enqueue_dma source(%dma_start3A_49 : memref<80x208xf32, #tpu.memory_space<hbm>>) target(%dma_start3A_47 : memref<80x208xf32, #tpu.memory_space<vmem>>) target_semaphore(%arg9 : memref<!tpu.dma_semaphore, #tpu.memory_space<semaphore_mem>>)
      %add3A_50 = arith.constant 1 : i32
      %add3A_51 = arith.addi %mul3A_23, %add3A_50 : i32
      %mul3A_52 = arith.constant 20000 : i32
      %mul3A_53 = arith.muli %arg1, %mul3A_52 : i32
      %mul3A_54 = arith.constant 80 : i32
      %mul3A_55 = arith.muli %add3A_51, %mul3A_54 : i32
      %add3A_56 = arith.addi %mul3A_53, %mul3A_55 : i32
      %dma_start3A_57 = arith.constant 1 : i32
      %dma_start3A_58 = arith.constant 0 : i32
      %dma_start3A_59 = tpu.memref_slice %arg6[%dma_start3A_57, %dma_start3A_58] : memref<2x80xi32, #tpu.memory_space<vmem>> -> memref<1x80xi32, #tpu.memory_space<vmem>>
      %dma_start3A_60 = tpu.memref_squeeze %dma_start3A_59 : memref<1x80xi32, #tpu.memory_space<vmem>> -> memref<80xi32, #tpu.memory_space<vmem>>
      %dma_start3A_61 = tpu.memref_slice %arg3[%add3A_56] : memref<320000xi32, #tpu.memory_space<hbm>> -> memref<80xi32, #tpu.memory_space<hbm>>
      %dma_start3A_62 = arith.constant 0 : i32
      %dma_start3A_63 = tpu.memref_slice %arg6[%dma_start3A_57, %dma_start3A_62] : memref<2x80xi32, #tpu.memory_space<vmem>> -> memref<1x80xi32, #tpu.memory_space<vmem>>
      %dma_start3A_64 = tpu.memref_squeeze %dma_start3A_63 : memref<1x80xi32, #tpu.memory_space<vmem>> -> memref<80xi32, #tpu.memory_space<vmem>>
      %dma_start3A_65 = tpu.memref_slice %arg3[%add3A_56] : memref<320000xi32, #tpu.memory_space<hbm>> -> memref<80xi32, #tpu.memory_space<hbm>>
      tpu.enqueue_dma source(%dma_start3A_65 : memref<80xi32, #tpu.memory_space<hbm>>) target(%dma_start3A_64 : memref<80xi32, #tpu.memory_space<vmem>>) target_semaphore(%arg10 : memref<!tpu.dma_semaphore, #tpu.memory_space<semaphore_mem>>)
      %dma_start3A_66 = arith.constant 1 : i32
      %dma_start3A_67 = arith.constant 0 : i32
      %dma_start3A_68 = arith.constant 0 : i32
      %dma_start3A_69 = tpu.memref_slice %arg7[%dma_start3A_66, %dma_start3A_67, %dma_start3A_68] : memref<2x80x208xf32, #tpu.memory_space<vmem>> -> memref<1x80x208xf32, #tpu.memory_space<vmem>>
      %dma_start3A_70 = tpu.memref_squeeze %dma_start3A_69 : memref<1x80x208xf32, #tpu.memory_space<vmem>> -> memref<80x208xf32, #tpu.memory_space<vmem>>
      %dma_start3A_71 = arith.constant 0 : i32
      %dma_start3A_72 = tpu.memref_slice %arg2[%add3A_56, %dma_start3A_71] : memref<320000x208xf32, #tpu.memory_space<hbm>> -> memref<80x208xf32, #tpu.memory_space<hbm>>
      %dma_start3A_73 = arith.constant 0 : i32
      %dma_start3A_74 = arith.constant 0 : i32
      %dma_start3A_75 = tpu.memref_slice %arg7[%dma_start3A_66, %dma_start3A_73, %dma_start3A_74] : memref<2x80x208xf32, #tpu.memory_space<vmem>> -> memref<1x80x208xf32, #tpu.memory_space<vmem>>
      %dma_start3A_76 = tpu.memref_squeeze %dma_start3A_75 : memref<1x80x208xf32, #tpu.memory_space<vmem>> -> memref<80x208xf32, #tpu.memory_space<vmem>>
      %dma_start3A_77 = arith.constant 0 : i32
      %dma_start3A_78 = tpu.memref_slice %arg2[%add3A_56, %dma_start3A_77] : memref<320000x208xf32, #tpu.memory_space<hbm>> -> memref<80x208xf32, #tpu.memory_space<hbm>>
      tpu.enqueue_dma source(%dma_start3A_78 : memref<80x208xf32, #tpu.memory_space<hbm>>) target(%dma_start3A_76 : memref<80x208xf32, #tpu.memory_space<vmem>>) target_semaphore(%arg10 : memref<!tpu.dma_semaphore, #tpu.memory_space<semaphore_mem>>)
      %dma_wait3A = arith.constant 0 : i32
      %dma_wait3A_79 = arith.constant 0 : i32
      %dma_wait3A_80 = tpu.memref_slice %arg6[%dma_wait3A, %dma_wait3A_79] : memref<2x80xi32, #tpu.memory_space<vmem>> -> memref<1x80xi32, #tpu.memory_space<vmem>>
      %dma_wait3A_81 = tpu.memref_squeeze %dma_wait3A_80 : memref<1x80xi32, #tpu.memory_space<vmem>> -> memref<80xi32, #tpu.memory_space<vmem>>
      %dma_wait3A_82 = tpu.memref_slice %arg3[%add3A_28] : memref<320000xi32, #tpu.memory_space<hbm>> -> memref<80xi32, #tpu.memory_space<hbm>>
      %dma_wait3A_83 = arith.constant 0 : i32
      %dma_wait3A_84 = tpu.memref_slice %arg6[%dma_wait3A, %dma_wait3A_83] : memref<2x80xi32, #tpu.memory_space<vmem>> -> memref<1x80xi32, #tpu.memory_space<vmem>>
      %dma_wait3A_85 = tpu.memref_squeeze %dma_wait3A_84 : memref<1x80xi32, #tpu.memory_space<vmem>> -> memref<80xi32, #tpu.memory_space<vmem>>
      %dma_wait3A_86 = tpu.memref_slice %arg3[%add3A_28] : memref<320000xi32, #tpu.memory_space<hbm>> -> memref<80xi32, #tpu.memory_space<hbm>>
      tpu.wait_dma2 semaphore(%arg9 : memref<!tpu.dma_semaphore, #tpu.memory_space<semaphore_mem>>) src(%dma_wait3A_86 : memref<80xi32, #tpu.memory_space<hbm>>) dst(%dma_wait3A_85 : memref<80xi32, #tpu.memory_space<vmem>>)
      %dma_wait3A_87 = arith.constant 0 : i32
      %dma_wait3A_88 = arith.constant 0 : i32
      %dma_wait3A_89 = arith.constant 0 : i32
      %dma_wait3A_90 = tpu.memref_slice %arg7[%dma_wait3A_87, %dma_wait3A_88, %dma_wait3A_89] : memref<2x80x208xf32, #tpu.memory_space<vmem>> -> memref<1x80x208xf32, #tpu.memory_space<vmem>>
      %dma_wait3A_91 = tpu.memref_squeeze %dma_wait3A_90 : memref<1x80x208xf32, #tpu.memory_space<vmem>> -> memref<80x208xf32, #tpu.memory_space<vmem>>
      %dma_wait3A_92 = arith.constant 0 : i32
      %dma_wait3A_93 = tpu.memref_slice %arg2[%add3A_28, %dma_wait3A_92] : memref<320000x208xf32, #tpu.memory_space<hbm>> -> memref<80x208xf32, #tpu.memory_space<hbm>>
      %dma_wait3A_94 = arith.constant 0 : i32
      %dma_wait3A_95 = arith.constant 0 : i32
      %dma_wait3A_96 = tpu.memref_slice %arg7[%dma_wait3A_87, %dma_wait3A_94, %dma_wait3A_95] : memref<2x80x208xf32, #tpu.memory_space<vmem>> -> memref<1x80x208xf32, #tpu.memory_space<vmem>>
      %dma_wait3A_97 = tpu.memref_squeeze %dma_wait3A_96 : memref<1x80x208xf32, #tpu.memory_space<vmem>> -> memref<80x208xf32, #tpu.memory_space<vmem>>
      %dma_wait3A_98 = arith.constant 0 : i32
      %dma_wait3A_99 = tpu.memref_slice %arg2[%add3A_28, %dma_wait3A_98] : memref<320000x208xf32, #tpu.memory_space<hbm>> -> memref<80x208xf32, #tpu.memory_space<hbm>>
      tpu.wait_dma2 semaphore(%arg9 : memref<!tpu.dma_semaphore, #tpu.memory_space<semaphore_mem>>) src(%dma_wait3A_99 : memref<80x208xf32, #tpu.memory_space<hbm>>) dst(%dma_wait3A_97 : memref<80x208xf32, #tpu.memory_space<vmem>>)
      %get3A = arith.constant 0 : i32
      %get3A_100 = arith.index_cast %get3A : i32 to index
      %get3A_101 = arith.constant 0 : index
      %get3A_102 = tpu.vector_load %arg6[%get3A_100, %get3A_101] {strides = array<i32>} : memref<2x80xi32, #tpu.memory_space<vmem>>, vector<1x16xi32>,
      %get3A_103 = vector.shape_cast %get3A_102 : vector<1x16xi32> to vector<16xi32>
      %sub3A = vector.broadcast %mul3A_0 : i32 to vector<16xi32>
      %sub3A_104 = arith.subi %get3A_103, %sub3A : vector<16xi32>
      %ge3A = arith.constant 0 : i32
      %ge3A_105 = vector.broadcast %ge3A : i32 to vector<16xi32>
      %ge3A_106 = arith.cmpi sge, %sub3A_104, %ge3A_105 : vector<16xi32>
      %lt3A_107 = arith.constant 5000 : i32
      %lt3A_108 = vector.broadcast %lt3A_107 : i32 to vector<16xi32>
      %lt3A_109 = arith.cmpi slt, %sub3A_104, %lt3A_108 : vector<16xi32>
      %and3A = arith.andi %ge3A_106, %lt3A_109 : vector<16xi1>
      %jit3A = arith.constant 5000 : i32
      %broadcast_in_dim3A = vector.broadcast %jit3A : i32 to vector<16xi32>
      %select_n3A = arith.select %and3A, %sub3A_104, %broadcast_in_dim3A : vector<16xi1>, vector<16xi32>
      %swap3A = arith.constant 0 : i32
      %swap3A_110 = arith.index_cast %swap3A : i32 to index
      %swap3A_111 = arith.constant 0 : index
      %swap3A_112 = tpu.vector_load %arg6[%swap3A_110, %swap3A_111] {strides = array<i32>} : memref<2x80xi32, #tpu.memory_space<vmem>>, vector<1x16xi32>,
      %swap3A_113 = vector.shape_cast %swap3A_112 : vector<1x16xi32> to vector<16xi32>
      %swap3A_114 = vector.shape_cast %select_n3A : vector<16xi32> to vector<1x16xi32>
      tpu.vector_store %arg6[%swap3A_110, %swap3A_111], %swap3A_114 {strides = array<i32>} : memref<2x80xi32, #tpu.memory_space<vmem>>, vector<1x16xi32>,
      %get3A_115 = arith.constant 0 : i32
      %get3A_116 = arith.index_cast %get3A_115 : i32 to index
      %get3A_117 = arith.constant 16 : index
      %get3A_118 = tpu.vector_load %arg6[%get3A_116, %get3A_117] {strides = array<i32>} : memref<2x80xi32, #tpu.memory_space<vmem>>, vector<1x16xi32>,
      %get3A_119 = vector.shape_cast %get3A_118 : vector<1x16xi32> to vector<16xi32>
      %sub3A_120 = vector.broadcast %mul3A_0 : i32 to vector<16xi32>
      %sub3A_121 = arith.subi %get3A_119, %sub3A_120 : vector<16xi32>
      %ge3A_122 = arith.constant 0 : i32
      %ge3A_123 = vector.broadcast %ge3A_122 : i32 to vector<16xi32>
      %ge3A_124 = arith.cmpi sge, %sub3A_121, %ge3A_123 : vector<16xi32>
      %lt3A_125 = arith.constant 5000 : i32
      %lt3A_126 = vector.broadcast %lt3A_125 : i32 to vector<16xi32>
      %lt3A_127 = arith.cmpi slt, %sub3A_121, %lt3A_126 : vector<16xi32>
      %and3A_128 = arith.andi %ge3A_124, %lt3A_127 : vector<16xi1>
      %jit3A_129 = arith.constant 5000 : i32
      %broadcast_in_dim3A_130 = vector.broadcast %jit3A_129 : i32 to vector<16xi32>
      %select_n3A_131 = arith.select %and3A_128, %sub3A_121, %broadcast_in_dim3A_130 : vector<16xi1>, vector<16xi32>
      %swap3A_132 = arith.constant 0 : i32
      %swap3A_133 = arith.index_cast %swap3A_132 : i32 to index
      %swap3A_134 = arith.constant 16 : index
      %swap3A_135 = tpu.vector_load %arg6[%swap3A_133, %swap3A_134] {strides = array<i32>} : memref<2x80xi32, #tpu.memory_space<vmem>>, vector<1x16xi32>,
      %swap3A_136 = vector.shape_cast %swap3A_135 : vector<1x16xi32> to vector<16xi32>
      %swap3A_137 = vector.shape_cast %select_n3A_131 : vector<16xi32> to vector<1x16xi32>
      tpu.vector_store %arg6[%swap3A_133, %swap3A_134], %swap3A_137 {strides = array<i32>} : memref<2x80xi32, #tpu.memory_space<vmem>>, vector<1x16xi32>,
      %get3A_138 = arith.constant 0 : i32
      %get3A_139 = arith.index_cast %get3A_138 : i32 to index
      %get3A_140 = arith.constant 32 : index
      %get3A_141 = tpu.vector_load %arg6[%get3A_139, %get3A_140] {strides = array<i32>} : memref<2x80xi32, #tpu.memory_space<vmem>>, vector<1x16xi32>,
      %get3A_142 = vector.shape_cast %get3A_141 : vector<1x16xi32> to vector<16xi32>
      %sub3A_143 = vector.broadcast %mul3A_0 : i32 to vector<16xi32>
      %sub3A_144 = arith.subi %get3A_142, %sub3A_143 : vector<16xi32>
      %ge3A_145 = arith.constant 0 : i32
      %ge3A_146 = vector.broadcast %ge3A_145 : i32 to vector<16xi32>
      %ge3A_147 = arith.cmpi sge, %sub3A_144, %ge3A_146 : vector<16xi32>
      %lt3A_148 = arith.constant 5000 : i32
      %lt3A_149 = vector.broadcast %lt3A_148 : i32 to vector<16xi32>
      %lt3A_150 = arith.cmpi slt, %sub3A_144, %lt3A_149 : vector<16xi32>
      %and3A_151 = arith.andi %ge3A_147, %lt3A_150 : vector<16xi1>
      %jit3A_152 = arith.constant 5000 : i32
      %broadcast_in_dim3A_153 = vector.broadcast %jit3A_152 : i32 to vector<16xi32>
      %select_n3A_154 = arith.select %and3A_151, %sub3A_144, %broadcast_in_dim3A_153 : vector<16xi1>, vector<16xi32>
      %swap3A_155 = arith.constant 0 : i32
      %swap3A_156 = arith.index_cast %swap3A_155 : i32 to index
      %swap3A_157 = arith.constant 32 : index
      %swap3A_158 = tpu.vector_load %arg6[%swap3A_156, %swap3A_157] {strides = array<i32>} : memref<2x80xi32, #tpu.memory_space<vmem>>, vector<1x16xi32>,
      %swap3A_159 = vector.shape_cast %swap3A_158 : vector<1x16xi32> to vector<16xi32>
      %swap3A_160 = vector.shape_cast %select_n3A_154 : vector<16xi32> to vector<1x16xi32>
      tpu.vector_store %arg6[%swap3A_156, %swap3A_157], %swap3A_160 {strides = array<i32>} : memref<2x80xi32, #tpu.memory_space<vmem>>, vector<1x16xi32>,
      %get3A_161 = arith.constant 0 : i32
      %get3A_162 = arith.index_cast %get3A_161 : i32 to index
      %get3A_163 = arith.constant 48 : index
      %get3A_164 = tpu.vector_load %arg6[%get3A_162, %get3A_163] {strides = array<i32>} : memref<2x80xi32, #tpu.memory_space<vmem>>, vector<1x16xi32>,
      %get3A_165 = vector.shape_cast %get3A_164 : vector<1x16xi32> to vector<16xi32>
      %sub3A_166 = vector.broadcast %mul3A_0 : i32 to vector<16xi32>
      %sub3A_167 = arith.subi %get3A_165, %sub3A_166 : vector<16xi32>
      %ge3A_168 = arith.constant 0 : i32
      %ge3A_169 = vector.broadcast %ge3A_168 : i32 to vector<16xi32>
      %ge3A_170 = arith.cmpi sge, %sub3A_167, %ge3A_169 : vector<16xi32>
      %lt3A_171 = arith.constant 5000 : i32
      %lt3A_172 = vector.broadcast %lt3A_171 : i32 to vector<16xi32>
      %lt3A_173 = arith.cmpi slt, %sub3A_167, %lt3A_172 : vector<16xi32>
      %and3A_174 = arith.andi %ge3A_170, %lt3A_173 : vector<16xi1>
      %jit3A_175 = arith.constant 5000 : i32
      %broadcast_in_dim3A_176 = vector.broadcast %jit3A_175 : i32 to vector<16xi32>
      %select_n3A_177 = arith.select %and3A_174, %sub3A_167, %broadcast_in_dim3A_176 : vector<16xi1>, vector<16xi32>
      %swap3A_178 = arith.constant 0 : i32
      %swap3A_179 = arith.index_cast %swap3A_178 : i32 to index
      %swap3A_180 = arith.constant 48 : index
      %swap3A_181 = tpu.vector_load %arg6[%swap3A_179, %swap3A_180] {strides = array<i32>} : memref<2x80xi32, #tpu.memory_space<vmem>>, vector<1x16xi32>,
      %swap3A_182 = vector.shape_cast %swap3A_181 : vector<1x16xi32> to vector<16xi32>
      %swap3A_183 = vector.shape_cast %select_n3A_177 : vector<16xi32> to vector<1x16xi32>
      tpu.vector_store %arg6[%swap3A_179, %swap3A_180], %swap3A_183 {strides = array<i32>} : memref<2x80xi32, #tpu.memory_space<vmem>>, vector<1x16xi32>,
      %get3A_184 = arith.constant 0 : i32
      %get3A_185 = arith.index_cast %get3A_184 : i32 to index
      %get3A_186 = arith.constant 64 : index
      %get3A_187 = tpu.vector_load %arg6[%get3A_185, %get3A_186] {strides = array<i32>} : memref<2x80xi32, #tpu.memory_space<vmem>>, vector<1x16xi32>,
      %get3A_188 = vector.shape_cast %get3A_187 : vector<1x16xi32> to vector<16xi32>
      %sub3A_189 = vector.broadcast %mul3A_0 : i32 to vector<16xi32>
      %sub3A_190 = arith.subi %get3A_188, %sub3A_189 : vector<16xi32>
      %ge3A_191 = arith.constant 0 : i32
      %ge3A_192 = vector.broadcast %ge3A_191 : i32 to vector<16xi32>
      %ge3A_193 = arith.cmpi sge, %sub3A_190, %ge3A_192 : vector<16xi32>
      %lt3A_194 = arith.constant 5000 : i32
      %lt3A_195 = vector.broadcast %lt3A_194 : i32 to vector<16xi32>
      %lt3A_196 = arith.cmpi slt, %sub3A_190, %lt3A_195 : vector<16xi32>
      %and3A_197 = arith.andi %ge3A_193, %lt3A_196 : vector<16xi1>
      %jit3A_198 = arith.constant 5000 : i32
      %broadcast_in_dim3A_199 = vector.broadcast %jit3A_198 : i32 to vector<16xi32>
      %select_n3A_200 = arith.select %and3A_197, %sub3A_190, %broadcast_in_dim3A_199 : vector<16xi1>, vector<16xi32>
      %swap3A_201 = arith.constant 0 : i32
      %swap3A_202 = arith.index_cast %swap3A_201 : i32 to index
      %swap3A_203 = arith.constant 64 : index
      %swap3A_204 = tpu.vector_load %arg6[%swap3A_202, %swap3A_203] {strides = array<i32>} : memref<2x80xi32, #tpu.memory_space<vmem>>, vector<1x16xi32>,
      %swap3A_205 = vector.shape_cast %swap3A_204 : vector<1x16xi32> to vector<16xi32>
      %swap3A_206 = vector.shape_cast %select_n3A_200 : vector<16xi32> to vector<1x16xi32>
      tpu.vector_store %arg6[%swap3A_202, %swap3A_203], %swap3A_206 {strides = array<i32>} : memref<2x80xi32, #tpu.memory_space<vmem>>, vector<1x16xi32>,
      %run_scoped3A = arith.constant 0 : i32
      %run_scoped3A_207 = arith.constant 0 : i32
      "tpu.region"() ({
        %run_scoped3A_347 = tpu.sem_alloc : memref<!tpu.dma_semaphore, #tpu.memory_space<semaphore_mem>>
        %dma_start3A_348 = arith.constant 0 : i32
        %dma_start3A_349 = arith.constant 0 : i32
        %dma_start3A_350 = tpu.memref_slice %arg7[%run_scoped3A, %dma_start3A_348, %dma_start3A_349] : memref<2x80x208xf32, #tpu.memory_space<vmem>> -> memref<1x80x208xf32, #tpu.memory_space<vmem>>
        %dma_start3A_351 = tpu.memref_squeeze %dma_start3A_350 : memref<1x80x208xf32, #tpu.memory_space<vmem>> -> memref<80x208xf32, #tpu.memory_space<vmem>>
        %dma_start3A_352 = arith.constant 0 : i32
        %dma_start3A_353 = tpu.memref_slice %arg6[%run_scoped3A_207, %dma_start3A_352] : memref<2x80xi32, #tpu.memory_space<vmem>> -> memref<1x80xi32, #tpu.memory_space<vmem>>
        %dma_start3A_354 = tpu.memref_squeeze %dma_start3A_353 : memref<1x80xi32, #tpu.memory_space<vmem>> -> memref<80xi32, #tpu.memory_space<vmem>>
        %dma_start3A_355 = arith.constant 0 : i32
        %dma_start3A_356 = arith.constant 0 : i32
        %dma_start3A_357 = tpu.memref_slice %arg8[%dma_start3A_355, %dma_start3A_356] : memref<5008x208xf32, #tpu.memory_space<vmem_shared>> -> memref<5008x208xf32, #tpu.memory_space<vmem_shared>>
        tpu.enqueue_indirect_dma source(%dma_start3A_351 : memref<80x208xf32, #tpu.memory_space<vmem>>) target(%dma_start3A_357 : memref<5008x208xf32, #tpu.memory_space<vmem_shared>>) offsets(%dma_start3A_354 : memref<80xi32, #tpu.memory_space<vmem>>) semaphore(%run_scoped3A_347 : memref<!tpu.dma_semaphore, #tpu.memory_space<semaphore_mem>>) {add = true}
        %dma_wait3A_358 = arith.constant 0 : i32
        %dma_wait3A_359 = arith.constant 0 : i32
        %dma_wait3A_360 = tpu.memref_slice %arg7[%run_scoped3A, %dma_wait3A_358, %dma_wait3A_359] : memref<2x80x208xf32, #tpu.memory_space<vmem>> -> memref<1x80x208xf32, #tpu.memory_space<vmem>>
        %dma_wait3A_361 = tpu.memref_squeeze %dma_wait3A_360 : memref<1x80x208xf32, #tpu.memory_space<vmem>> -> memref<80x208xf32, #tpu.memory_space<vmem>>
        %dma_wait3A_362 = arith.constant 0 : i32
        %dma_wait3A_363 = tpu.memref_slice %arg6[%run_scoped3A_207, %dma_wait3A_362] : memref<2x80xi32, #tpu.memory_space<vmem>> -> memref<1x80xi32, #tpu.memory_space<vmem>>
        %dma_wait3A_364 = tpu.memref_squeeze %dma_wait3A_363 : memref<1x80xi32, #tpu.memory_space<vmem>> -> memref<80xi32, #tpu.memory_space<vmem>>
        %dma_wait3A_365 = arith.constant 0 : i32
        %dma_wait3A_366 = arith.constant 0 : i32
        %dma_wait3A_367 = tpu.memref_slice %arg8[%dma_wait3A_365, %dma_wait3A_366] : memref<5008x208xf32, #tpu.memory_space<vmem_shared>> -> memref<5008x208xf32, #tpu.memory_space<vmem_shared>>
        tpu.wait_indirect_dma semaphore(%run_scoped3A_347 : memref<!tpu.dma_semaphore, #tpu.memory_space<semaphore_mem>>) src(%dma_wait3A_361 : memref<80x208xf32, #tpu.memory_space<vmem>>) dst(%dma_wait3A_367 : memref<5008x208xf32, #tpu.memory_space<vmem_shared>>)
        tpu.yield
      }) : () -> ()
      %dma_wait3A_208 = arith.constant 1 : i32
      %dma_wait3A_209 = arith.constant 0 : i32
      %dma_wait3A_210 = tpu.memref_slice %arg6[%dma_wait3A_208, %dma_wait3A_209] : memref<2x80xi32, #tpu.memory_space<vmem>> -> memref<1x80xi32, #tpu.memory_space<vmem>>
      %dma_wait3A_211 = tpu.memref_squeeze %dma_wait3A_210 : memref<1x80xi32, #tpu.memory_space<vmem>> -> memref<80xi32, #tpu.memory_space<vmem>>
      %dma_wait3A_212 = tpu.memref_slice %arg3[%add3A_56] : memref<320000xi32, #tpu.memory_space<hbm>> -> memref<80xi32, #tpu.memory_space<hbm>>
      %dma_wait3A_213 = arith.constant 0 : i32
      %dma_wait3A_214 = tpu.memref_slice %arg6[%dma_wait3A_208, %dma_wait3A_213] : memref<2x80xi32, #tpu.memory_space<vmem>> -> memref<1x80xi32, #tpu.memory_space<vmem>>
      %dma_wait3A_215 = tpu.memref_squeeze %dma_wait3A_214 : memref<1x80xi32, #tpu.memory_space<vmem>> -> memref<80xi32, #tpu.memory_space<vmem>>
      %dma_wait3A_216 = tpu.memref_slice %arg3[%add3A_56] : memref<320000xi32, #tpu.memory_space<hbm>> -> memref<80xi32, #tpu.memory_space<hbm>>
      tpu.wait_dma2 semaphore(%arg10 : memref<!tpu.dma_semaphore, #tpu.memory_space<semaphore_mem>>) src(%dma_wait3A_216 : memref<80xi32, #tpu.memory_space<hbm>>) dst(%dma_wait3A_215 : memref<80xi32, #tpu.memory_space<vmem>>)
      %dma_wait3A_217 = arith.constant 1 : i32
      %dma_wait3A_218 = arith.constant 0 : i32
      %dma_wait3A_219 = arith.constant 0 : i32
      %dma_wait3A_220 = tpu.memref_slice %arg7[%dma_wait3A_217, %dma_wait3A_218, %dma_wait3A_219] : memref<2x80x208xf32, #tpu.memory_space<vmem>> -> memref<1x80x208xf32, #tpu.memory_space<vmem>>
      %dma_wait3A_221 = tpu.memref_squeeze %dma_wait3A_220 : memref<1x80x208xf32, #tpu.memory_space<vmem>> -> memref<80x208xf32, #tpu.memory_space<vmem>>
      %dma_wait3A_222 = arith.constant 0 : i32
      %dma_wait3A_223 = tpu.memref_slice %arg2[%add3A_56, %dma_wait3A_222] : memref<320000x208xf32, #tpu.memory_space<hbm>> -> memref<80x208xf32, #tpu.memory_space<hbm>>
      %dma_wait3A_224 = arith.constant 0 : i32
      %dma_wait3A_225 = arith.constant 0 : i32
      %dma_wait3A_226 = tpu.memref_slice %arg7[%dma_wait3A_217, %dma_wait3A_224, %dma_wait3A_225] : memref<2x80x208xf32, #tpu.memory_space<vmem>> -> memref<1x80x208xf32, #tpu.memory_space<vmem>>
      %dma_wait3A_227 = tpu.memref_squeeze %dma_wait3A_226 : memref<1x80x208xf32, #tpu.memory_space<vmem>> -> memref<80x208xf32, #tpu.memory_space<vmem>>
      %dma_wait3A_228 = arith.constant 0 : i32
      %dma_wait3A_229 = tpu.memref_slice %arg2[%add3A_56, %dma_wait3A_228] : memref<320000x208xf32, #tpu.memory_space<hbm>> -> memref<80x208xf32, #tpu.memory_space<hbm>>
      tpu.wait_dma2 semaphore(%arg10 : memref<!tpu.dma_semaphore, #tpu.memory_space<semaphore_mem>>) src(%dma_wait3A_229 : memref<80x208xf32, #tpu.memory_space<hbm>>) dst(%dma_wait3A_227 : memref<80x208xf32, #tpu.memory_space<vmem>>)
      %get3A_230 = arith.constant 1 : i32
      %get3A_231 = arith.index_cast %get3A_230 : i32 to index
      %get3A_232 = arith.constant 0 : index
      %get3A_233 = tpu.vector_load %arg6[%get3A_231, %get3A_232] {strides = array<i32>} : memref<2x80xi32, #tpu.memory_space<vmem>>, vector<1x16xi32>,
      %get3A_234 = vector.shape_cast %get3A_233 : vector<1x16xi32> to vector<16xi32>
      %sub3A_235 = vector.broadcast %mul3A_0 : i32 to vector<16xi32>
      %sub3A_236 = arith.subi %get3A_234, %sub3A_235 : vector<16xi32>
      %ge3A_237 = arith.constant 0 : i32
      %ge3A_238 = vector.broadcast %ge3A_237 : i32 to vector<16xi32>
      %ge3A_239 = arith.cmpi sge, %sub3A_236, %ge3A_238 : vector<16xi32>
      %lt3A_240 = arith.constant 5000 : i32
      %lt3A_241 = vector.broadcast %lt3A_240 : i32 to vector<16xi32>
      %lt3A_242 = arith.cmpi slt, %sub3A_236, %lt3A_241 : vector<16xi32>
      %and3A_243 = arith.andi %ge3A_239, %lt3A_242 : vector<16xi1>
      %jit3A_244 = arith.constant 5000 : i32
      %broadcast_in_dim3A_245 = vector.broadcast %jit3A_244 : i32 to vector<16xi32>
      %select_n3A_246 = arith.select %and3A_243, %sub3A_236, %broadcast_in_dim3A_245 : vector<16xi1>, vector<16xi32>
      %swap3A_247 = arith.constant 1 : i32
      %swap3A_248 = arith.index_cast %swap3A_247 : i32 to index
      %swap3A_249 = arith.constant 0 : index
      %swap3A_250 = tpu.vector_load %arg6[%swap3A_248, %swap3A_249] {strides = array<i32>} : memref<2x80xi32, #tpu.memory_space<vmem>>, vector<1x16xi32>,
      %swap3A_251 = vector.shape_cast %swap3A_250 : vector<1x16xi32> to vector<16xi32>
      %swap3A_252 = vector.shape_cast %select_n3A_246 : vector<16xi32> to vector<1x16xi32>
      tpu.vector_store %arg6[%swap3A_248, %swap3A_249], %swap3A_252 {strides = array<i32>} : memref<2x80xi32, #tpu.memory_space<vmem>>, vector<1x16xi32>,
      %get3A_253 = arith.constant 1 : i32
      %get3A_254 = arith.index_cast %get3A_253 : i32 to index
      %get3A_255 = arith.constant 16 : index
      %get3A_256 = tpu.vector_load %arg6[%get3A_254, %get3A_255] {strides = array<i32>} : memref<2x80xi32, #tpu.memory_space<vmem>>, vector<1x16xi32>,
      %get3A_257 = vector.shape_cast %get3A_256 : vector<1x16xi32> to vector<16xi32>
      %sub3A_258 = vector.broadcast %mul3A_0 : i32 to vector<16xi32>
      %sub3A_259 = arith.subi %get3A_257, %sub3A_258 : vector<16xi32>
      %ge3A_260 = arith.constant 0 : i32
      %ge3A_261 = vector.broadcast %ge3A_260 : i32 to vector<16xi32>
      %ge3A_262 = arith.cmpi sge, %sub3A_259, %ge3A_261 : vector<16xi32>
      %lt3A_263 = arith.constant 5000 : i32
      %lt3A_264 = vector.broadcast %lt3A_263 : i32 to vector<16xi32>
      %lt3A_265 = arith.cmpi slt, %sub3A_259, %lt3A_264 : vector<16xi32>
      %and3A_266 = arith.andi %ge3A_262, %lt3A_265 : vector<16xi1>
      %jit3A_267 = arith.constant 5000 : i32
      %broadcast_in_dim3A_268 = vector.broadcast %jit3A_267 : i32 to vector<16xi32>
      %select_n3A_269 = arith.select %and3A_266, %sub3A_259, %broadcast_in_dim3A_268 : vector<16xi1>, vector<16xi32>
      %swap3A_270 = arith.constant 1 : i32
      %swap3A_271 = arith.index_cast %swap3A_270 : i32 to index
      %swap3A_272 = arith.constant 16 : index
      %swap3A_273 = tpu.vector_load %arg6[%swap3A_271, %swap3A_272] {strides = array<i32>} : memref<2x80xi32, #tpu.memory_space<vmem>>, vector<1x16xi32>,
      %swap3A_274 = vector.shape_cast %swap3A_273 : vector<1x16xi32> to vector<16xi32>
      %swap3A_275 = vector.shape_cast %select_n3A_269 : vector<16xi32> to vector<1x16xi32>
      tpu.vector_store %arg6[%swap3A_271, %swap3A_272], %swap3A_275 {strides = array<i32>} : memref<2x80xi32, #tpu.memory_space<vmem>>, vector<1x16xi32>,
      %get3A_276 = arith.constant 1 : i32
      %get3A_277 = arith.index_cast %get3A_276 : i32 to index
      %get3A_278 = arith.constant 32 : index
      %get3A_279 = tpu.vector_load %arg6[%get3A_277, %get3A_278] {strides = array<i32>} : memref<2x80xi32, #tpu.memory_space<vmem>>, vector<1x16xi32>,
      %get3A_280 = vector.shape_cast %get3A_279 : vector<1x16xi32> to vector<16xi32>
      %sub3A_281 = vector.broadcast %mul3A_0 : i32 to vector<16xi32>
      %sub3A_282 = arith.subi %get3A_280, %sub3A_281 : vector<16xi32>
      %ge3A_283 = arith.constant 0 : i32
      %ge3A_284 = vector.broadcast %ge3A_283 : i32 to vector<16xi32>
      %ge3A_285 = arith.cmpi sge, %sub3A_282, %ge3A_284 : vector<16xi32>
      %lt3A_286 = arith.constant 5000 : i32
      %lt3A_287 = vector.broadcast %lt3A_286 : i32 to vector<16xi32>
      %lt3A_288 = arith.cmpi slt, %sub3A_282, %lt3A_287 : vector<16xi32>
      %and3A_289 = arith.andi %ge3A_285, %lt3A_288 : vector<16xi1>
      %jit3A_290 = arith.constant 5000 : i32
      %broadcast_in_dim3A_291 = vector.broadcast %jit3A_290 : i32 to vector<16xi32>
      %select_n3A_292 = arith.select %and3A_289, %sub3A_282, %broadcast_in_dim3A_291 : vector<16xi1>, vector<16xi32>
      %swap3A_293 = arith.constant 1 : i32
      %swap3A_294 = arith.index_cast %swap3A_293 : i32 to index
      %swap3A_295 = arith.constant 32 : index
      %swap3A_296 = tpu.vector_load %arg6[%swap3A_294, %swap3A_295] {strides = array<i32>} : memref<2x80xi32, #tpu.memory_space<vmem>>, vector<1x16xi32>,
      %swap3A_297 = vector.shape_cast %swap3A_296 : vector<1x16xi32> to vector<16xi32>
      %swap3A_298 = vector.shape_cast %select_n3A_292 : vector<16xi32> to vector<1x16xi32>
      tpu.vector_store %arg6[%swap3A_294, %swap3A_295], %swap3A_298 {strides = array<i32>} : memref<2x80xi32, #tpu.memory_space<vmem>>, vector<1x16xi32>,
      %get3A_299 = arith.constant 1 : i32
      %get3A_300 = arith.index_cast %get3A_299 : i32 to index
      %get3A_301 = arith.constant 48 : index
      %get3A_302 = tpu.vector_load %arg6[%get3A_300, %get3A_301] {strides = array<i32>} : memref<2x80xi32, #tpu.memory_space<vmem>>, vector<1x16xi32>,
      %get3A_303 = vector.shape_cast %get3A_302 : vector<1x16xi32> to vector<16xi32>
      %sub3A_304 = vector.broadcast %mul3A_0 : i32 to vector<16xi32>
      %sub3A_305 = arith.subi %get3A_303, %sub3A_304 : vector<16xi32>
      %ge3A_306 = arith.constant 0 : i32
      %ge3A_307 = vector.broadcast %ge3A_306 : i32 to vector<16xi32>
      %ge3A_308 = arith.cmpi sge, %sub3A_305, %ge3A_307 : vector<16xi32>
      %lt3A_309 = arith.constant 5000 : i32
      %lt3A_310 = vector.broadcast %lt3A_309 : i32 to vector<16xi32>
      %lt3A_311 = arith.cmpi slt, %sub3A_305, %lt3A_310 : vector<16xi32>
      %and3A_312 = arith.andi %ge3A_308, %lt3A_311 : vector<16xi1>
      %jit3A_313 = arith.constant 5000 : i32
      %broadcast_in_dim3A_314 = vector.broadcast %jit3A_313 : i32 to vector<16xi32>
      %select_n3A_315 = arith.select %and3A_312, %sub3A_305, %broadcast_in_dim3A_314 : vector<16xi1>, vector<16xi32>
      %swap3A_316 = arith.constant 1 : i32
      %swap3A_317 = arith.index_cast %swap3A_316 : i32 to index
      %swap3A_318 = arith.constant 48 : index
      %swap3A_319 = tpu.vector_load %arg6[%swap3A_317, %swap3A_318] {strides = array<i32>} : memref<2x80xi32, #tpu.memory_space<vmem>>, vector<1x16xi32>,
      %swap3A_320 = vector.shape_cast %swap3A_319 : vector<1x16xi32> to vector<16xi32>
      %swap3A_321 = vector.shape_cast %select_n3A_315 : vector<16xi32> to vector<1x16xi32>
      tpu.vector_store %arg6[%swap3A_317, %swap3A_318], %swap3A_321 {strides = array<i32>} : memref<2x80xi32, #tpu.memory_space<vmem>>, vector<1x16xi32>,
      %get3A_322 = arith.constant 1 : i32
      %get3A_323 = arith.index_cast %get3A_322 : i32 to index
      %get3A_324 = arith.constant 64 : index
      %get3A_325 = tpu.vector_load %arg6[%get3A_323, %get3A_324] {strides = array<i32>} : memref<2x80xi32, #tpu.memory_space<vmem>>, vector<1x16xi32>,
      %get3A_326 = vector.shape_cast %get3A_325 : vector<1x16xi32> to vector<16xi32>
      %sub3A_327 = vector.broadcast %mul3A_0 : i32 to vector<16xi32>
      %sub3A_328 = arith.subi %get3A_326, %sub3A_327 : vector<16xi32>
      %ge3A_329 = arith.constant 0 : i32
      %ge3A_330 = vector.broadcast %ge3A_329 : i32 to vector<16xi32>
      %ge3A_331 = arith.cmpi sge, %sub3A_328, %ge3A_330 : vector<16xi32>
      %lt3A_332 = arith.constant 5000 : i32
      %lt3A_333 = vector.broadcast %lt3A_332 : i32 to vector<16xi32>
      %lt3A_334 = arith.cmpi slt, %sub3A_328, %lt3A_333 : vector<16xi32>
      %and3A_335 = arith.andi %ge3A_331, %lt3A_334 : vector<16xi1>
      %jit3A_336 = arith.constant 5000 : i32
      %broadcast_in_dim3A_337 = vector.broadcast %jit3A_336 : i32 to vector<16xi32>
      %select_n3A_338 = arith.select %and3A_335, %sub3A_328, %broadcast_in_dim3A_337 : vector<16xi1>, vector<16xi32>
      %swap3A_339 = arith.constant 1 : i32
      %swap3A_340 = arith.index_cast %swap3A_339 : i32 to index
      %swap3A_341 = arith.constant 64 : index
      %swap3A_342 = tpu.vector_load %arg6[%swap3A_340, %swap3A_341] {strides = array<i32>} : memref<2x80xi32, #tpu.memory_space<vmem>>, vector<1x16xi32>,
      %swap3A_343 = vector.shape_cast %swap3A_342 : vector<1x16xi32> to vector<16xi32>
      %swap3A_344 = vector.shape_cast %select_n3A_338 : vector<16xi32> to vector<1x16xi32>
      tpu.vector_store %arg6[%swap3A_340, %swap3A_341], %swap3A_344 {strides = array<i32>} : memref<2x80xi32, #tpu.memory_space<vmem>>, vector<1x16xi32>,
      %run_scoped3A_345 = arith.constant 1 : i32
      %run_scoped3A_346 = arith.constant 1 : i32
      "tpu.region"() ({
        %run_scoped3A_347 = tpu.sem_alloc : memref<!tpu.dma_semaphore, #tpu.memory_space<semaphore_mem>>
        %dma_start3A_348 = arith.constant 0 : i32
        %dma_start3A_349 = arith.constant 0 : i32
        %dma_start3A_350 = tpu.memref_slice %arg7[%run_scoped3A_345, %dma_start3A_348, %dma_start3A_349] : memref<2x80x208xf32, #tpu.memory_space<vmem>> -> memref<1x80x208xf32, #tpu.memory_space<vmem>>
        %dma_start3A_351 = tpu.memref_squeeze %dma_start3A_350 : memref<1x80x208xf32, #tpu.memory_space<vmem>> -> memref<80x208xf32, #tpu.memory_space<vmem>>
        %dma_start3A_352 = arith.constant 0 : i32
        %dma_start3A_353 = tpu.memref_slice %arg6[%run_scoped3A_346, %dma_start3A_352] : memref<2x80xi32, #tpu.memory_space<vmem>> -> memref<1x80xi32, #tpu.memory_space<vmem>>
        %dma_start3A_354 = tpu.memref_squeeze %dma_start3A_353 : memref<1x80xi32, #tpu.memory_space<vmem>> -> memref<80xi32, #tpu.memory_space<vmem>>
        %dma_start3A_355 = arith.constant 0 : i32
        %dma_start3A_356 = arith.constant 0 : i32
        %dma_start3A_357 = tpu.memref_slice %arg8[%dma_start3A_355, %dma_start3A_356] : memref<5008x208xf32, #tpu.memory_space<vmem_shared>> -> memref<5008x208xf32, #tpu.memory_space<vmem_shared>>
        tpu.enqueue_indirect_dma source(%dma_start3A_351 : memref<80x208xf32, #tpu.memory_space<vmem>>) target(%dma_start3A_357 : memref<5008x208xf32, #tpu.memory_space<vmem_shared>>) offsets(%dma_start3A_354 : memref<80xi32, #tpu.memory_space<vmem>>) semaphore(%run_scoped3A_347 : memref<!tpu.dma_semaphore, #tpu.memory_space<semaphore_mem>>) {add = true}
        %dma_wait3A_358 = arith.constant 0 : i32
        %dma_wait3A_359 = arith.constant 0 : i32
        %dma_wait3A_360 = tpu.memref_slice %arg7[%run_scoped3A_345, %dma_wait3A_358, %dma_wait3A_359] : memref<2x80x208xf32, #tpu.memory_space<vmem>> -> memref<1x80x208xf32, #tpu.memory_space<vmem>>
        %dma_wait3A_361 = tpu.memref_squeeze %dma_wait3A_360 : memref<1x80x208xf32, #tpu.memory_space<vmem>> -> memref<80x208xf32, #tpu.memory_space<vmem>>
        %dma_wait3A_362 = arith.constant 0 : i32
        %dma_wait3A_363 = tpu.memref_slice %arg6[%run_scoped3A_346, %dma_wait3A_362] : memref<2x80xi32, #tpu.memory_space<vmem>> -> memref<1x80xi32, #tpu.memory_space<vmem>>
        %dma_wait3A_364 = tpu.memref_squeeze %dma_wait3A_363 : memref<1x80xi32, #tpu.memory_space<vmem>> -> memref<80xi32, #tpu.memory_space<vmem>>
        %dma_wait3A_365 = arith.constant 0 : i32
        %dma_wait3A_366 = arith.constant 0 : i32
        %dma_wait3A_367 = tpu.memref_slice %arg8[%dma_wait3A_365, %dma_wait3A_366] : memref<5008x208xf32, #tpu.memory_space<vmem_shared>> -> memref<5008x208xf32, #tpu.memory_space<vmem_shared>>
        tpu.wait_indirect_dma semaphore(%run_scoped3A_347 : memref<!tpu.dma_semaphore, #tpu.memory_space<semaphore_mem>>) src(%dma_wait3A_361 : memref<80x208xf32, #tpu.memory_space<vmem>>) dst(%dma_wait3A_367 : memref<5008x208xf32, #tpu.memory_space<vmem_shared>>)
        tpu.yield
      }) : () -> ()
    }
    %scan3A_7 = arith.constant 125 : i32
    %barrier3A_8 = arith.constant 0 : index
    tpu.barrier barrier_id(%barrier3A_8)
    %add3A = arith.constant 0 : i32
    %add3A_9 = arith.addi %arg1, %add3A : i32
    %lt3A = arith.constant 25 : i32
    %lt3A_10 = arith.cmpi slt, %add3A_9, %lt3A : i32
    %convert_element_type3A_11 = arith.extui %lt3A_10 : i1 to i32
    %cond3A_12 = arith.constant 0 : i32
    %cond3A_13 = arith.cmpi ne, %convert_element_type3A_11, %cond3A_12 : i32
    scf.if %cond3A_13 {
      %mul3A_21 = arith.constant 200 : i32
      %mul3A_22 = arith.muli %add3A_9, %mul3A_21 : i32
      %mul3A_23 = arith.constant 200 : i32
      %mul3A_24 = arith.muli %add3A_9, %mul3A_23 : i32
      %add3A_25 = arith.addi %mul3A_0, %mul3A_24 : i32
      "tpu.region"() ({
        %run_scoped3A = tpu.sem_alloc : memref<!tpu.dma_semaphore, #tpu.memory_space<semaphore_mem>>
        %dma_start3A = arith.constant 0 : i32
        %dma_start3A_26 = tpu.memref_slice %arg5[%add3A_25, %dma_start3A] : memref<10000x208xf32, #tpu.memory_space<hbm>> -> memref<200x208xf32, #tpu.memory_space<hbm>>
        %dma_start3A_27 = arith.constant 0 : i32
        %dma_start3A_28 = tpu.memref_slice %arg8[%mul3A_22, %dma_start3A_27] : memref<5008x208xf32, #tpu.memory_space<vmem_shared>> -> memref<200x208xf32, #tpu.memory_space<vmem_shared>>
        tpu.enqueue_dma source(%dma_start3A_28 : memref<200x208xf32, #tpu.memory_space<vmem_shared>>) target(%dma_start3A_26 : memref<200x208xf32, #tpu.memory_space<hbm>>) target_semaphore(%run_scoped3A : memref<!tpu.dma_semaphore, #tpu.memory_space<semaphore_mem>>)
        %dma_wait3A = arith.constant 0 : i32
        %dma_wait3A_29 = tpu.memref_slice %arg5[%add3A_25, %dma_wait3A] : memref<10000x208xf32, #tpu.memory_space<hbm>> -> memref<200x208xf32, #tpu.memory_space<hbm>>
        %dma_wait3A_30 = arith.constant 0 : i32
        %dma_wait3A_31 = tpu.memref_slice %arg8[%mul3A_22, %dma_wait3A_30] : memref<5008x208xf32, #tpu.memory_space<vmem_shared>> -> memref<200x208xf32, #tpu.memory_space<vmem_shared>>
        tpu.wait_dma2 semaphore(%run_scoped3A : memref<!tpu.dma_semaphore, #tpu.memory_space<semaphore_mem>>) src(%dma_wait3A_31 : memref<200x208xf32, #tpu.memory_space<vmem_shared>>) dst(%dma_wait3A_29 : memref<200x208xf32, #tpu.memory_space<hbm>>)
        tpu.yield
      }) : () -> ()
    } else {
    }
    %add3A_14 = arith.constant 16 : i32
    %add3A_15 = arith.addi %arg1, %add3A_14 : i32
    %lt3A_16 = arith.constant 25 : i32
    %lt3A_17 = arith.cmpi slt, %add3A_15, %lt3A_16 : i32
    %convert_element_type3A_18 = arith.extui %lt3A_17 : i1 to i32
    %cond3A_19 = arith.constant 0 : i32
    %cond3A_20 = arith.cmpi ne, %convert_element_type3A_18, %cond3A_19 : i32
    scf.if %cond3A_20 {
      %mul3A_21 = arith.constant 200 : i32
      %mul3A_22 = arith.muli %add3A_15, %mul3A_21 : i32
      %mul3A_23 = arith.constant 200 : i32
      %mul3A_24 = arith.muli %add3A_15, %mul3A_23 : i32
      %add3A_25 = arith.addi %mul3A_0, %mul3A_24 : i32
      "tpu.region"() ({
        %run_scoped3A = tpu.sem_alloc : memref<!tpu.dma_semaphore, #tpu.memory_space<semaphore_mem>>
        %dma_start3A = arith.constant 0 : i32
        %dma_start3A_26 = tpu.memref_slice %arg5[%add3A_25, %dma_start3A] : memref<10000x208xf32, #tpu.memory_space<hbm>> -> memref<200x208xf32, #tpu.memory_space<hbm>>
        %dma_start3A_27 = arith.constant 0 : i32
        %dma_start3A_28 = tpu.memref_slice %arg8[%mul3A_22, %dma_start3A_27] : memref<5008x208xf32, #tpu.memory_space<vmem_shared>> -> memref<200x208xf32, #tpu.memory_space<vmem_shared>>
        tpu.enqueue_dma source(%dma_start3A_28 : memref<200x208xf32, #tpu.memory_space<vmem_shared>>) target(%dma_start3A_26 : memref<200x208xf32, #tpu.memory_space<hbm>>) target_semaphore(%run_scoped3A : memref<!tpu.dma_semaphore, #tpu.memory_space<semaphore_mem>>)
        %dma_wait3A = arith.constant 0 : i32
        %dma_wait3A_29 = tpu.memref_slice %arg5[%add3A_25, %dma_wait3A] : memref<10000x208xf32, #tpu.memory_space<hbm>> -> memref<200x208xf32, #tpu.memory_space<hbm>>
        %dma_wait3A_30 = arith.constant 0 : i32
        %dma_wait3A_31 = tpu.memref_slice %arg8[%mul3A_22, %dma_wait3A_30] : memref<5008x208xf32, #tpu.memory_space<vmem_shared>> -> memref<200x208xf32, #tpu.memory_space<vmem_shared>>
        tpu.wait_dma2 semaphore(%run_scoped3A : memref<!tpu.dma_semaphore, #tpu.memory_space<semaphore_mem>>) src(%dma_wait3A_31 : memref<200x208xf32, #tpu.memory_space<vmem_shared>>) dst(%dma_wait3A_29 : memref<200x208xf32, #tpu.memory_space<hbm>>)
        tpu.yield
      }) : () -> ()
    } else {
    }
    return
  }
}

#map = affine_map<(d0, d1) -> (0, 0)>
#map1 = affine_map<(d0, d1) -> (0)>
module attributes {stable_mosaic.version = 14 : i64} {
  func.func @sk(%arg0: i32, %arg1: i32, %arg2: memref<320000x208xf32, #tpu.memory_space<hbm>>, %arg3: memref<320000xi32, #tpu.memory_space<hbm>>, %arg4: memref<5008x208xf32, #tpu.memory_space<hbm>>, %arg5: memref<10000x208xf32, #tpu.memory_space<hbm>>, %arg6: memref<2x80xi32, #tpu.memory_space<vmem>>, %arg7: memref<2x80x208xf32, #tpu.memory_space<vmem>>, %arg8: memref<5008x208xf32, #tpu.memory_space<vmem_shared>>, %arg9: memref<!tpu.dma_semaphore, #tpu.memory_space<semaphore_mem>>, %arg10: memref<!tpu.dma_semaphore, #tpu.memory_space<semaphore_mem>>) attributes {dimension_semantics = [#tpu.dimension_semantics<core_parallel>, #tpu.dimension_semantics<subcore_parallel>], iteration_bounds = array<i64: 2, 16>, scalar_prefetch = 0 : i64, scratch_operands = 5 : i64, tpu.core_type = #tpu.core_type<sc_vector_subcore>, window_params = [{transform_indices = #map}, {transform_indices = #map1}, {transform_indices = #map}, {transform_indices = #map}]} {
    %mul3A = arith.constant 5000 : i32
    %mul3A_0 = arith.muli %arg0, %mul3A : i32
    %eq3A = arith.constant 0 : i32
    %eq3A_1 = arith.cmpi eq, %arg1, %eq3A : i32
    %convert_element_type3A = arith.extui %eq3A_1 : i1 to i32
    %cond3A = arith.constant 0 : i32
    %cond3A_2 = arith.cmpi ne, %convert_element_type3A, %cond3A : i32
    scf.if %cond3A_2 {
      "tpu.region"() ({
        %run_scoped3A = tpu.sem_alloc : memref<!tpu.dma_semaphore, #tpu.memory_space<semaphore_mem>>
        tpu.enqueue_dma source(%arg4 : memref<5008x208xf32, #tpu.memory_space<hbm>>) target(%arg8 : memref<5008x208xf32, #tpu.memory_space<vmem_shared>>) target_semaphore(%run_scoped3A : memref<!tpu.dma_semaphore, #tpu.memory_space<semaphore_mem>>)
        tpu.wait_dma2 semaphore(%run_scoped3A : memref<!tpu.dma_semaphore, #tpu.memory_space<semaphore_mem>>) src(%arg4 : memref<5008x208xf32, #tpu.memory_space<hbm>>) dst(%arg8 : memref<5008x208xf32, #tpu.memory_space<vmem_shared>>)
        tpu.yield
      }) : () -> ()
    } else {
    }
    %barrier3A = arith.constant 0 : index
    tpu.barrier barrier_id(%barrier3A)
    %scan3A = arith.constant 0 : i32
    %scan3A_3 = arith.constant 0 : i32
    %scan3A_4 = arith.constant 125 : i32
    %scan3A_5 = arith.addi %scan3A_3, %scan3A_4 : i32
    %scan3A_6 = arith.constant 1 : i32
    scf.for %scan3A_21 = %scan3A_3 to %scan3A_5 step %scan3A_6  : i32 {
      %mul3A_22 = arith.constant 2 : i32
      %mul3A_23 = arith.muli %scan3A_21, %mul3A_22 : i32
      %mul3A_24 = arith.constant 20000 : i32
      %mul3A_25 = arith.muli %arg1, %mul3A_24 : i32
      %mul3A_26 = arith.constant 80 : i32
      %mul3A_27 = arith.muli %mul3A_23, %mul3A_26 : i32
      %add3A_28 = arith.addi %mul3A_25, %mul3A_27 : i32
      %dma_start3A = arith.constant 0 : i32
      %dma_start3A_29 = arith.constant 0 : i32
      %dma_start3A_30 = tpu.memref_slice %arg6[%dma_start3A, %dma_start3A_29] : memref<2x80xi32, #tpu.memory_space<vmem>> -> memref<1x80xi32, #tpu.memory_space<vmem>>
      %dma_start3A_31 = tpu.memref_squeeze %dma_start3A_30 : memref<1x80xi32, #tpu.memory_space<vmem>> -> memref<80xi32, #tpu.memory_space<vmem>>
      %dma_start3A_32 = tpu.memref_slice %arg3[%add3A_28] : memref<320000xi32, #tpu.memory_space<hbm>> -> memref<80xi32, #tpu.memory_space<hbm>>
      %dma_start3A_33 = arith.constant 0 : i32
      %dma_start3A_34 = tpu.memref_slice %arg6[%dma_start3A, %dma_start3A_33] : memref<2x80xi32, #tpu.memory_space<vmem>> -> memref<1x80xi32, #tpu.memory_space<vmem>>
      %dma_start3A_35 = tpu.memref_squeeze %dma_start3A_34 : memref<1x80xi32, #tpu.memory_space<vmem>> -> memref<80xi32, #tpu.memory_space<vmem>>
      %dma_start3A_36 = tpu.memref_slice %arg3[%add3A_28] : memref<320000xi32, #tpu.memory_space<hbm>> -> memref<80xi32, #tpu.memory_space<hbm>>
      tpu.enqueue_dma source(%dma_start3A_36 : memref<80xi32, #tpu.memory_space<hbm>>) target(%dma_start3A_35 : memref<80xi32, #tpu.memory_space<vmem>>) target_semaphore(%arg9 : memref<!tpu.dma_semaphore, #tpu.memory_space<semaphore_mem>>)
      %dma_start3A_37 = arith.constant 0 : i32
      %dma_start3A_38 = arith.constant 0 : i32
      %dma_start3A_39 = arith.constant 0 : i32
      %dma_start3A_40 = tpu.memref_slice %arg7[%dma_start3A_37, %dma_start3A_38, %dma_start3A_39] : memref<2x80x208xf32, #tpu.memory_space<vmem>> -> memref<1x80x208xf32, #tpu.memory_space<vmem>>
      %dma_start3A_41 = tpu.memref_squeeze %dma_start3A_40 : memref<1x80x208xf32, #tpu.memory_space<vmem>> -> memref<80x208xf32, #tpu.memory_space<vmem>>
      %dma_start3A_42 = arith.constant 0 : i32
      %dma_start3A_43 = tpu.memref_slice %arg2[%add3A_28, %dma_start3A_42] : memref<320000x208xf32, #tpu.memory_space<hbm>> -> memref<80x208xf32, #tpu.memory_space<hbm>>
      %dma_start3A_44 = arith.constant 0 : i32
      %dma_start3A_45 = arith.constant 0 : i32
      %dma_start3A_46 = tpu.memref_slice %arg7[%dma_start3A_37, %dma_start3A_44, %dma_start3A_45] : memref<2x80x208xf32, #tpu.memory_space<vmem>> -> memref<1x80x208xf32, #tpu.memory_space<vmem>>
      %dma_start3A_47 = tpu.memref_squeeze %dma_start3A_46 : memref<1x80x208xf32, #tpu.memory_space<vmem>> -> memref<80x208xf32, #tpu.memory_space<vmem>>
      %dma_start3A_48 = arith.constant 0 : i32
      %dma_start3A_49 = tpu.memref_slice %arg2[%add3A_28, %dma_start3A_48] : memref<320000x208xf32, #tpu.memory_space<hbm>> -> memref<80x208xf32, #tpu.memory_space<hbm>>
      tpu.enqueue_dma source(%dma_start3A_49 : memref<80x208xf32, #tpu.memory_space<hbm>>) target(%dma_start3A_47 : memref<80x208xf32, #tpu.memory_space<vmem>>) target_semaphore(%arg9 : memref<!tpu.dma_semaphore, #tpu.memory_space<semaphore_mem>>)
      %add3A_50 = arith.constant 1 : i32
      %add3A_51 = arith.addi %mul3A_23, %add3A_50 : i32
      %mul3A_52 = arith.constant 20000 : i32
      %mul3A_53 = arith.muli %arg1, %mul3A_52 : i32
      %mul3A_54 = arith.constant 80 : i32
      %mul3A_55 = arith.muli %add3A_51, %mul3A_54 : i32
      %add3A_56 = arith.addi %mul3A_53, %mul3A_55 : i32
      %dma_start3A_57 = arith.constant 1 : i32
      %dma_start3A_58 = arith.constant 0 : i32
      %dma_start3A_59 = tpu.memref_slice %arg6[%dma_start3A_57, %dma_start3A_58] : memref<2x80xi32, #tpu.memory_space<vmem>> -> memref<1x80xi32, #tpu.memory_space<vmem>>
      %dma_start3A_60 = tpu.memref_squeeze %dma_start3A_59 : memref<1x80xi32, #tpu.memory_space<vmem>> -> memref<80xi32, #tpu.memory_space<vmem>>
      %dma_start3A_61 = tpu.memref_slice %arg3[%add3A_56] : memref<320000xi32, #tpu.memory_space<hbm>> -> memref<80xi32, #tpu.memory_space<hbm>>
      %dma_start3A_62 = arith.constant 0 : i32
      %dma_start3A_63 = tpu.memref_slice %arg6[%dma_start3A_57, %dma_start3A_62] : memref<2x80xi32, #tpu.memory_space<vmem>> -> memref<1x80xi32, #tpu.memory_space<vmem>>
      %dma_start3A_64 = tpu.memref_squeeze %dma_start3A_63 : memref<1x80xi32, #tpu.memory_space<vmem>> -> memref<80xi32, #tpu.memory_space<vmem>>
      %dma_start3A_65 = tpu.memref_slice %arg3[%add3A_56] : memref<320000xi32, #tpu.memory_space<hbm>> -> memref<80xi32, #tpu.memory_space<hbm>>
      tpu.enqueue_dma source(%dma_start3A_65 : memref<80xi32, #tpu.memory_space<hbm>>) target(%dma_start3A_64 : memref<80xi32, #tpu.memory_space<vmem>>) target_semaphore(%arg10 : memref<!tpu.dma_semaphore, #tpu.memory_space<semaphore_mem>>)
      %dma_start3A_66 = arith.constant 1 : i32
      %dma_start3A_67 = arith.constant 0 : i32
      %dma_start3A_68 = arith.constant 0 : i32
      %dma_start3A_69 = tpu.memref_slice %arg7[%dma_start3A_66, %dma_start3A_67, %dma_start3A_68] : memref<2x80x208xf32, #tpu.memory_space<vmem>> -> memref<1x80x208xf32, #tpu.memory_space<vmem>>
      %dma_start3A_70 = tpu.memref_squeeze %dma_start3A_69 : memref<1x80x208xf32, #tpu.memory_space<vmem>> -> memref<80x208xf32, #tpu.memory_space<vmem>>
      %dma_start3A_71 = arith.constant 0 : i32
      %dma_start3A_72 = tpu.memref_slice %arg2[%add3A_56, %dma_start3A_71] : memref<320000x208xf32, #tpu.memory_space<hbm>> -> memref<80x208xf32, #tpu.memory_space<hbm>>
      %dma_start3A_73 = arith.constant 0 : i32
      %dma_start3A_74 = arith.constant 0 : i32
      %dma_start3A_75 = tpu.memref_slice %arg7[%dma_start3A_66, %dma_start3A_73, %dma_start3A_74] : memref<2x80x208xf32, #tpu.memory_space<vmem>> -> memref<1x80x208xf32, #tpu.memory_space<vmem>>
      %dma_start3A_76 = tpu.memref_squeeze %dma_start3A_75 : memref<1x80x208xf32, #tpu.memory_space<vmem>> -> memref<80x208xf32, #tpu.memory_space<vmem>>
      %dma_start3A_77 = arith.constant 0 : i32
      %dma_start3A_78 = tpu.memref_slice %arg2[%add3A_56, %dma_start3A_77] : memref<320000x208xf32, #tpu.memory_space<hbm>> -> memref<80x208xf32, #tpu.memory_space<hbm>>
      tpu.enqueue_dma source(%dma_start3A_78 : memref<80x208xf32, #tpu.memory_space<hbm>>) target(%dma_start3A_76 : memref<80x208xf32, #tpu.memory_space<vmem>>) target_semaphore(%arg10 : memref<!tpu.dma_semaphore, #tpu.memory_space<semaphore_mem>>)
      %dma_wait3A = arith.constant 0 : i32
      %dma_wait3A_79 = arith.constant 0 : i32
      %dma_wait3A_80 = tpu.memref_slice %arg6[%dma_wait3A, %dma_wait3A_79] : memref<2x80xi32, #tpu.memory_space<vmem>> -> memref<1x80xi32, #tpu.memory_space<vmem>>
      %dma_wait3A_81 = tpu.memref_squeeze %dma_wait3A_80 : memref<1x80xi32, #tpu.memory_space<vmem>> -> memref<80xi32, #tpu.memory_space<vmem>>
      %dma_wait3A_82 = tpu.memref_slice %arg3[%add3A_28] : memref<320000xi32, #tpu.memory_space<hbm>> -> memref<80xi32, #tpu.memory_space<hbm>>
      %dma_wait3A_83 = arith.constant 0 : i32
      %dma_wait3A_84 = tpu.memref_slice %arg6[%dma_wait3A, %dma_wait3A_83] : memref<2x80xi32, #tpu.memory_space<vmem>> -> memref<1x80xi32, #tpu.memory_space<vmem>>
      %dma_wait3A_85 = tpu.memref_squeeze %dma_wait3A_84 : memref<1x80xi32, #tpu.memory_space<vmem>> -> memref<80xi32, #tpu.memory_space<vmem>>
      %dma_wait3A_86 = tpu.memref_slice %arg3[%add3A_28] : memref<320000xi32, #tpu.memory_space<hbm>> -> memref<80xi32, #tpu.memory_space<hbm>>
      tpu.wait_dma2 semaphore(%arg9 : memref<!tpu.dma_semaphore, #tpu.memory_space<semaphore_mem>>) src(%dma_wait3A_86 : memref<80xi32, #tpu.memory_space<hbm>>) dst(%dma_wait3A_85 : memref<80xi32, #tpu.memory_space<vmem>>)
      %dma_wait3A_87 = arith.constant 0 : i32
      %dma_wait3A_88 = arith.constant 0 : i32
      %dma_wait3A_89 = arith.constant 0 : i32
      %dma_wait3A_90 = tpu.memref_slice %arg7[%dma_wait3A_87, %dma_wait3A_88, %dma_wait3A_89] : memref<2x80x208xf32, #tpu.memory_space<vmem>> -> memref<1x80x208xf32, #tpu.memory_space<vmem>>
      %dma_wait3A_91 = tpu.memref_squeeze %dma_wait3A_90 : memref<1x80x208xf32, #tpu.memory_space<vmem>> -> memref<80x208xf32, #tpu.memory_space<vmem>>
      %dma_wait3A_92 = arith.constant 0 : i32
      %dma_wait3A_93 = tpu.memref_slice %arg2[%add3A_28, %dma_wait3A_92] : memref<320000x208xf32, #tpu.memory_space<hbm>> -> memref<80x208xf32, #tpu.memory_space<hbm>>
      %dma_wait3A_94 = arith.constant 0 : i32
      %dma_wait3A_95 = arith.constant 0 : i32
      %dma_wait3A_96 = tpu.memref_slice %arg7[%dma_wait3A_87, %dma_wait3A_94, %dma_wait3A_95] : memref<2x80x208xf32, #tpu.memory_space<vmem>> -> memref<1x80x208xf32, #tpu.memory_space<vmem>>
      %dma_wait3A_97 = tpu.memref_squeeze %dma_wait3A_96 : memref<1x80x208xf32, #tpu.memory_space<vmem>> -> memref<80x208xf32, #tpu.memory_space<vmem>>
      %dma_wait3A_98 = arith.constant 0 : i32
      %dma_wait3A_99 = tpu.memref_slice %arg2[%add3A_28, %dma_wait3A_98] : memref<320000x208xf32, #tpu.memory_space<hbm>> -> memref<80x208xf32, #tpu.memory_space<hbm>>
      tpu.wait_dma2 semaphore(%arg9 : memref<!tpu.dma_semaphore, #tpu.memory_space<semaphore_mem>>) src(%dma_wait3A_99 : memref<80x208xf32, #tpu.memory_space<hbm>>) dst(%dma_wait3A_97 : memref<80x208xf32, #tpu.memory_space<vmem>>)
      %get3A = arith.constant 0 : i32
      %get3A_100 = arith.index_cast %get3A : i32 to index
      %get3A_101 = arith.constant 0 : index
      %get3A_102 = tpu.vector_load %arg6[%get3A_100, %get3A_101] {strides = array<i32>} : memref<2x80xi32, #tpu.memory_space<vmem>>, vector<1x16xi32>,
      %get3A_103 = vector.shape_cast %get3A_102 : vector<1x16xi32> to vector<16xi32>
      %sub3A = vector.broadcast %mul3A_0 : i32 to vector<16xi32>
      %sub3A_104 = arith.subi %get3A_103, %sub3A : vector<16xi32>
      %ge3A = arith.constant 0 : i32
      %ge3A_105 = vector.broadcast %ge3A : i32 to vector<16xi32>
      %ge3A_106 = arith.cmpi sge, %sub3A_104, %ge3A_105 : vector<16xi32>
      %lt3A_107 = arith.constant 5000 : i32
      %lt3A_108 = vector.broadcast %lt3A_107 : i32 to vector<16xi32>
      %lt3A_109 = arith.cmpi slt, %sub3A_104, %lt3A_108 : vector<16xi32>
      %and3A = arith.andi %ge3A_106, %lt3A_109 : vector<16xi1>
      %jit3A = arith.constant 5000 : i32
      %broadcast_in_dim3A = vector.broadcast %jit3A : i32 to vector<16xi32>
      %select_n3A = arith.select %and3A, %sub3A_104, %broadcast_in_dim3A : vector<16xi1>, vector<16xi32>
      %swap3A = arith.constant 0 : i32
      %swap3A_110 = arith.index_cast %swap3A : i32 to index
      %swap3A_111 = arith.constant 0 : index
      %swap3A_112 = tpu.vector_load %arg6[%swap3A_110, %swap3A_111] {strides = array<i32>} : memref<2x80xi32, #tpu.memory_space<vmem>>, vector<1x16xi32>,
      %swap3A_113 = vector.shape_cast %swap3A_112 : vector<1x16xi32> to vector<16xi32>
      %swap3A_114 = vector.shape_cast %select_n3A : vector<16xi32> to vector<1x16xi32>
      tpu.vector_store %arg6[%swap3A_110, %swap3A_111], %swap3A_114 {strides = array<i32>} : memref<2x80xi32, #tpu.memory_space<vmem>>, vector<1x16xi32>,
      %get3A_115 = arith.constant 0 : i32
      %get3A_116 = arith.index_cast %get3A_115 : i32 to index
      %get3A_117 = arith.constant 16 : index
      %get3A_118 = tpu.vector_load %arg6[%get3A_116, %get3A_117] {strides = array<i32>} : memref<2x80xi32, #tpu.memory_space<vmem>>, vector<1x16xi32>,
      %get3A_119 = vector.shape_cast %get3A_118 : vector<1x16xi32> to vector<16xi32>
      %sub3A_120 = vector.broadcast %mul3A_0 : i32 to vector<16xi32>
      %sub3A_121 = arith.subi %get3A_119, %sub3A_120 : vector<16xi32>
      %ge3A_122 = arith.constant 0 : i32
      %ge3A_123 = vector.broadcast %ge3A_122 : i32 to vector<16xi32>
      %ge3A_124 = arith.cmpi sge, %sub3A_121, %ge3A_123 : vector<16xi32>
      %lt3A_125 = arith.constant 5000 : i32
      %lt3A_126 = vector.broadcast %lt3A_125 : i32 to vector<16xi32>
      %lt3A_127 = arith.cmpi slt, %sub3A_121, %lt3A_126 : vector<16xi32>
      %and3A_128 = arith.andi %ge3A_124, %lt3A_127 : vector<16xi1>
      %jit3A_129 = arith.constant 5000 : i32
      %broadcast_in_dim3A_130 = vector.broadcast %jit3A_129 : i32 to vector<16xi32>
      %select_n3A_131 = arith.select %and3A_128, %sub3A_121, %broadcast_in_dim3A_130 : vector<16xi1>, vector<16xi32>
      %swap3A_132 = arith.constant 0 : i32
      %swap3A_133 = arith.index_cast %swap3A_132 : i32 to index
      %swap3A_134 = arith.constant 16 : index
      %swap3A_135 = tpu.vector_load %arg6[%swap3A_133, %swap3A_134] {strides = array<i32>} : memref<2x80xi32, #tpu.memory_space<vmem>>, vector<1x16xi32>,
      %swap3A_136 = vector.shape_cast %swap3A_135 : vector<1x16xi32> to vector<16xi32>
      %swap3A_137 = vector.shape_cast %select_n3A_131 : vector<16xi32> to vector<1x16xi32>
      tpu.vector_store %arg6[%swap3A_133, %swap3A_134], %swap3A_137 {strides = array<i32>} : memref<2x80xi32, #tpu.memory_space<vmem>>, vector<1x16xi32>,
      %get3A_138 = arith.constant 0 : i32
      %get3A_139 = arith.index_cast %get3A_138 : i32 to index
      %get3A_140 = arith.constant 32 : index
      %get3A_141 = tpu.vector_load %arg6[%get3A_139, %get3A_140] {strides = array<i32>} : memref<2x80xi32, #tpu.memory_space<vmem>>, vector<1x16xi32>,
      %get3A_142 = vector.shape_cast %get3A_141 : vector<1x16xi32> to vector<16xi32>
      %sub3A_143 = vector.broadcast %mul3A_0 : i32 to vector<16xi32>
      %sub3A_144 = arith.subi %get3A_142, %sub3A_143 : vector<16xi32>
      %ge3A_145 = arith.constant 0 : i32
      %ge3A_146 = vector.broadcast %ge3A_145 : i32 to vector<16xi32>
      %ge3A_147 = arith.cmpi sge, %sub3A_144, %ge3A_146 : vector<16xi32>
      %lt3A_148 = arith.constant 5000 : i32
      %lt3A_149 = vector.broadcast %lt3A_148 : i32 to vector<16xi32>
      %lt3A_150 = arith.cmpi slt, %sub3A_144, %lt3A_149 : vector<16xi32>
      %and3A_151 = arith.andi %ge3A_147, %lt3A_150 : vector<16xi1>
      %jit3A_152 = arith.constant 5000 : i32
      %broadcast_in_dim3A_153 = vector.broadcast %jit3A_152 : i32 to vector<16xi32>
      %select_n3A_154 = arith.select %and3A_151, %sub3A_144, %broadcast_in_dim3A_153 : vector<16xi1>, vector<16xi32>
      %swap3A_155 = arith.constant 0 : i32
      %swap3A_156 = arith.index_cast %swap3A_155 : i32 to index
      %swap3A_157 = arith.constant 32 : index
      %swap3A_158 = tpu.vector_load %arg6[%swap3A_156, %swap3A_157] {strides = array<i32>} : memref<2x80xi32, #tpu.memory_space<vmem>>, vector<1x16xi32>,
      %swap3A_159 = vector.shape_cast %swap3A_158 : vector<1x16xi32> to vector<16xi32>
      %swap3A_160 = vector.shape_cast %select_n3A_154 : vector<16xi32> to vector<1x16xi32>
      tpu.vector_store %arg6[%swap3A_156, %swap3A_157], %swap3A_160 {strides = array<i32>} : memref<2x80xi32, #tpu.memory_space<vmem>>, vector<1x16xi32>,
      %get3A_161 = arith.constant 0 : i32
      %get3A_162 = arith.index_cast %get3A_161 : i32 to index
      %get3A_163 = arith.constant 48 : index
      %get3A_164 = tpu.vector_load %arg6[%get3A_162, %get3A_163] {strides = array<i32>} : memref<2x80xi32, #tpu.memory_space<vmem>>, vector<1x16xi32>,
      %get3A_165 = vector.shape_cast %get3A_164 : vector<1x16xi32> to vector<16xi32>
      %sub3A_166 = vector.broadcast %mul3A_0 : i32 to vector<16xi32>
      %sub3A_167 = arith.subi %get3A_165, %sub3A_166 : vector<16xi32>
      %ge3A_168 = arith.constant 0 : i32
      %ge3A_169 = vector.broadcast %ge3A_168 : i32 to vector<16xi32>
      %ge3A_170 = arith.cmpi sge, %sub3A_167, %ge3A_169 : vector<16xi32>
      %lt3A_171 = arith.constant 5000 : i32
      %lt3A_172 = vector.broadcast %lt3A_171 : i32 to vector<16xi32>
      %lt3A_173 = arith.cmpi slt, %sub3A_167, %lt3A_172 : vector<16xi32>
      %and3A_174 = arith.andi %ge3A_170, %lt3A_173 : vector<16xi1>
      %jit3A_175 = arith.constant 5000 : i32
      %broadcast_in_dim3A_176 = vector.broadcast %jit3A_175 : i32 to vector<16xi32>
      %select_n3A_177 = arith.select %and3A_174, %sub3A_167, %broadcast_in_dim3A_176 : vector<16xi1>, vector<16xi32>
      %swap3A_178 = arith.constant 0 : i32
      %swap3A_179 = arith.index_cast %swap3A_178 : i32 to index
      %swap3A_180 = arith.constant 48 : index
      %swap3A_181 = tpu.vector_load %arg6[%swap3A_179, %swap3A_180] {strides = array<i32>} : memref<2x80xi32, #tpu.memory_space<vmem>>, vector<1x16xi32>,
      %swap3A_182 = vector.shape_cast %swap3A_181 : vector<1x16xi32> to vector<16xi32>
      %swap3A_183 = vector.shape_cast %select_n3A_177 : vector<16xi32> to vector<1x16xi32>
      tpu.vector_store %arg6[%swap3A_179, %swap3A_180], %swap3A_183 {strides = array<i32>} : memref<2x80xi32, #tpu.memory_space<vmem>>, vector<1x16xi32>,
      %get3A_184 = arith.constant 0 : i32
      %get3A_185 = arith.index_cast %get3A_184 : i32 to index
      %get3A_186 = arith.constant 64 : index
      %get3A_187 = tpu.vector_load %arg6[%get3A_185, %get3A_186] {strides = array<i32>} : memref<2x80xi32, #tpu.memory_space<vmem>>, vector<1x16xi32>,
      %get3A_188 = vector.shape_cast %get3A_187 : vector<1x16xi32> to vector<16xi32>
      %sub3A_189 = vector.broadcast %mul3A_0 : i32 to vector<16xi32>
      %sub3A_190 = arith.subi %get3A_188, %sub3A_189 : vector<16xi32>
      %ge3A_191 = arith.constant 0 : i32
      %ge3A_192 = vector.broadcast %ge3A_191 : i32 to vector<16xi32>
      %ge3A_193 = arith.cmpi sge, %sub3A_190, %ge3A_192 : vector<16xi32>
      %lt3A_194 = arith.constant 5000 : i32
      %lt3A_195 = vector.broadcast %lt3A_194 : i32 to vector<16xi32>
      %lt3A_196 = arith.cmpi slt, %sub3A_190, %lt3A_195 : vector<16xi32>
      %and3A_197 = arith.andi %ge3A_193, %lt3A_196 : vector<16xi1>
      %jit3A_198 = arith.constant 5000 : i32
      %broadcast_in_dim3A_199 = vector.broadcast %jit3A_198 : i32 to vector<16xi32>
      %select_n3A_200 = arith.select %and3A_197, %sub3A_190, %broadcast_in_dim3A_199 : vector<16xi1>, vector<16xi32>
      %swap3A_201 = arith.constant 0 : i32
      %swap3A_202 = arith.index_cast %swap3A_201 : i32 to index
      %swap3A_203 = arith.constant 64 : index
      %swap3A_204 = tpu.vector_load %arg6[%swap3A_202, %swap3A_203] {strides = array<i32>} : memref<2x80xi32, #tpu.memory_space<vmem>>, vector<1x16xi32>,
      %swap3A_205 = vector.shape_cast %swap3A_204 : vector<1x16xi32> to vector<16xi32>
      %swap3A_206 = vector.shape_cast %select_n3A_200 : vector<16xi32> to vector<1x16xi32>
      tpu.vector_store %arg6[%swap3A_202, %swap3A_203], %swap3A_206 {strides = array<i32>} : memref<2x80xi32, #tpu.memory_space<vmem>>, vector<1x16xi32>,
      %run_scoped3A = arith.constant 0 : i32
      %run_scoped3A_207 = arith.constant 0 : i32
      "tpu.region"() ({
        %run_scoped3A_347 = tpu.sem_alloc : memref<!tpu.dma_semaphore, #tpu.memory_space<semaphore_mem>>
        %dma_start3A_348 = arith.constant 0 : i32
        %dma_start3A_349 = arith.constant 0 : i32
        %dma_start3A_350 = tpu.memref_slice %arg7[%run_scoped3A, %dma_start3A_348, %dma_start3A_349] : memref<2x80x208xf32, #tpu.memory_space<vmem>> -> memref<1x80x208xf32, #tpu.memory_space<vmem>>
        %dma_start3A_351 = tpu.memref_squeeze %dma_start3A_350 : memref<1x80x208xf32, #tpu.memory_space<vmem>> -> memref<80x208xf32, #tpu.memory_space<vmem>>
        %dma_start3A_352 = arith.constant 0 : i32
        %dma_start3A_353 = tpu.memref_slice %arg6[%run_scoped3A_207, %dma_start3A_352] : memref<2x80xi32, #tpu.memory_space<vmem>> -> memref<1x80xi32, #tpu.memory_space<vmem>>
        %dma_start3A_354 = tpu.memref_squeeze %dma_start3A_353 : memref<1x80xi32, #tpu.memory_space<vmem>> -> memref<80xi32, #tpu.memory_space<vmem>>
        %dma_start3A_355 = arith.constant 0 : i32
        %dma_start3A_356 = arith.constant 0 : i32
        %dma_start3A_357 = tpu.memref_slice %arg8[%dma_start3A_355, %dma_start3A_356] : memref<5008x208xf32, #tpu.memory_space<vmem_shared>> -> memref<5008x208xf32, #tpu.memory_space<vmem_shared>>
        tpu.enqueue_indirect_dma source(%dma_start3A_351 : memref<80x208xf32, #tpu.memory_space<vmem>>) target(%dma_start3A_357 : memref<5008x208xf32, #tpu.memory_space<vmem_shared>>) offsets(%dma_start3A_354 : memref<80xi32, #tpu.memory_space<vmem>>) semaphore(%run_scoped3A_347 : memref<!tpu.dma_semaphore, #tpu.memory_space<semaphore_mem>>) {add = true}
        %dma_wait3A_358 = arith.constant 0 : i32
        %dma_wait3A_359 = arith.constant 0 : i32
        %dma_wait3A_360 = tpu.memref_slice %arg7[%run_scoped3A, %dma_wait3A_358, %dma_wait3A_359] : memref<2x80x208xf32, #tpu.memory_space<vmem>> -> memref<1x80x208xf32, #tpu.memory_space<vmem>>
        %dma_wait3A_361 = tpu.memref_squeeze %dma_wait3A_360 : memref<1x80x208xf32, #tpu.memory_space<vmem>> -> memref<80x208xf32, #tpu.memory_space<vmem>>
        %dma_wait3A_362 = arith.constant 0 : i32
        %dma_wait3A_363 = tpu.memref_slice %arg6[%run_scoped3A_207, %dma_wait3A_362] : memref<2x80xi32, #tpu.memory_space<vmem>> -> memref<1x80xi32, #tpu.memory_space<vmem>>
        %dma_wait3A_364 = tpu.memref_squeeze %dma_wait3A_363 : memref<1x80xi32, #tpu.memory_space<vmem>> -> memref<80xi32, #tpu.memory_space<vmem>>
        %dma_wait3A_365 = arith.constant 0 : i32
        %dma_wait3A_366 = arith.constant 0 : i32
        %dma_wait3A_367 = tpu.memref_slice %arg8[%dma_wait3A_365, %dma_wait3A_366] : memref<5008x208xf32, #tpu.memory_space<vmem_shared>> -> memref<5008x208xf32, #tpu.memory_space<vmem_shared>>
        tpu.wait_indirect_dma semaphore(%run_scoped3A_347 : memref<!tpu.dma_semaphore, #tpu.memory_space<semaphore_mem>>) src(%dma_wait3A_361 : memref<80x208xf32, #tpu.memory_space<vmem>>) dst(%dma_wait3A_367 : memref<5008x208xf32, #tpu.memory_space<vmem_shared>>)
        tpu.yield
      }) : () -> ()
      %dma_wait3A_208 = arith.constant 1 : i32
      %dma_wait3A_209 = arith.constant 0 : i32
      %dma_wait3A_210 = tpu.memref_slice %arg6[%dma_wait3A_208, %dma_wait3A_209] : memref<2x80xi32, #tpu.memory_space<vmem>> -> memref<1x80xi32, #tpu.memory_space<vmem>>
      %dma_wait3A_211 = tpu.memref_squeeze %dma_wait3A_210 : memref<1x80xi32, #tpu.memory_space<vmem>> -> memref<80xi32, #tpu.memory_space<vmem>>
      %dma_wait3A_212 = tpu.memref_slice %arg3[%add3A_56] : memref<320000xi32, #tpu.memory_space<hbm>> -> memref<80xi32, #tpu.memory_space<hbm>>
      %dma_wait3A_213 = arith.constant 0 : i32
      %dma_wait3A_214 = tpu.memref_slice %arg6[%dma_wait3A_208, %dma_wait3A_213] : memref<2x80xi32, #tpu.memory_space<vmem>> -> memref<1x80xi32, #tpu.memory_space<vmem>>
      %dma_wait3A_215 = tpu.memref_squeeze %dma_wait3A_214 : memref<1x80xi32, #tpu.memory_space<vmem>> -> memref<80xi32, #tpu.memory_space<vmem>>
      %dma_wait3A_216 = tpu.memref_slice %arg3[%add3A_56] : memref<320000xi32, #tpu.memory_space<hbm>> -> memref<80xi32, #tpu.memory_space<hbm>>
      tpu.wait_dma2 semaphore(%arg10 : memref<!tpu.dma_semaphore, #tpu.memory_space<semaphore_mem>>) src(%dma_wait3A_216 : memref<80xi32, #tpu.memory_space<hbm>>) dst(%dma_wait3A_215 : memref<80xi32, #tpu.memory_space<vmem>>)
      %dma_wait3A_217 = arith.constant 1 : i32
      %dma_wait3A_218 = arith.constant 0 : i32
      %dma_wait3A_219 = arith.constant 0 : i32
      %dma_wait3A_220 = tpu.memref_slice %arg7[%dma_wait3A_217, %dma_wait3A_218, %dma_wait3A_219] : memref<2x80x208xf32, #tpu.memory_space<vmem>> -> memref<1x80x208xf32, #tpu.memory_space<vmem>>
      %dma_wait3A_221 = tpu.memref_squeeze %dma_wait3A_220 : memref<1x80x208xf32, #tpu.memory_space<vmem>> -> memref<80x208xf32, #tpu.memory_space<vmem>>
      %dma_wait3A_222 = arith.constant 0 : i32
      %dma_wait3A_223 = tpu.memref_slice %arg2[%add3A_56, %dma_wait3A_222] : memref<320000x208xf32, #tpu.memory_space<hbm>> -> memref<80x208xf32, #tpu.memory_space<hbm>>
      %dma_wait3A_224 = arith.constant 0 : i32
      %dma_wait3A_225 = arith.constant 0 : i32
      %dma_wait3A_226 = tpu.memref_slice %arg7[%dma_wait3A_217, %dma_wait3A_224, %dma_wait3A_225] : memref<2x80x208xf32, #tpu.memory_space<vmem>> -> memref<1x80x208xf32, #tpu.memory_space<vmem>>
      %dma_wait3A_227 = tpu.memref_squeeze %dma_wait3A_226 : memref<1x80x208xf32, #tpu.memory_space<vmem>> -> memref<80x208xf32, #tpu.memory_space<vmem>>
      %dma_wait3A_228 = arith.constant 0 : i32
      %dma_wait3A_229 = tpu.memref_slice %arg2[%add3A_56, %dma_wait3A_228] : memref<320000x208xf32, #tpu.memory_space<hbm>> -> memref<80x208xf32, #tpu.memory_space<hbm>>
      tpu.wait_dma2 semaphore(%arg10 : memref<!tpu.dma_semaphore, #tpu.memory_space<semaphore_mem>>) src(%dma_wait3A_229 : memref<80x208xf32, #tpu.memory_space<hbm>>) dst(%dma_wait3A_227 : memref<80x208xf32, #tpu.memory_space<vmem>>)
      %get3A_230 = arith.constant 1 : i32
      %get3A_231 = arith.index_cast %get3A_230 : i32 to index
      %get3A_232 = arith.constant 0 : index
      %get3A_233 = tpu.vector_load %arg6[%get3A_231, %get3A_232] {strides = array<i32>} : memref<2x80xi32, #tpu.memory_space<vmem>>, vector<1x16xi32>,
      %get3A_234 = vector.shape_cast %get3A_233 : vector<1x16xi32> to vector<16xi32>
      %sub3A_235 = vector.broadcast %mul3A_0 : i32 to vector<16xi32>
      %sub3A_236 = arith.subi %get3A_234, %sub3A_235 : vector<16xi32>
      %ge3A_237 = arith.constant 0 : i32
      %ge3A_238 = vector.broadcast %ge3A_237 : i32 to vector<16xi32>
      %ge3A_239 = arith.cmpi sge, %sub3A_236, %ge3A_238 : vector<16xi32>
      %lt3A_240 = arith.constant 5000 : i32
      %lt3A_241 = vector.broadcast %lt3A_240 : i32 to vector<16xi32>
      %lt3A_242 = arith.cmpi slt, %sub3A_236, %lt3A_241 : vector<16xi32>
      %and3A_243 = arith.andi %ge3A_239, %lt3A_242 : vector<16xi1>
      %jit3A_244 = arith.constant 5000 : i32
      %broadcast_in_dim3A_245 = vector.broadcast %jit3A_244 : i32 to vector<16xi32>
      %select_n3A_246 = arith.select %and3A_243, %sub3A_236, %broadcast_in_dim3A_245 : vector<16xi1>, vector<16xi32>
      %swap3A_247 = arith.constant 1 : i32
      %swap3A_248 = arith.index_cast %swap3A_247 : i32 to index
      %swap3A_249 = arith.constant 0 : index
      %swap3A_250 = tpu.vector_load %arg6[%swap3A_248, %swap3A_249] {strides = array<i32>} : memref<2x80xi32, #tpu.memory_space<vmem>>, vector<1x16xi32>,
      %swap3A_251 = vector.shape_cast %swap3A_250 : vector<1x16xi32> to vector<16xi32>
      %swap3A_252 = vector.shape_cast %select_n3A_246 : vector<16xi32> to vector<1x16xi32>
      tpu.vector_store %arg6[%swap3A_248, %swap3A_249], %swap3A_252 {strides = array<i32>} : memref<2x80xi32, #tpu.memory_space<vmem>>, vector<1x16xi32>,
      %get3A_253 = arith.constant 1 : i32
      %get3A_254 = arith.index_cast %get3A_253 : i32 to index
      %get3A_255 = arith.constant 16 : index
      %get3A_256 = tpu.vector_load %arg6[%get3A_254, %get3A_255] {strides = array<i32>} : memref<2x80xi32, #tpu.memory_space<vmem>>, vector<1x16xi32>,
      %get3A_257 = vector.shape_cast %get3A_256 : vector<1x16xi32> to vector<16xi32>
      %sub3A_258 = vector.broadcast %mul3A_0 : i32 to vector<16xi32>
      %sub3A_259 = arith.subi %get3A_257, %sub3A_258 : vector<16xi32>
      %ge3A_260 = arith.constant 0 : i32
      %ge3A_261 = vector.broadcast %ge3A_260 : i32 to vector<16xi32>
      %ge3A_262 = arith.cmpi sge, %sub3A_259, %ge3A_261 : vector<16xi32>
      %lt3A_263 = arith.constant 5000 : i32
      %lt3A_264 = vector.broadcast %lt3A_263 : i32 to vector<16xi32>
      %lt3A_265 = arith.cmpi slt, %sub3A_259, %lt3A_264 : vector<16xi32>
      %and3A_266 = arith.andi %ge3A_262, %lt3A_265 : vector<16xi1>
      %jit3A_267 = arith.constant 5000 : i32
      %broadcast_in_dim3A_268 = vector.broadcast %jit3A_267 : i32 to vector<16xi32>
      %select_n3A_269 = arith.select %and3A_266, %sub3A_259, %broadcast_in_dim3A_268 : vector<16xi1>, vector<16xi32>
      %swap3A_270 = arith.constant 1 : i32
      %swap3A_271 = arith.index_cast %swap3A_270 : i32 to index
      %swap3A_272 = arith.constant 16 : index
      %swap3A_273 = tpu.vector_load %arg6[%swap3A_271, %swap3A_272] {strides = array<i32>} : memref<2x80xi32, #tpu.memory_space<vmem>>, vector<1x16xi32>,
      %swap3A_274 = vector.shape_cast %swap3A_273 : vector<1x16xi32> to vector<16xi32>
      %swap3A_275 = vector.shape_cast %select_n3A_269 : vector<16xi32> to vector<1x16xi32>
      tpu.vector_store %arg6[%swap3A_271, %swap3A_272], %swap3A_275 {strides = array<i32>} : memref<2x80xi32, #tpu.memory_space<vmem>>, vector<1x16xi32>,
      %get3A_276 = arith.constant 1 : i32
      %get3A_277 = arith.index_cast %get3A_276 : i32 to index
      %get3A_278 = arith.constant 32 : index
      %get3A_279 = tpu.vector_load %arg6[%get3A_277, %get3A_278] {strides = array<i32>} : memref<2x80xi32, #tpu.memory_space<vmem>>, vector<1x16xi32>,
      %get3A_280 = vector.shape_cast %get3A_279 : vector<1x16xi32> to vector<16xi32>
      %sub3A_281 = vector.broadcast %mul3A_0 : i32 to vector<16xi32>
      %sub3A_282 = arith.subi %get3A_280, %sub3A_281 : vector<16xi32>
      %ge3A_283 = arith.constant 0 : i32
      %ge3A_284 = vector.broadcast %ge3A_283 : i32 to vector<16xi32>
      %ge3A_285 = arith.cmpi sge, %sub3A_282, %ge3A_284 : vector<16xi32>
      %lt3A_286 = arith.constant 5000 : i32
      %lt3A_287 = vector.broadcast %lt3A_286 : i32 to vector<16xi32>
      %lt3A_288 = arith.cmpi slt, %sub3A_282, %lt3A_287 : vector<16xi32>
      %and3A_289 = arith.andi %ge3A_285, %lt3A_288 : vector<16xi1>
      %jit3A_290 = arith.constant 5000 : i32
      %broadcast_in_dim3A_291 = vector.broadcast %jit3A_290 : i32 to vector<16xi32>
      %select_n3A_292 = arith.select %and3A_289, %sub3A_282, %broadcast_in_dim3A_291 : vector<16xi1>, vector<16xi32>
      %swap3A_293 = arith.constant 1 : i32
      %swap3A_294 = arith.index_cast %swap3A_293 : i32 to index
      %swap3A_295 = arith.constant 32 : index
      %swap3A_296 = tpu.vector_load %arg6[%swap3A_294, %swap3A_295] {strides = array<i32>} : memref<2x80xi32, #tpu.memory_space<vmem>>, vector<1x16xi32>,
      %swap3A_297 = vector.shape_cast %swap3A_296 : vector<1x16xi32> to vector<16xi32>
      %swap3A_298 = vector.shape_cast %select_n3A_292 : vector<16xi32> to vector<1x16xi32>
      tpu.vector_store %arg6[%swap3A_294, %swap3A_295], %swap3A_298 {strides = array<i32>} : memref<2x80xi32, #tpu.memory_space<vmem>>, vector<1x16xi32>,
      %get3A_299 = arith.constant 1 : i32
      %get3A_300 = arith.index_cast %get3A_299 : i32 to index
      %get3A_301 = arith.constant 48 : index
      %get3A_302 = tpu.vector_load %arg6[%get3A_300, %get3A_301] {strides = array<i32>} : memref<2x80xi32, #tpu.memory_space<vmem>>, vector<1x16xi32>,
      %get3A_303 = vector.shape_cast %get3A_302 : vector<1x16xi32> to vector<16xi32>
      %sub3A_304 = vector.broadcast %mul3A_0 : i32 to vector<16xi32>
      %sub3A_305 = arith.subi %get3A_303, %sub3A_304 : vector<16xi32>
      %ge3A_306 = arith.constant 0 : i32
      %ge3A_307 = vector.broadcast %ge3A_306 : i32 to vector<16xi32>
      %ge3A_308 = arith.cmpi sge, %sub3A_305, %ge3A_307 : vector<16xi32>
      %lt3A_309 = arith.constant 5000 : i32
      %lt3A_310 = vector.broadcast %lt3A_309 : i32 to vector<16xi32>
      %lt3A_311 = arith.cmpi slt, %sub3A_305, %lt3A_310 : vector<16xi32>
      %and3A_312 = arith.andi %ge3A_308, %lt3A_311 : vector<16xi1>
      %jit3A_313 = arith.constant 5000 : i32
      %broadcast_in_dim3A_314 = vector.broadcast %jit3A_313 : i32 to vector<16xi32>
      %select_n3A_315 = arith.select %and3A_312, %sub3A_305, %broadcast_in_dim3A_314 : vector<16xi1>, vector<16xi32>
      %swap3A_316 = arith.constant 1 : i32
      %swap3A_317 = arith.index_cast %swap3A_316 : i32 to index
      %swap3A_318 = arith.constant 48 : index
      %swap3A_319 = tpu.vector_load %arg6[%swap3A_317, %swap3A_318] {strides = array<i32>} : memref<2x80xi32, #tpu.memory_space<vmem>>, vector<1x16xi32>,
      %swap3A_320 = vector.shape_cast %swap3A_319 : vector<1x16xi32> to vector<16xi32>
      %swap3A_321 = vector.shape_cast %select_n3A_315 : vector<16xi32> to vector<1x16xi32>
      tpu.vector_store %arg6[%swap3A_317, %swap3A_318], %swap3A_321 {strides = array<i32>} : memref<2x80xi32, #tpu.memory_space<vmem>>, vector<1x16xi32>,
      %get3A_322 = arith.constant 1 : i32
      %get3A_323 = arith.index_cast %get3A_322 : i32 to index
      %get3A_324 = arith.constant 64 : index
      %get3A_325 = tpu.vector_load %arg6[%get3A_323, %get3A_324] {strides = array<i32>} : memref<2x80xi32, #tpu.memory_space<vmem>>, vector<1x16xi32>,
      %get3A_326 = vector.shape_cast %get3A_325 : vector<1x16xi32> to vector<16xi32>
      %sub3A_327 = vector.broadcast %mul3A_0 : i32 to vector<16xi32>
      %sub3A_328 = arith.subi %get3A_326, %sub3A_327 : vector<16xi32>
      %ge3A_329 = arith.constant 0 : i32
      %ge3A_330 = vector.broadcast %ge3A_329 : i32 to vector<16xi32>
      %ge3A_331 = arith.cmpi sge, %sub3A_328, %ge3A_330 : vector<16xi32>
      %lt3A_332 = arith.constant 5000 : i32
      %lt3A_333 = vector.broadcast %lt3A_332 : i32 to vector<16xi32>
      %lt3A_334 = arith.cmpi slt, %sub3A_328, %lt3A_333 : vector<16xi32>
      %and3A_335 = arith.andi %ge3A_331, %lt3A_334 : vector<16xi1>
      %jit3A_336 = arith.constant 5000 : i32
      %broadcast_in_dim3A_337 = vector.broadcast %jit3A_336 : i32 to vector<16xi32>
      %select_n3A_338 = arith.select %and3A_335, %sub3A_328, %broadcast_in_dim3A_337 : vector<16xi1>, vector<16xi32>
      %swap3A_339 = arith.constant 1 : i32
      %swap3A_340 = arith.index_cast %swap3A_339 : i32 to index
      %swap3A_341 = arith.constant 64 : index
      %swap3A_342 = tpu.vector_load %arg6[%swap3A_340, %swap3A_341] {strides = array<i32>} : memref<2x80xi32, #tpu.memory_space<vmem>>, vector<1x16xi32>,
      %swap3A_343 = vector.shape_cast %swap3A_342 : vector<1x16xi32> to vector<16xi32>
      %swap3A_344 = vector.shape_cast %select_n3A_338 : vector<16xi32> to vector<1x16xi32>
      tpu.vector_store %arg6[%swap3A_340, %swap3A_341], %swap3A_344 {strides = array<i32>} : memref<2x80xi32, #tpu.memory_space<vmem>>, vector<1x16xi32>,
      %run_scoped3A_345 = arith.constant 1 : i32
      %run_scoped3A_346 = arith.constant 1 : i32
      "tpu.region"() ({
        %run_scoped3A_347 = tpu.sem_alloc : memref<!tpu.dma_semaphore, #tpu.memory_space<semaphore_mem>>
        %dma_start3A_348 = arith.constant 0 : i32
        %dma_start3A_349 = arith.constant 0 : i32
        %dma_start3A_350 = tpu.memref_slice %arg7[%run_scoped3A_345, %dma_start3A_348, %dma_start3A_349] : memref<2x80x208xf32, #tpu.memory_space<vmem>> -> memref<1x80x208xf32, #tpu.memory_space<vmem>>
        %dma_start3A_351 = tpu.memref_squeeze %dma_start3A_350 : memref<1x80x208xf32, #tpu.memory_space<vmem>> -> memref<80x208xf32, #tpu.memory_space<vmem>>
        %dma_start3A_352 = arith.constant 0 : i32
        %dma_start3A_353 = tpu.memref_slice %arg6[%run_scoped3A_346, %dma_start3A_352] : memref<2x80xi32, #tpu.memory_space<vmem>> -> memref<1x80xi32, #tpu.memory_space<vmem>>
        %dma_start3A_354 = tpu.memref_squeeze %dma_start3A_353 : memref<1x80xi32, #tpu.memory_space<vmem>> -> memref<80xi32, #tpu.memory_space<vmem>>
        %dma_start3A_355 = arith.constant 0 : i32
        %dma_start3A_356 = arith.constant 0 : i32
        %dma_start3A_357 = tpu.memref_slice %arg8[%dma_start3A_355, %dma_start3A_356] : memref<5008x208xf32, #tpu.memory_space<vmem_shared>> -> memref<5008x208xf32, #tpu.memory_space<vmem_shared>>
        tpu.enqueue_indirect_dma source(%dma_start3A_351 : memref<80x208xf32, #tpu.memory_space<vmem>>) target(%dma_start3A_357 : memref<5008x208xf32, #tpu.memory_space<vmem_shared>>) offsets(%dma_start3A_354 : memref<80xi32, #tpu.memory_space<vmem>>) semaphore(%run_scoped3A_347 : memref<!tpu.dma_semaphore, #tpu.memory_space<semaphore_mem>>) {add = true}
        %dma_wait3A_358 = arith.constant 0 : i32
        %dma_wait3A_359 = arith.constant 0 : i32
        %dma_wait3A_360 = tpu.memref_slice %arg7[%run_scoped3A_345, %dma_wait3A_358, %dma_wait3A_359] : memref<2x80x208xf32, #tpu.memory_space<vmem>> -> memref<1x80x208xf32, #tpu.memory_space<vmem>>
        %dma_wait3A_361 = tpu.memref_squeeze %dma_wait3A_360 : memref<1x80x208xf32, #tpu.memory_space<vmem>> -> memref<80x208xf32, #tpu.memory_space<vmem>>
        %dma_wait3A_362 = arith.constant 0 : i32
        %dma_wait3A_363 = tpu.memref_slice %arg6[%run_scoped3A_346, %dma_wait3A_362] : memref<2x80xi32, #tpu.memory_space<vmem>> -> memref<1x80xi32, #tpu.memory_space<vmem>>
        %dma_wait3A_364 = tpu.memref_squeeze %dma_wait3A_363 : memref<1x80xi32, #tpu.memory_space<vmem>> -> memref<80xi32, #tpu.memory_space<vmem>>
        %dma_wait3A_365 = arith.constant 0 : i32
        %dma_wait3A_366 = arith.constant 0 : i32
        %dma_wait3A_367 = tpu.memref_slice %arg8[%dma_wait3A_365, %dma_wait3A_366] : memref<5008x208xf32, #tpu.memory_space<vmem_shared>> -> memref<5008x208xf32, #tpu.memory_space<vmem_shared>>
        tpu.wait_indirect_dma semaphore(%run_scoped3A_347 : memref<!tpu.dma_semaphore, #tpu.memory_space<semaphore_mem>>) src(%dma_wait3A_361 : memref<80x208xf32, #tpu.memory_space<vmem>>) dst(%dma_wait3A_367 : memref<5008x208xf32, #tpu.memory_space<vmem_shared>>)
        tpu.yield
      }) : () -> ()
    }
    %scan3A_7 = arith.constant 125 : i32
    %barrier3A_8 = arith.constant 0 : index
    tpu.barrier barrier_id(%barrier3A_8)
    %add3A = arith.constant 0 : i32
    %add3A_9 = arith.addi %arg1, %add3A : i32
    %lt3A = arith.constant 25 : i32
    %lt3A_10 = arith.cmpi slt, %add3A_9, %lt3A : i32
    %convert_element_type3A_11 = arith.extui %lt3A_10 : i1 to i32
    %cond3A_12 = arith.constant 0 : i32
    %cond3A_13 = arith.cmpi ne, %convert_element_type3A_11, %cond3A_12 : i32
    scf.if %cond3A_13 {
      %mul3A_21 = arith.constant 200 : i32
      %mul3A_22 = arith.muli %add3A_9, %mul3A_21 : i32
      %mul3A_23 = arith.constant 200 : i32
      %mul3A_24 = arith.muli %add3A_9, %mul3A_23 : i32
      %add3A_25 = arith.addi %mul3A_0, %mul3A_24 : i32
      "tpu.region"() ({
        %run_scoped3A = tpu.sem_alloc : memref<!tpu.dma_semaphore, #tpu.memory_space<semaphore_mem>>
        %dma_start3A = arith.constant 0 : i32
        %dma_start3A_26 = tpu.memref_slice %arg5[%add3A_25, %dma_start3A] : memref<10000x208xf32, #tpu.memory_space<hbm>> -> memref<200x208xf32, #tpu.memory_space<hbm>>
        %dma_start3A_27 = arith.constant 0 : i32
        %dma_start3A_28 = tpu.memref_slice %arg8[%mul3A_22, %dma_start3A_27] : memref<5008x208xf32, #tpu.memory_space<vmem_shared>> -> memref<200x208xf32, #tpu.memory_space<vmem_shared>>
        tpu.enqueue_dma source(%dma_start3A_28 : memref<200x208xf32, #tpu.memory_space<vmem_shared>>) target(%dma_start3A_26 : memref<200x208xf32, #tpu.memory_space<hbm>>) target_semaphore(%run_scoped3A : memref<!tpu.dma_semaphore, #tpu.memory_space<semaphore_mem>>)
        %dma_wait3A = arith.constant 0 : i32
        %dma_wait3A_29 = tpu.memref_slice %arg5[%add3A_25, %dma_wait3A] : memref<10000x208xf32, #tpu.memory_space<hbm>> -> memref<200x208xf32, #tpu.memory_space<hbm>>
        %dma_wait3A_30 = arith.constant 0 : i32
        %dma_wait3A_31 = tpu.memref_slice %arg8[%mul3A_22, %dma_wait3A_30] : memref<5008x208xf32, #tpu.memory_space<vmem_shared>> -> memref<200x208xf32, #tpu.memory_space<vmem_shared>>
        tpu.wait_dma2 semaphore(%run_scoped3A : memref<!tpu.dma_semaphore, #tpu.memory_space<semaphore_mem>>) src(%dma_wait3A_31 : memref<200x208xf32, #tpu.memory_space<vmem_shared>>) dst(%dma_wait3A_29 : memref<200x208xf32, #tpu.memory_space<hbm>>)
        tpu.yield
      }) : () -> ()
    } else {
    }
    %add3A_14 = arith.constant 16 : i32
    %add3A_15 = arith.addi %arg1, %add3A_14 : i32
    %lt3A_16 = arith.constant 25 : i32
    %lt3A_17 = arith.cmpi slt, %add3A_15, %lt3A_16 : i32
    %convert_element_type3A_18 = arith.extui %lt3A_17 : i1 to i32
    %cond3A_19 = arith.constant 0 : i32
    %cond3A_20 = arith.cmpi ne, %convert_element_type3A_18, %cond3A_19 : i32
    scf.if %cond3A_20 {
      %mul3A_21 = arith.constant 200 : i32
      %mul3A_22 = arith.muli %add3A_15, %mul3A_21 : i32
      %mul3A_23 = arith.constant 200 : i32
      %mul3A_24 = arith.muli %add3A_15, %mul3A_23 : i32
      %add3A_25 = arith.addi %mul3A_0, %mul3A_24 : i32
      "tpu.region"() ({
        %run_scoped3A = tpu.sem_alloc : memref<!tpu.dma_semaphore, #tpu.memory_space<semaphore_mem>>
        %dma_start3A = arith.constant 0 : i32
        %dma_start3A_26 = tpu.memref_slice %arg5[%add3A_25, %dma_start3A] : memref<10000x208xf32, #tpu.memory_space<hbm>> -> memref<200x208xf32, #tpu.memory_space<hbm>>
        %dma_start3A_27 = arith.constant 0 : i32
        %dma_start3A_28 = tpu.memref_slice %arg8[%mul3A_22, %dma_start3A_27] : memref<5008x208xf32, #tpu.memory_space<vmem_shared>> -> memref<200x208xf32, #tpu.memory_space<vmem_shared>>
        tpu.enqueue_dma source(%dma_start3A_28 : memref<200x208xf32, #tpu.memory_space<vmem_shared>>) target(%dma_start3A_26 : memref<200x208xf32, #tpu.memory_space<hbm>>) target_semaphore(%run_scoped3A : memref<!tpu.dma_semaphore, #tpu.memory_space<semaphore_mem>>)
        %dma_wait3A = arith.constant 0 : i32
        %dma_wait3A_29 = tpu.memref_slice %arg5[%add3A_25, %dma_wait3A] : memref<10000x208xf32, #tpu.memory_space<hbm>> -> memref<200x208xf32, #tpu.memory_space<hbm>>
        %dma_wait3A_30 = arith.constant 0 : i32
        %dma_wait3A_31 = tpu.memref_slice %arg8[%mul3A_22, %dma_wait3A_30] : memref<5008x208xf32, #tpu.memory_space<vmem_shared>> -> memref<200x208xf32, #tpu.memory_space<vmem_shared>>
        tpu.wait_dma2 semaphore(%run_scoped3A : memref<!tpu.dma_semaphore, #tpu.memory_space<semaphore_mem>>) src(%dma_wait3A_31 : memref<200x208xf32, #tpu.memory_space<vmem_shared>>) dst(%dma_wait3A_29 : memref<200x208xf32, #tpu.memory_space<hbm>>)
        tpu.yield
      }) : () -> ()
    } else {
    }
    return
  }
}

module attributes {stable_mosaic.version = 14 : i64} {
  func.func @_node_pre_body(%arg0: i32, %arg1: memref<1000x128xf32, #tpu.memory_space<vmem>>, %arg2: memref<128x200xf32, #tpu.memory_space<vmem>>, %arg3: memref<1x200xf32, #tpu.memory_space<vmem>>, %arg4: memref<128x200xf32, #tpu.memory_space<vmem>>, %arg5: memref<200x1xf32, #tpu.memory_space<vmem>>, %arg6: memref<1000x200xf32, #tpu.memory_space<vmem>>, %arg7: memref<1000x200xf32, #tpu.memory_space<vmem>>, %arg8: memref<1000x8xf32, #tpu.memory_space<vmem>>) attributes {dimension_semantics = [#tpu.dimension_semantics<arbitrary>], iteration_bounds = array<i64: 10>, scalar_prefetch = 0 : i64, scratch_operands = 0 : i64, tpu.core_type = #tpu.core_type<tc>, window_params = [{transform_indices = @transform_0, window_bounds = array<i64: 1000, 128>}, {pipeline_mode = #tpu.pipeline_mode<synchronous>, transform_indices = @transform_1, window_bounds = array<i64: 128, 200>}, {pipeline_mode = #tpu.pipeline_mode<synchronous>, transform_indices = @transform_2, window_bounds = array<i64: 1, 200>}, {pipeline_mode = #tpu.pipeline_mode<synchronous>, transform_indices = @transform_3, window_bounds = array<i64: 128, 200>}, {pipeline_mode = #tpu.pipeline_mode<synchronous>, transform_indices = @transform_4, window_bounds = array<i64: 200, 1>}, {transform_indices = @transform_5, window_bounds = array<i64: 1000, 200>}, {transform_indices = @transform_6, window_bounds = array<i64: 1000, 200>}, {transform_indices = @transform_7, window_bounds = array<i64: 1000, 8>}]} {
    %get3A = arith.constant 0 : index
    %get3A_0 = arith.constant 0 : index
    %get3A_1 = vector.load %arg1[%get3A, %get3A_0] : memref<1000x128xf32, #tpu.memory_space<vmem>>, vector<1000x128xf32>
    %get3A_2 = arith.constant 0 : index
    %get3A_3 = arith.constant 0 : index
    %get3A_4 = vector.load %arg2[%get3A_2, %get3A_3] : memref<128x200xf32, #tpu.memory_space<vmem>>, vector<128x200xf32>
    %dot_general3A = arith.constant dense<0.000000e+00> : vector<1000x200xf32>
    %dot_general3A_5 = tpu.matmul %get3A_1, %get3A_4, %dot_general3A {dimension_numbers = #tpu.dot_dimension_numbers<[1], [0], [0], [1], [0, 0, 1, 1], [], []>, transpose_lhs_hint = false} : vector<1000x128xf32>, vector<128x200xf32>, vector<1000x200xf32> -> vector<1000x200xf32>
    %get3A_6 = arith.constant 0 : index
    %get3A_7 = arith.constant 0 : index
    %get3A_8 = vector.load %arg3[%get3A_6, %get3A_7] : memref<1x200xf32, #tpu.memory_space<vmem>>, vector<1x200xf32>
    %add3A = vector.broadcast %get3A_8 : vector<1x200xf32> to vector<1000x200xf32>
    %add3A_9 = arith.addf %dot_general3A_5, %add3A : vector<1000x200xf32>
    %ge3A = arith.constant 0.000000e+00 : f32
    %ge3A_10 = vector.broadcast %ge3A : f32 to vector<1000x200xf32>
    %ge3A_11 = arith.cmpf oge, %add3A_9, %ge3A_10 : vector<1000x200xf32>
    %mul3A = arith.constant 0.00999999977 : f32
    %mul3A_12 = vector.broadcast %mul3A : f32 to vector<1000x200xf32>
    %mul3A_13 = arith.mulf %mul3A_12, %add3A_9 : vector<1000x200xf32>
    %select_n3A = arith.select %ge3A_11, %add3A_9, %mul3A_13 : vector<1000x200xi1>, vector<1000x200xf32>
    %swap3A = arith.constant 0 : index
    %swap3A_14 = arith.constant 0 : index
    %swap3A_15 = vector.load %arg6[%swap3A, %swap3A_14] : memref<1000x200xf32, #tpu.memory_space<vmem>>, vector<1000x200xf32>
    tpu.vector_store %arg6[%swap3A, %swap3A_14], %select_n3A {strides = array<i32>} : memref<1000x200xf32, #tpu.memory_space<vmem>>, vector<1000x200xf32>,
    %get3A_16 = arith.constant 0 : index
    %get3A_17 = arith.constant 0 : index
    %get3A_18 = vector.load %arg1[%get3A_16, %get3A_17] : memref<1000x128xf32, #tpu.memory_space<vmem>>, vector<1000x128xf32>
    %get3A_19 = arith.constant 0 : index
    %get3A_20 = arith.constant 0 : index
    %get3A_21 = vector.load %arg4[%get3A_19, %get3A_20] : memref<128x200xf32, #tpu.memory_space<vmem>>, vector<128x200xf32>
    %dot_general3A_22 = arith.constant dense<0.000000e+00> : vector<1000x200xf32>
    %dot_general3A_23 = tpu.matmul %get3A_18, %get3A_21, %dot_general3A_22 {dimension_numbers = #tpu.dot_dimension_numbers<[1], [0], [0], [1], [0, 0, 1, 1], [], []>, transpose_lhs_hint = false} : vector<1000x128xf32>, vector<128x200xf32>, vector<1000x200xf32> -> vector<1000x200xf32>
    %swap3A_24 = arith.constant 0 : index
    %swap3A_25 = arith.constant 0 : index
    %swap3A_26 = vector.load %arg7[%swap3A_24, %swap3A_25] : memref<1000x200xf32, #tpu.memory_space<vmem>>, vector<1000x200xf32>
    tpu.vector_store %arg7[%swap3A_24, %swap3A_25], %dot_general3A_23 {strides = array<i32>} : memref<1000x200xf32, #tpu.memory_space<vmem>>, vector<1000x200xf32>,
    %get3A_27 = arith.constant 0 : index
    %get3A_28 = arith.constant 0 : index
    %get3A_29 = vector.load %arg5[%get3A_27, %get3A_28] : memref<200x1xf32, #tpu.memory_space<vmem>>, vector<200x1xf32>
    %dot_general3A_30 = arith.constant dense<0.000000e+00> : vector<1000x1xf32>
    %dot_general3A_31 = tpu.matmul %select_n3A, %get3A_29, %dot_general3A_30 {dimension_numbers = #tpu.dot_dimension_numbers<[1], [0], [0], [1], [0, 0, 1, 1], [], []>, transpose_lhs_hint = false} : vector<1000x200xf32>, vector<200x1xf32>, vector<1000x1xf32> -> vector<1000x1xf32>
    %broadcast_in_dim3A = arith.constant 0.000000e+00 : f32
    %broadcast_in_dim3A_32 = vector.broadcast %broadcast_in_dim3A : f32 to vector<1000x7xf32>
    %concatenate3A = tpu.concatenate %dot_general3A_31, %broadcast_in_dim3A_32 in 1 : vector<1000x1xf32>, vector<1000x7xf32> -> vector<1000x8xf32>
    %swap3A_33 = arith.constant 0 : index
    %swap3A_34 = arith.constant 0 : index
    %swap3A_35 = vector.load %arg8[%swap3A_33, %swap3A_34] : memref<1000x8xf32, #tpu.memory_space<vmem>>, vector<1000x8xf32>
    tpu.vector_store %arg8[%swap3A_33, %swap3A_34], %concatenate3A {strides = array<i32>} : memref<1000x8xf32, #tpu.memory_space<vmem>>, vector<1000x8xf32>,
    return
  }
  func.func @transform_0(%arg0: i32) -> (i32, i32) {
    %c0_i32 = arith.constant 0 : i32
    %c0_i32_0 = arith.constant 0 : i32
    return %arg0, %c0_i32 : i32, i32
  }
  func.func @transform_1(%arg0: i32) -> (i32, i32) {
    %c0_i32 = arith.constant 0 : i32
    %c0_i32_0 = arith.constant 0 : i32
    %c0_i32_1 = arith.constant 0 : i32
    return %c0_i32, %c0_i32_0 : i32, i32
  }
  func.func @transform_2(%arg0: i32) -> (i32, i32) {
    %c0_i32 = arith.constant 0 : i32
    %c0_i32_0 = arith.constant 0 : i32
    %c0_i32_1 = arith.constant 0 : i32
    return %c0_i32, %c0_i32_0 : i32, i32
  }
  func.func @transform_3(%arg0: i32) -> (i32, i32) {
    %c0_i32 = arith.constant 0 : i32
    %c0_i32_0 = arith.constant 0 : i32
    %c0_i32_1 = arith.constant 0 : i32
    return %c0_i32, %c0_i32_0 : i32, i32
  }
  func.func @transform_4(%arg0: i32) -> (i32, i32) {
    %c0_i32 = arith.constant 0 : i32
    %c0_i32_0 = arith.constant 0 : i32
    %c0_i32_1 = arith.constant 0 : i32
    return %c0_i32, %c0_i32_0 : i32, i32
  }
  func.func @transform_5(%arg0: i32) -> (i32, i32) {
    %c0_i32 = arith.constant 0 : i32
    %c0_i32_0 = arith.constant 0 : i32
    return %arg0, %c0_i32 : i32, i32
  }
  func.func @transform_6(%arg0: i32) -> (i32, i32) {
    %c0_i32 = arith.constant 0 : i32
    %c0_i32_0 = arith.constant 0 : i32
    return %arg0, %c0_i32 : i32, i32
  }
  func.func @transform_7(%arg0: i32) -> (i32, i32) {
    %c0_i32 = arith.constant 0 : i32
    %c0_i32_0 = arith.constant 0 : i32
    return %arg0, %c0_i32 : i32, i32
  }
}

module attributes {stable_mosaic.version = 14 : i64} {
  func.func @_edge1_body(%arg0: i32, %arg1: memref<512x200xf32, #tpu.memory_space<vmem>>, %arg2: memref<512x16xf32, #tpu.memory_space<vmem>>, %arg3: memref<512x8xf32, #tpu.memory_space<vmem>>, %arg4: memref<16x200xf32, #tpu.memory_space<vmem>>, %arg5: memref<1x200xf32, #tpu.memory_space<vmem>>, %arg6: memref<200x1xf32, #tpu.memory_space<vmem>>, %arg7: memref<1x1xf32, #tpu.memory_space<vmem>>, %arg8: memref<200x200xf32, #tpu.memory_space<vmem>>, %arg9: memref<1x200xf32, #tpu.memory_space<vmem>>, %arg10: memref<512x208xf32, #tpu.memory_space<vmem>>) attributes {dimension_semantics = [#tpu.dimension_semantics<arbitrary>], iteration_bounds = array<i64: 625>, scalar_prefetch = 0 : i64, scratch_operands = 0 : i64, tpu.core_type = #tpu.core_type<tc>, window_params = [{transform_indices = @transform_0, window_bounds = array<i64: 512, 200>}, {transform_indices = @transform_1, window_bounds = array<i64: 512, 16>}, {transform_indices = @transform_2, window_bounds = array<i64: 512, 8>}, {pipeline_mode = #tpu.pipeline_mode<synchronous>, transform_indices = @transform_3, window_bounds = array<i64: 16, 200>}, {pipeline_mode = #tpu.pipeline_mode<synchronous>, transform_indices = @transform_4, window_bounds = array<i64: 1, 200>}, {pipeline_mode = #tpu.pipeline_mode<synchronous>, transform_indices = @transform_5, window_bounds = array<i64: 200, 1>}, {pipeline_mode = #tpu.pipeline_mode<synchronous>, transform_indices = @transform_6, window_bounds = array<i64: 1, 1>}, {pipeline_mode = #tpu.pipeline_mode<synchronous>, transform_indices = @transform_7, window_bounds = array<i64: 200, 200>}, {pipeline_mode = #tpu.pipeline_mode<synchronous>, transform_indices = @transform_8, window_bounds = array<i64: 1, 200>}, {transform_indices = @transform_9, window_bounds = array<i64: 512, 208>}]} {
    %get3A = arith.constant 0 : index
    %get3A_0 = arith.constant 0 : index
    %get3A_1 = vector.load %arg1[%get3A, %get3A_0] : memref<512x200xf32, #tpu.memory_space<vmem>>, vector<512x200xf32>
    %get3A_2 = arith.constant 0 : index
    %get3A_3 = arith.constant 0 : index
    %get3A_4 = vector.load %arg2[%get3A_2, %get3A_3] : memref<512x16xf32, #tpu.memory_space<vmem>>, vector<512x16xf32>
    %get3A_5 = arith.constant 0 : index
    %get3A_6 = arith.constant 0 : index
    %get3A_7 = vector.load %arg4[%get3A_5, %get3A_6] : memref<16x200xf32, #tpu.memory_space<vmem>>, vector<16x200xf32>
    %dot_general3A = arith.constant dense<0.000000e+00> : vector<512x200xf32>
    %dot_general3A_8 = tpu.matmul %get3A_4, %get3A_7, %dot_general3A {dimension_numbers = #tpu.dot_dimension_numbers<[1], [0], [0], [1], [0, 0, 1, 1], [], []>, transpose_lhs_hint = false} : vector<512x16xf32>, vector<16x200xf32>, vector<512x200xf32> -> vector<512x200xf32>
    %add3A = arith.addf %get3A_1, %dot_general3A_8 : vector<512x200xf32>
    %get3A_9 = arith.constant 0 : index
    %get3A_10 = arith.constant 0 : index
    %get3A_11 = vector.load %arg5[%get3A_9, %get3A_10] : memref<1x200xf32, #tpu.memory_space<vmem>>, vector<1x200xf32>
    %add3A_12 = vector.broadcast %get3A_11 : vector<1x200xf32> to vector<512x200xf32>
    %add3A_13 = arith.addf %add3A, %add3A_12 : vector<512x200xf32>
    %ge3A = arith.constant 0.000000e+00 : f32
    %ge3A_14 = vector.broadcast %ge3A : f32 to vector<512x200xf32>
    %ge3A_15 = arith.cmpf oge, %add3A_13, %ge3A_14 : vector<512x200xf32>
    %mul3A = arith.constant 0.00999999977 : f32
    %mul3A_16 = vector.broadcast %mul3A : f32 to vector<512x200xf32>
    %mul3A_17 = arith.mulf %mul3A_16, %add3A_13 : vector<512x200xf32>
    %select_n3A = arith.select %ge3A_15, %add3A_13, %mul3A_17 : vector<512x200xi1>, vector<512x200xf32>
    %get3A_18 = arith.constant 0 : index
    %get3A_19 = arith.constant 0 : index
    %get3A_20 = vector.load %arg6[%get3A_18, %get3A_19] : memref<200x1xf32, #tpu.memory_space<vmem>>, vector<200x1xf32>
    %dot_general3A_21 = arith.constant dense<0.000000e+00> : vector<512x1xf32>
    %dot_general3A_22 = tpu.matmul %select_n3A, %get3A_20, %dot_general3A_21 {dimension_numbers = #tpu.dot_dimension_numbers<[1], [0], [0], [1], [0, 0, 1, 1], [], []>, transpose_lhs_hint = false} : vector<512x200xf32>, vector<200x1xf32>, vector<512x1xf32> -> vector<512x1xf32>
    %get3A_23 = arith.constant 0 : index
    %get3A_24 = arith.constant 0 : index
    %get3A_25 = vector.load %arg3[%get3A_23, %get3A_24] : memref<512x8xf32, #tpu.memory_space<vmem>>, vector<512x1xf32>
    %add3A_26 = arith.addf %dot_general3A_22, %get3A_25 : vector<512x1xf32>
    %get3A_27 = arith.constant 0 : index
    %get3A_28 = arith.constant 0 : index
    %get3A_29 = vector.load %arg7[%get3A_27, %get3A_28] : memref<1x1xf32, #tpu.memory_space<vmem>>, vector<1x1xf32>
    %get3A_30 = vector.extract %get3A_29[0, 0] : f32 from vector<1x1xf32>
    %add3A_31 = vector.broadcast %get3A_30 : f32 to vector<512x1xf32>
    %add3A_32 = arith.addf %add3A_26, %add3A_31 : vector<512x1xf32>
    %ge3A_33 = arith.constant 0.000000e+00 : f32
    %ge3A_34 = vector.broadcast %ge3A_33 : f32 to vector<512x1xf32>
    %ge3A_35 = arith.cmpf oge, %add3A_32, %ge3A_34 : vector<512x1xf32>
    %mul3A_36 = arith.constant 0.00999999977 : f32
    %mul3A_37 = vector.broadcast %mul3A_36 : f32 to vector<512x1xf32>
    %mul3A_38 = arith.mulf %mul3A_37, %add3A_32 : vector<512x1xf32>
    %select_n3A_39 = arith.select %ge3A_35, %add3A_32, %mul3A_38 : vector<512x1xi1>, vector<512x1xf32>
    %exp3A = math.exp %select_n3A_39 : vector<512x1xf32>
    %get3A_40 = arith.constant 0 : index
    %get3A_41 = arith.constant 0 : index
    %get3A_42 = vector.load %arg8[%get3A_40, %get3A_41] : memref<200x200xf32, #tpu.memory_space<vmem>>, vector<200x200xf32>
    %dot_general3A_43 = arith.constant dense<0.000000e+00> : vector<512x200xf32>
    %dot_general3A_44 = tpu.matmul %select_n3A, %get3A_42, %dot_general3A_43 {dimension_numbers = #tpu.dot_dimension_numbers<[1], [0], [0], [1], [0, 0, 1, 1], [], []>, transpose_lhs_hint = false} : vector<512x200xf32>, vector<200x200xf32>, vector<512x200xf32> -> vector<512x200xf32>
    %get3A_45 = arith.constant 0 : index
    %get3A_46 = arith.constant 0 : index
    %get3A_47 = vector.load %arg9[%get3A_45, %get3A_46] : memref<1x200xf32, #tpu.memory_space<vmem>>, vector<1x200xf32>
    %add3A_48 = vector.broadcast %get3A_47 : vector<1x200xf32> to vector<512x200xf32>
    %add3A_49 = arith.addf %dot_general3A_44, %add3A_48 : vector<512x200xf32>
    %mul3A_50 = vector.broadcast %exp3A : vector<512x1xf32> to vector<512x200xf32>
    %mul3A_51 = arith.mulf %mul3A_50, %add3A_49 : vector<512x200xf32>
    %broadcast_in_dim3A = arith.constant 0.000000e+00 : f32
    %broadcast_in_dim3A_52 = vector.broadcast %broadcast_in_dim3A : f32 to vector<512x7xf32>
    %concatenate3A = tpu.concatenate %mul3A_51, %exp3A, %broadcast_in_dim3A_52 in 1 : vector<512x200xf32>, vector<512x1xf32>, vector<512x7xf32> -> vector<512x208xf32>
    %swap3A = arith.constant 0 : index
    %swap3A_53 = arith.constant 0 : index
    %swap3A_54 = vector.load %arg10[%swap3A, %swap3A_53] : memref<512x208xf32, #tpu.memory_space<vmem>>, vector<512x208xf32>
    tpu.vector_store %arg10[%swap3A, %swap3A_53], %concatenate3A {strides = array<i32>} : memref<512x208xf32, #tpu.memory_space<vmem>>, vector<512x208xf32>,
    return
  }
  func.func @transform_0(%arg0: i32) -> (i32, i32) {
    %c0_i32 = arith.constant 0 : i32
    %c0_i32_0 = arith.constant 0 : i32
    return %arg0, %c0_i32 : i32, i32
  }
  func.func @transform_1(%arg0: i32) -> (i32, i32) {
    %c0_i32 = arith.constant 0 : i32
    %c0_i32_0 = arith.constant 0 : i32
    return %arg0, %c0_i32 : i32, i32
  }
  func.func @transform_2(%arg0: i32) -> (i32, i32) {
    %c0_i32 = arith.constant 0 : i32
    %c0_i32_0 = arith.constant 0 : i32
    return %arg0, %c0_i32 : i32, i32
  }
  func.func @transform_3(%arg0: i32) -> (i32, i32) {
    %c0_i32 = arith.constant 0 : i32
    %c0_i32_0 = arith.constant 0 : i32
    %c0_i32_1 = arith.constant 0 : i32
    return %c0_i32, %c0_i32_0 : i32, i32
  }
  func.func @transform_4(%arg0: i32) -> (i32, i32) {
    %c0_i32 = arith.constant 0 : i32
    %c0_i32_0 = arith.constant 0 : i32
    %c0_i32_1 = arith.constant 0 : i32
    return %c0_i32, %c0_i32_0 : i32, i32
  }
  func.func @transform_5(%arg0: i32) -> (i32, i32) {
    %c0_i32 = arith.constant 0 : i32
    %c0_i32_0 = arith.constant 0 : i32
    %c0_i32_1 = arith.constant 0 : i32
    return %c0_i32, %c0_i32_0 : i32, i32
  }
  func.func @transform_6(%arg0: i32) -> (i32, i32) {
    %c0_i32 = arith.constant 0 : i32
    %c0_i32_0 = arith.constant 0 : i32
    %c0_i32_1 = arith.constant 0 : i32
    return %c0_i32, %c0_i32_0 : i32, i32
  }
  func.func @transform_7(%arg0: i32) -> (i32, i32) {
    %c0_i32 = arith.constant 0 : i32
    %c0_i32_0 = arith.constant 0 : i32
    %c0_i32_1 = arith.constant 0 : i32
    return %c0_i32, %c0_i32_0 : i32, i32
  }
  func.func @transform_8(%arg0: i32) -> (i32, i32) {
    %c0_i32 = arith.constant 0 : i32
    %c0_i32_0 = arith.constant 0 : i32
    %c0_i32_1 = arith.constant 0 : i32
    return %c0_i32, %c0_i32_0 : i32, i32
  }
  func.func @transform_9(%arg0: i32) -> (i32, i32) {
    %c0_i32 = arith.constant 0 : i32
    %c0_i32_0 = arith.constant 0 : i32
    return %arg0, %c0_i32 : i32, i32
  }
}

module attributes {stable_mosaic.version = 14 : i64} {
  func.func @_gru_mid_body(%arg0: i32, %arg1: memref<1000x208xf32, #tpu.memory_space<vmem>>, %arg2: memref<1000x200xf32, #tpu.memory_space<vmem>>, %arg3: memref<200x600xf32, #tpu.memory_space<vmem>>, %arg4: memref<200x600xf32, #tpu.memory_space<vmem>>, %arg5: memref<1x600xf32, #tpu.memory_space<vmem>>, %arg6: memref<1x600xf32, #tpu.memory_space<vmem>>, %arg7: memref<200x200xf32, #tpu.memory_space<vmem>>, %arg8: memref<1x200xf32, #tpu.memory_space<vmem>>, %arg9: memref<200x1xf32, #tpu.memory_space<vmem>>, %arg10: memref<200x1xf32, #tpu.memory_space<vmem>>, %arg11: memref<1000x200xf32, #tpu.memory_space<vmem>>, %arg12: memref<1000x208xf32, #tpu.memory_space<vmem>>, %arg13: memref<1000x8xf32, #tpu.memory_space<vmem>>) attributes {dimension_semantics = [#tpu.dimension_semantics<arbitrary>], iteration_bounds = array<i64: 10>, scalar_prefetch = 0 : i64, scratch_operands = 0 : i64, tpu.core_type = #tpu.core_type<tc>, window_params = [{transform_indices = @transform_0, window_bounds = array<i64: 1000, 208>}, {transform_indices = @transform_1, window_bounds = array<i64: 1000, 200>}, {pipeline_mode = #tpu.pipeline_mode<synchronous>, transform_indices = @transform_2, window_bounds = array<i64: 200, 600>}, {pipeline_mode = #tpu.pipeline_mode<synchronous>, transform_indices = @transform_3, window_bounds = array<i64: 200, 600>}, {pipeline_mode = #tpu.pipeline_mode<synchronous>, transform_indices = @transform_4, window_bounds = array<i64: 1, 600>}, {pipeline_mode = #tpu.pipeline_mode<synchronous>, transform_indices = @transform_5, window_bounds = array<i64: 1, 600>}, {pipeline_mode = #tpu.pipeline_mode<synchronous>, transform_indices = @transform_6, window_bounds = array<i64: 200, 200>}, {pipeline_mode = #tpu.pipeline_mode<synchronous>, transform_indices = @transform_7, window_bounds = array<i64: 1, 200>}, {pipeline_mode = #tpu.pipeline_mode<synchronous>, transform_indices = @transform_8, window_bounds = array<i64: 200, 1>}, {pipeline_mode = #tpu.pipeline_mode<synchronous>, transform_indices = @transform_9, window_bounds = array<i64: 200, 1>}, {transform_indices = @transform_10, window_bounds = array<i64: 1000, 200>}, {transform_indices = @transform_11, window_bounds = array<i64: 1000, 208>}, {transform_indices = @transform_12, window_bounds = array<i64: 1000, 8>}]} {
    %get3A = arith.constant 0 : index
    %get3A_0 = arith.constant 0 : index
    %get3A_1 = vector.load %arg1[%get3A, %get3A_0] : memref<1000x208xf32, #tpu.memory_space<vmem>>, vector<1000x208xf32>
    %slice3A = vector.extract_strided_slice %get3A_1 {offsets = [0, 0], sizes = [1000, 200], strides = [1, 1]} : vector<1000x208xf32> to vector<1000x200xf32>
    %slice3A_2 = vector.extract_strided_slice %get3A_1 {offsets = [0, 200], sizes = [1000, 1], strides = [1, 1]} : vector<1000x208xf32> to vector<1000x1xf32>
    %gt3A = arith.constant 0.000000e+00 : f32
    %gt3A_3 = vector.broadcast %gt3A : f32 to vector<1000x1xf32>
    %gt3A_4 = arith.cmpf ogt, %slice3A_2, %gt3A_3 : vector<1000x1xf32>
    %div3A = vector.broadcast %slice3A_2 : vector<1000x1xf32> to vector<1000x200xf32>
    %div3A_5 = arith.divf %slice3A, %div3A : vector<1000x200xf32>
    %jit3A = arith.constant 0.000000e+00 : f32
    %broadcast_in_dim3A = vector.shape_cast %gt3A_4 : vector<1000x1xi1> to vector<1000x1xi1>
    %broadcast_in_dim3A_6 = vector.broadcast %broadcast_in_dim3A : vector<1000x1xi1> to vector<1000x200xi1>
    %broadcast_in_dim3A_7 = vector.broadcast %jit3A : f32 to vector<1000x200xf32>
    %select_n3A = arith.select %broadcast_in_dim3A_6, %div3A_5, %broadcast_in_dim3A_7 : vector<1000x200xi1>, vector<1000x200xf32>
    %gt3A_8 = arith.constant 0.000000e+00 : f32
    %gt3A_9 = vector.broadcast %gt3A_8 : f32 to vector<1000x200xf32>
    %gt3A_10 = arith.cmpf ogt, %select_n3A, %gt3A_9 : vector<1000x200xf32>
    %exp3A = math.exp %select_n3A : vector<1000x200xf32>
    %sub3A = arith.constant 1.000000e+00 : f32
    %sub3A_11 = vector.broadcast %sub3A : f32 to vector<1000x200xf32>
    %sub3A_12 = arith.subf %exp3A, %sub3A_11 : vector<1000x200xf32>
    %select_n3A_13 = arith.select %gt3A_10, %select_n3A, %sub3A_12 : vector<1000x200xi1>, vector<1000x200xf32>
    %get3A_14 = arith.constant 0 : index
    %get3A_15 = arith.constant 0 : index
    %get3A_16 = vector.load %arg3[%get3A_14, %get3A_15] : memref<200x600xf32, #tpu.memory_space<vmem>>, vector<200x600xf32>
    %dot_general3A = arith.constant dense<0.000000e+00> : vector<1000x600xf32>
    %dot_general3A_17 = tpu.matmul %select_n3A_13, %get3A_16, %dot_general3A {dimension_numbers = #tpu.dot_dimension_numbers<[1], [0], [0], [1], [0, 0, 1, 1], [], []>, transpose_lhs_hint = false} : vector<1000x200xf32>, vector<200x600xf32>, vector<1000x600xf32> -> vector<1000x600xf32>
    %get3A_18 = arith.constant 0 : index
    %get3A_19 = arith.constant 0 : index
    %get3A_20 = vector.load %arg5[%get3A_18, %get3A_19] : memref<1x600xf32, #tpu.memory_space<vmem>>, vector<1x600xf32>
    %add3A = vector.broadcast %get3A_20 : vector<1x600xf32> to vector<1000x600xf32>
    %add3A_21 = arith.addf %dot_general3A_17, %add3A : vector<1000x600xf32>
    %get3A_22 = arith.constant 0 : index
    %get3A_23 = arith.constant 0 : index
    %get3A_24 = vector.load %arg2[%get3A_22, %get3A_23] : memref<1000x200xf32, #tpu.memory_space<vmem>>, vector<1000x200xf32>
    %get3A_25 = arith.constant 0 : index
    %get3A_26 = arith.constant 0 : index
    %get3A_27 = vector.load %arg4[%get3A_25, %get3A_26] : memref<200x600xf32, #tpu.memory_space<vmem>>, vector<200x600xf32>
    %dot_general3A_28 = arith.constant dense<0.000000e+00> : vector<1000x600xf32>
    %dot_general3A_29 = tpu.matmul %get3A_24, %get3A_27, %dot_general3A_28 {dimension_numbers = #tpu.dot_dimension_numbers<[1], [0], [0], [1], [0, 0, 1, 1], [], []>, transpose_lhs_hint = false} : vector<1000x200xf32>, vector<200x600xf32>, vector<1000x600xf32> -> vector<1000x600xf32>
    %get3A_30 = arith.constant 0 : index
    %get3A_31 = arith.constant 0 : index
    %get3A_32 = vector.load %arg6[%get3A_30, %get3A_31] : memref<1x600xf32, #tpu.memory_space<vmem>>, vector<1x600xf32>
    %add3A_33 = vector.broadcast %get3A_32 : vector<1x600xf32> to vector<1000x600xf32>
    %add3A_34 = arith.addf %dot_general3A_29, %add3A_33 : vector<1000x600xf32>
    %slice3A_35 = vector.extract_strided_slice %add3A_21 {offsets = [0, 0], sizes = [1000, 200], strides = [1, 1]} : vector<1000x600xf32> to vector<1000x200xf32>
    %slice3A_36 = vector.extract_strided_slice %add3A_34 {offsets = [0, 0], sizes = [1000, 200], strides = [1, 1]} : vector<1000x600xf32> to vector<1000x200xf32>
    %add3A_37 = arith.addf %slice3A_35, %slice3A_36 : vector<1000x200xf32>
    %logistic3A = arith.negf %add3A_37 : vector<1000x200xf32>
    %logistic3A_38 = math.exp %logistic3A : vector<1000x200xf32>
    %logistic3A_39 = arith.constant 1.000000e+00 : f32
    %logistic3A_40 = vector.broadcast %logistic3A_39 : f32 to vector<1000x200xf32>
    %logistic3A_41 = arith.addf %logistic3A_40, %logistic3A_38 : vector<1000x200xf32>
    %logistic3A_42 = arith.divf %logistic3A_40, %logistic3A_41 : vector<1000x200xf32>
    %slice3A_43 = vector.extract_strided_slice %add3A_21 {offsets = [0, 200], sizes = [1000, 200], strides = [1, 1]} : vector<1000x600xf32> to vector<1000x200xf32>
    %slice3A_44 = vector.extract_strided_slice %add3A_34 {offsets = [0, 200], sizes = [1000, 200], strides = [1, 1]} : vector<1000x600xf32> to vector<1000x200xf32>
    %add3A_45 = arith.addf %slice3A_43, %slice3A_44 : vector<1000x200xf32>
    %logistic3A_46 = arith.negf %add3A_45 : vector<1000x200xf32>
    %logistic3A_47 = math.exp %logistic3A_46 : vector<1000x200xf32>
    %logistic3A_48 = arith.constant 1.000000e+00 : f32
    %logistic3A_49 = vector.broadcast %logistic3A_48 : f32 to vector<1000x200xf32>
    %logistic3A_50 = arith.addf %logistic3A_49, %logistic3A_47 : vector<1000x200xf32>
    %logistic3A_51 = arith.divf %logistic3A_49, %logistic3A_50 : vector<1000x200xf32>
    %slice3A_52 = vector.extract_strided_slice %add3A_21 {offsets = [0, 400], sizes = [1000, 200], strides = [1, 1]} : vector<1000x600xf32> to vector<1000x200xf32>
    %slice3A_53 = vector.extract_strided_slice %add3A_34 {offsets = [0, 400], sizes = [1000, 200], strides = [1, 1]} : vector<1000x600xf32> to vector<1000x200xf32>
    %mul3A = arith.mulf %logistic3A_42, %slice3A_53 : vector<1000x200xf32>
    %add3A_54 = arith.addf %slice3A_52, %mul3A : vector<1000x200xf32>
    %tanh3A = math.tanh %add3A_54 : vector<1000x200xf32>
    %sub3A_55 = arith.constant 1.000000e+00 : f32
    %sub3A_56 = vector.broadcast %sub3A_55 : f32 to vector<1000x200xf32>
    %sub3A_57 = arith.subf %sub3A_56, %logistic3A_51 : vector<1000x200xf32>
    %mul3A_58 = arith.mulf %sub3A_57, %tanh3A : vector<1000x200xf32>
    %get3A_59 = arith.constant 0 : index
    %get3A_60 = arith.constant 0 : index
    %get3A_61 = vector.load %arg2[%get3A_59, %get3A_60] : memref<1000x200xf32, #tpu.memory_space<vmem>>, vector<1000x200xf32>
    %mul3A_62 = arith.mulf %logistic3A_51, %get3A_61 : vector<1000x200xf32>
    %add3A_63 = arith.addf %mul3A_58, %mul3A_62 : vector<1000x200xf32>
    %max3A = arith.constant 0.000000e+00 : f32
    %max3A_64 = vector.broadcast %max3A : f32 to vector<1000x200xf32>
    %max3A_65 = arith.maximumf %add3A_63, %max3A_64 : vector<1000x200xf32>
    %swap3A = arith.constant 0 : index
    %swap3A_66 = arith.constant 0 : index
    %swap3A_67 = vector.load %arg11[%swap3A, %swap3A_66] : memref<1000x200xf32, #tpu.memory_space<vmem>>, vector<1000x200xf32>
    tpu.vector_store %arg11[%swap3A, %swap3A_66], %max3A_65 {strides = array<i32>} : memref<1000x200xf32, #tpu.memory_space<vmem>>, vector<1000x200xf32>,
    %get3A_68 = arith.constant 0 : index
    %get3A_69 = arith.constant 0 : index
    %get3A_70 = vector.load %arg7[%get3A_68, %get3A_69] : memref<200x200xf32, #tpu.memory_space<vmem>>, vector<200x200xf32>
    %dot_general3A_71 = arith.constant dense<0.000000e+00> : vector<1000x200xf32>
    %dot_general3A_72 = tpu.matmul %max3A_65, %get3A_70, %dot_general3A_71 {dimension_numbers = #tpu.dot_dimension_numbers<[1], [0], [0], [1], [0, 0, 1, 1], [], []>, transpose_lhs_hint = false} : vector<1000x200xf32>, vector<200x200xf32>, vector<1000x200xf32> -> vector<1000x200xf32>
    %get3A_73 = arith.constant 0 : index
    %get3A_74 = arith.constant 0 : index
    %get3A_75 = vector.load %arg8[%get3A_73, %get3A_74] : memref<1x200xf32, #tpu.memory_space<vmem>>, vector<1x200xf32>
    %add3A_76 = vector.broadcast %get3A_75 : vector<1x200xf32> to vector<1000x200xf32>
    %add3A_77 = arith.addf %dot_general3A_72, %add3A_76 : vector<1000x200xf32>
    %get3A_78 = arith.constant 0 : index
    %get3A_79 = arith.constant 0 : index
    %get3A_80 = vector.load %arg10[%get3A_78, %get3A_79] : memref<200x1xf32, #tpu.memory_space<vmem>>, vector<200x1xf32>
    %dot_general3A_81 = arith.constant dense<0.000000e+00> : vector<1000x1xf32>
    %dot_general3A_82 = tpu.matmul %max3A_65, %get3A_80, %dot_general3A_81 {dimension_numbers = #tpu.dot_dimension_numbers<[1], [0], [0], [1], [0, 0, 1, 1], [], []>, transpose_lhs_hint = false} : vector<1000x200xf32>, vector<200x1xf32>, vector<1000x1xf32> -> vector<1000x1xf32>
    %get3A_83 = arith.constant 0 : index
    %get3A_84 = arith.constant 0 : index
    %get3A_85 = vector.load %arg9[%get3A_83, %get3A_84] : memref<200x1xf32, #tpu.memory_space<vmem>>, vector<200x1xf32>
    %dot_general3A_86 = arith.constant dense<0.000000e+00> : vector<1000x1xf32>
    %dot_general3A_87 = tpu.matmul %max3A_65, %get3A_85, %dot_general3A_86 {dimension_numbers = #tpu.dot_dimension_numbers<[1], [0], [0], [1], [0, 0, 1, 1], [], []>, transpose_lhs_hint = false} : vector<1000x200xf32>, vector<200x1xf32>, vector<1000x1xf32> -> vector<1000x1xf32>
    %broadcast_in_dim3A_88 = arith.constant 0.000000e+00 : f32
    %broadcast_in_dim3A_89 = vector.broadcast %broadcast_in_dim3A_88 : f32 to vector<1000x7xf32>
    %concatenate3A = tpu.concatenate %add3A_77, %dot_general3A_82, %broadcast_in_dim3A_89 in 1 : vector<1000x200xf32>, vector<1000x1xf32>, vector<1000x7xf32> -> vector<1000x208xf32>
    %swap3A_90 = arith.constant 0 : index
    %swap3A_91 = arith.constant 0 : index
    %swap3A_92 = vector.load %arg12[%swap3A_90, %swap3A_91] : memref<1000x208xf32, #tpu.memory_space<vmem>>, vector<1000x208xf32>
    tpu.vector_store %arg12[%swap3A_90, %swap3A_91], %concatenate3A {strides = array<i32>} : memref<1000x208xf32, #tpu.memory_space<vmem>>, vector<1000x208xf32>,
    %broadcast_in_dim3A_93 = arith.constant 0.000000e+00 : f32
    %broadcast_in_dim3A_94 = vector.broadcast %broadcast_in_dim3A_93 : f32 to vector<1000x7xf32>
    %concatenate3A_95 = tpu.concatenate %dot_general3A_87, %broadcast_in_dim3A_94 in 1 : vector<1000x1xf32>, vector<1000x7xf32> -> vector<1000x8xf32>
    %swap3A_96 = arith.constant 0 : index
    %swap3A_97 = arith.constant 0 : index
    %swap3A_98 = vector.load %arg13[%swap3A_96, %swap3A_97] : memref<1000x8xf32, #tpu.memory_space<vmem>>, vector<1000x8xf32>
    tpu.vector_store %arg13[%swap3A_96, %swap3A_97], %concatenate3A_95 {strides = array<i32>} : memref<1000x8xf32, #tpu.memory_space<vmem>>, vector<1000x8xf32>,
    return
  }
  func.func @transform_0(%arg0: i32) -> (i32, i32) {
    %c0_i32 = arith.constant 0 : i32
    %c0_i32_0 = arith.constant 0 : i32
    return %arg0, %c0_i32 : i32, i32
  }
  func.func @transform_1(%arg0: i32) -> (i32, i32) {
    %c0_i32 = arith.constant 0 : i32
    %c0_i32_0 = arith.constant 0 : i32
    return %arg0, %c0_i32 : i32, i32
  }
  func.func @transform_2(%arg0: i32) -> (i32, i32) {
    %c0_i32 = arith.constant 0 : i32
    %c0_i32_0 = arith.constant 0 : i32
    %c0_i32_1 = arith.constant 0 : i32
    return %c0_i32, %c0_i32_0 : i32, i32
  }
  func.func @transform_3(%arg0: i32) -> (i32, i32) {
    %c0_i32 = arith.constant 0 : i32
    %c0_i32_0 = arith.constant 0 : i32
    %c0_i32_1 = arith.constant 0 : i32
    return %c0_i32, %c0_i32_0 : i32, i32
  }
  func.func @transform_4(%arg0: i32) -> (i32, i32) {
    %c0_i32 = arith.constant 0 : i32
    %c0_i32_0 = arith.constant 0 : i32
    %c0_i32_1 = arith.constant 0 : i32
    return %c0_i32, %c0_i32_0 : i32, i32
  }
  func.func @transform_5(%arg0: i32) -> (i32, i32) {
    %c0_i32 = arith.constant 0 : i32
    %c0_i32_0 = arith.constant 0 : i32
    %c0_i32_1 = arith.constant 0 : i32
    return %c0_i32, %c0_i32_0 : i32, i32
  }
  func.func @transform_6(%arg0: i32) -> (i32, i32) {
    %c0_i32 = arith.constant 0 : i32
    %c0_i32_0 = arith.constant 0 : i32
    %c0_i32_1 = arith.constant 0 : i32
    return %c0_i32, %c0_i32_0 : i32, i32
  }
  func.func @transform_7(%arg0: i32) -> (i32, i32) {
    %c0_i32 = arith.constant 0 : i32
    %c0_i32_0 = arith.constant 0 : i32
    %c0_i32_1 = arith.constant 0 : i32
    return %c0_i32, %c0_i32_0 : i32, i32
  }
  func.func @transform_8(%arg0: i32) -> (i32, i32) {
    %c0_i32 = arith.constant 0 : i32
    %c0_i32_0 = arith.constant 0 : i32
    %c0_i32_1 = arith.constant 0 : i32
    return %c0_i32, %c0_i32_0 : i32, i32
  }
  func.func @transform_9(%arg0: i32) -> (i32, i32) {
    %c0_i32 = arith.constant 0 : i32
    %c0_i32_0 = arith.constant 0 : i32
    %c0_i32_1 = arith.constant 0 : i32
    return %c0_i32, %c0_i32_0 : i32, i32
  }
  func.func @transform_10(%arg0: i32) -> (i32, i32) {
    %c0_i32 = arith.constant 0 : i32
    %c0_i32_0 = arith.constant 0 : i32
    return %arg0, %c0_i32 : i32, i32
  }
  func.func @transform_11(%arg0: i32) -> (i32, i32) {
    %c0_i32 = arith.constant 0 : i32
    %c0_i32_0 = arith.constant 0 : i32
    return %arg0, %c0_i32 : i32, i32
  }
  func.func @transform_12(%arg0: i32) -> (i32, i32) {
    %c0_i32 = arith.constant 0 : i32
    %c0_i32_0 = arith.constant 0 : i32
    return %arg0, %c0_i32 : i32, i32
  }
}

module attributes {stable_mosaic.version = 14 : i64} {
  func.func @_edge2_body(%arg0: i32, %arg1: memref<512x208xf32, #tpu.memory_space<vmem>>, %arg2: memref<512x8xf32, #tpu.memory_space<vmem>>, %arg3: memref<1x1xf32, #tpu.memory_space<vmem>>, %arg4: memref<512x208xf32, #tpu.memory_space<vmem>>) attributes {dimension_semantics = [#tpu.dimension_semantics<arbitrary>], iteration_bounds = array<i64: 625>, scalar_prefetch = 0 : i64, scratch_operands = 0 : i64, tpu.core_type = #tpu.core_type<tc>, window_params = [{transform_indices = @transform_0, window_bounds = array<i64: 512, 208>}, {transform_indices = @transform_1, window_bounds = array<i64: 512, 8>}, {pipeline_mode = #tpu.pipeline_mode<synchronous>, transform_indices = @transform_2, window_bounds = array<i64: 1, 1>}, {transform_indices = @transform_3, window_bounds = array<i64: 512, 208>}]} {
    %get3A = arith.constant 0 : index
    %get3A_0 = arith.constant 0 : index
    %get3A_1 = vector.load %arg1[%get3A, %get3A_0] : memref<512x208xf32, #tpu.memory_space<vmem>>, vector<512x208xf32>
    %slice3A = vector.extract_strided_slice %get3A_1 {offsets = [0, 200], sizes = [512, 1], strides = [1, 1]} : vector<512x208xf32> to vector<512x1xf32>
    %get3A_2 = arith.constant 0 : index
    %get3A_3 = arith.constant 0 : index
    %get3A_4 = vector.load %arg2[%get3A_2, %get3A_3] : memref<512x8xf32, #tpu.memory_space<vmem>>, vector<512x1xf32>
    %add3A = arith.addf %slice3A, %get3A_4 : vector<512x1xf32>
    %get3A_5 = arith.constant 0 : index
    %get3A_6 = arith.constant 0 : index
    %get3A_7 = vector.load %arg3[%get3A_5, %get3A_6] : memref<1x1xf32, #tpu.memory_space<vmem>>, vector<1x1xf32>
    %get3A_8 = vector.extract %get3A_7[0, 0] : f32 from vector<1x1xf32>
    %add3A_9 = vector.broadcast %get3A_8 : f32 to vector<512x1xf32>
    %add3A_10 = arith.addf %add3A, %add3A_9 : vector<512x1xf32>
    %ge3A = arith.constant 0.000000e+00 : f32
    %ge3A_11 = vector.broadcast %ge3A : f32 to vector<512x1xf32>
    %ge3A_12 = arith.cmpf oge, %add3A_10, %ge3A_11 : vector<512x1xf32>
    %mul3A = arith.constant 0.00999999977 : f32
    %mul3A_13 = vector.broadcast %mul3A : f32 to vector<512x1xf32>
    %mul3A_14 = arith.mulf %mul3A_13, %add3A_10 : vector<512x1xf32>
    %select_n3A = arith.select %ge3A_12, %add3A_10, %mul3A_14 : vector<512x1xi1>, vector<512x1xf32>
    %exp3A = math.exp %select_n3A : vector<512x1xf32>
    %slice3A_15 = vector.extract_strided_slice %get3A_1 {offsets = [0, 0], sizes = [512, 200], strides = [1, 1]} : vector<512x208xf32> to vector<512x200xf32>
    %mul3A_16 = vector.broadcast %exp3A : vector<512x1xf32> to vector<512x200xf32>
    %mul3A_17 = arith.mulf %mul3A_16, %slice3A_15 : vector<512x200xf32>
    %broadcast_in_dim3A = arith.constant 0.000000e+00 : f32
    %broadcast_in_dim3A_18 = vector.broadcast %broadcast_in_dim3A : f32 to vector<512x7xf32>
    %concatenate3A = tpu.concatenate %mul3A_17, %exp3A, %broadcast_in_dim3A_18 in 1 : vector<512x200xf32>, vector<512x1xf32>, vector<512x7xf32> -> vector<512x208xf32>
    %swap3A = arith.constant 0 : index
    %swap3A_19 = arith.constant 0 : index
    %swap3A_20 = vector.load %arg4[%swap3A, %swap3A_19] : memref<512x208xf32, #tpu.memory_space<vmem>>, vector<512x208xf32>
    tpu.vector_store %arg4[%swap3A, %swap3A_19], %concatenate3A {strides = array<i32>} : memref<512x208xf32, #tpu.memory_space<vmem>>, vector<512x208xf32>,
    return
  }
  func.func @transform_0(%arg0: i32) -> (i32, i32) {
    %c0_i32 = arith.constant 0 : i32
    %c0_i32_0 = arith.constant 0 : i32
    return %arg0, %c0_i32 : i32, i32
  }
  func.func @transform_1(%arg0: i32) -> (i32, i32) {
    %c0_i32 = arith.constant 0 : i32
    %c0_i32_0 = arith.constant 0 : i32
    return %arg0, %c0_i32 : i32, i32
  }
  func.func @transform_2(%arg0: i32) -> (i32, i32) {
    %c0_i32 = arith.constant 0 : i32
    %c0_i32_0 = arith.constant 0 : i32
    %c0_i32_1 = arith.constant 0 : i32
    return %c0_i32, %c0_i32_0 : i32, i32
  }
  func.func @transform_3(%arg0: i32) -> (i32, i32) {
    %c0_i32 = arith.constant 0 : i32
    %c0_i32_0 = arith.constant 0 : i32
    return %arg0, %c0_i32 : i32, i32
  }
}

module attributes {stable_mosaic.version = 14 : i64} {
  func.func @_gru_fin_body(%arg0: i32, %arg1: memref<1000x208xf32, #tpu.memory_space<vmem>>, %arg2: memref<1000x200xf32, #tpu.memory_space<vmem>>, %arg3: memref<200x600xf32, #tpu.memory_space<vmem>>, %arg4: memref<200x600xf32, #tpu.memory_space<vmem>>, %arg5: memref<1x600xf32, #tpu.memory_space<vmem>>, %arg6: memref<1x600xf32, #tpu.memory_space<vmem>>, %arg7: memref<1000x200xf32, #tpu.memory_space<vmem>>) attributes {dimension_semantics = [#tpu.dimension_semantics<arbitrary>], iteration_bounds = array<i64: 10>, scalar_prefetch = 0 : i64, scratch_operands = 0 : i64, tpu.core_type = #tpu.core_type<tc>, window_params = [{transform_indices = @transform_0, window_bounds = array<i64: 1000, 208>}, {transform_indices = @transform_1, window_bounds = array<i64: 1000, 200>}, {pipeline_mode = #tpu.pipeline_mode<synchronous>, transform_indices = @transform_2, window_bounds = array<i64: 200, 600>}, {pipeline_mode = #tpu.pipeline_mode<synchronous>, transform_indices = @transform_3, window_bounds = array<i64: 200, 600>}, {pipeline_mode = #tpu.pipeline_mode<synchronous>, transform_indices = @transform_4, window_bounds = array<i64: 1, 600>}, {pipeline_mode = #tpu.pipeline_mode<synchronous>, transform_indices = @transform_5, window_bounds = array<i64: 1, 600>}, {transform_indices = @transform_6, window_bounds = array<i64: 1000, 200>}]} {
    %get3A = arith.constant 0 : index
    %get3A_0 = arith.constant 0 : index
    %get3A_1 = vector.load %arg1[%get3A, %get3A_0] : memref<1000x208xf32, #tpu.memory_space<vmem>>, vector<1000x208xf32>
    %slice3A = vector.extract_strided_slice %get3A_1 {offsets = [0, 0], sizes = [1000, 200], strides = [1, 1]} : vector<1000x208xf32> to vector<1000x200xf32>
    %slice3A_2 = vector.extract_strided_slice %get3A_1 {offsets = [0, 200], sizes = [1000, 1], strides = [1, 1]} : vector<1000x208xf32> to vector<1000x1xf32>
    %gt3A = arith.constant 0.000000e+00 : f32
    %gt3A_3 = vector.broadcast %gt3A : f32 to vector<1000x1xf32>
    %gt3A_4 = arith.cmpf ogt, %slice3A_2, %gt3A_3 : vector<1000x1xf32>
    %div3A = vector.broadcast %slice3A_2 : vector<1000x1xf32> to vector<1000x200xf32>
    %div3A_5 = arith.divf %slice3A, %div3A : vector<1000x200xf32>
    %jit3A = arith.constant 0.000000e+00 : f32
    %broadcast_in_dim3A = vector.shape_cast %gt3A_4 : vector<1000x1xi1> to vector<1000x1xi1>
    %broadcast_in_dim3A_6 = vector.broadcast %broadcast_in_dim3A : vector<1000x1xi1> to vector<1000x200xi1>
    %broadcast_in_dim3A_7 = vector.broadcast %jit3A : f32 to vector<1000x200xf32>
    %select_n3A = arith.select %broadcast_in_dim3A_6, %div3A_5, %broadcast_in_dim3A_7 : vector<1000x200xi1>, vector<1000x200xf32>
    %gt3A_8 = arith.constant 0.000000e+00 : f32
    %gt3A_9 = vector.broadcast %gt3A_8 : f32 to vector<1000x200xf32>
    %gt3A_10 = arith.cmpf ogt, %select_n3A, %gt3A_9 : vector<1000x200xf32>
    %exp3A = math.exp %select_n3A : vector<1000x200xf32>
    %sub3A = arith.constant 1.000000e+00 : f32
    %sub3A_11 = vector.broadcast %sub3A : f32 to vector<1000x200xf32>
    %sub3A_12 = arith.subf %exp3A, %sub3A_11 : vector<1000x200xf32>
    %select_n3A_13 = arith.select %gt3A_10, %select_n3A, %sub3A_12 : vector<1000x200xi1>, vector<1000x200xf32>
    %get3A_14 = arith.constant 0 : index
    %get3A_15 = arith.constant 0 : index
    %get3A_16 = vector.load %arg3[%get3A_14, %get3A_15] : memref<200x600xf32, #tpu.memory_space<vmem>>, vector<200x600xf32>
    %dot_general3A = arith.constant dense<0.000000e+00> : vector<1000x600xf32>
    %dot_general3A_17 = tpu.matmul %select_n3A_13, %get3A_16, %dot_general3A {dimension_numbers = #tpu.dot_dimension_numbers<[1], [0], [0], [1], [0, 0, 1, 1], [], []>, transpose_lhs_hint = false} : vector<1000x200xf32>, vector<200x600xf32>, vector<1000x600xf32> -> vector<1000x600xf32>
    %get3A_18 = arith.constant 0 : index
    %get3A_19 = arith.constant 0 : index
    %get3A_20 = vector.load %arg5[%get3A_18, %get3A_19] : memref<1x600xf32, #tpu.memory_space<vmem>>, vector<1x600xf32>
    %add3A = vector.broadcast %get3A_20 : vector<1x600xf32> to vector<1000x600xf32>
    %add3A_21 = arith.addf %dot_general3A_17, %add3A : vector<1000x600xf32>
    %get3A_22 = arith.constant 0 : index
    %get3A_23 = arith.constant 0 : index
    %get3A_24 = vector.load %arg2[%get3A_22, %get3A_23] : memref<1000x200xf32, #tpu.memory_space<vmem>>, vector<1000x200xf32>
    %get3A_25 = arith.constant 0 : index
    %get3A_26 = arith.constant 0 : index
    %get3A_27 = vector.load %arg4[%get3A_25, %get3A_26] : memref<200x600xf32, #tpu.memory_space<vmem>>, vector<200x600xf32>
    %dot_general3A_28 = arith.constant dense<0.000000e+00> : vector<1000x600xf32>
    %dot_general3A_29 = tpu.matmul %get3A_24, %get3A_27, %dot_general3A_28 {dimension_numbers = #tpu.dot_dimension_numbers<[1], [0], [0], [1], [0, 0, 1, 1], [], []>, transpose_lhs_hint = false} : vector<1000x200xf32>, vector<200x600xf32>, vector<1000x600xf32> -> vector<1000x600xf32>
    %get3A_30 = arith.constant 0 : index
    %get3A_31 = arith.constant 0 : index
    %get3A_32 = vector.load %arg6[%get3A_30, %get3A_31] : memref<1x600xf32, #tpu.memory_space<vmem>>, vector<1x600xf32>
    %add3A_33 = vector.broadcast %get3A_32 : vector<1x600xf32> to vector<1000x600xf32>
    %add3A_34 = arith.addf %dot_general3A_29, %add3A_33 : vector<1000x600xf32>
    %slice3A_35 = vector.extract_strided_slice %add3A_21 {offsets = [0, 0], sizes = [1000, 200], strides = [1, 1]} : vector<1000x600xf32> to vector<1000x200xf32>
    %slice3A_36 = vector.extract_strided_slice %add3A_34 {offsets = [0, 0], sizes = [1000, 200], strides = [1, 1]} : vector<1000x600xf32> to vector<1000x200xf32>
    %add3A_37 = arith.addf %slice3A_35, %slice3A_36 : vector<1000x200xf32>
    %logistic3A = arith.negf %add3A_37 : vector<1000x200xf32>
    %logistic3A_38 = math.exp %logistic3A : vector<1000x200xf32>
    %logistic3A_39 = arith.constant 1.000000e+00 : f32
    %logistic3A_40 = vector.broadcast %logistic3A_39 : f32 to vector<1000x200xf32>
    %logistic3A_41 = arith.addf %logistic3A_40, %logistic3A_38 : vector<1000x200xf32>
    %logistic3A_42 = arith.divf %logistic3A_40, %logistic3A_41 : vector<1000x200xf32>
    %slice3A_43 = vector.extract_strided_slice %add3A_21 {offsets = [0, 200], sizes = [1000, 200], strides = [1, 1]} : vector<1000x600xf32> to vector<1000x200xf32>
    %slice3A_44 = vector.extract_strided_slice %add3A_34 {offsets = [0, 200], sizes = [1000, 200], strides = [1, 1]} : vector<1000x600xf32> to vector<1000x200xf32>
    %add3A_45 = arith.addf %slice3A_43, %slice3A_44 : vector<1000x200xf32>
    %logistic3A_46 = arith.negf %add3A_45 : vector<1000x200xf32>
    %logistic3A_47 = math.exp %logistic3A_46 : vector<1000x200xf32>
    %logistic3A_48 = arith.constant 1.000000e+00 : f32
    %logistic3A_49 = vector.broadcast %logistic3A_48 : f32 to vector<1000x200xf32>
    %logistic3A_50 = arith.addf %logistic3A_49, %logistic3A_47 : vector<1000x200xf32>
    %logistic3A_51 = arith.divf %logistic3A_49, %logistic3A_50 : vector<1000x200xf32>
    %slice3A_52 = vector.extract_strided_slice %add3A_21 {offsets = [0, 400], sizes = [1000, 200], strides = [1, 1]} : vector<1000x600xf32> to vector<1000x200xf32>
    %slice3A_53 = vector.extract_strided_slice %add3A_34 {offsets = [0, 400], sizes = [1000, 200], strides = [1, 1]} : vector<1000x600xf32> to vector<1000x200xf32>
    %mul3A = arith.mulf %logistic3A_42, %slice3A_53 : vector<1000x200xf32>
    %add3A_54 = arith.addf %slice3A_52, %mul3A : vector<1000x200xf32>
    %tanh3A = math.tanh %add3A_54 : vector<1000x200xf32>
    %sub3A_55 = arith.constant 1.000000e+00 : f32
    %sub3A_56 = vector.broadcast %sub3A_55 : f32 to vector<1000x200xf32>
    %sub3A_57 = arith.subf %sub3A_56, %logistic3A_51 : vector<1000x200xf32>
    %mul3A_58 = arith.mulf %sub3A_57, %tanh3A : vector<1000x200xf32>
    %get3A_59 = arith.constant 0 : index
    %get3A_60 = arith.constant 0 : index
    %get3A_61 = vector.load %arg2[%get3A_59, %get3A_60] : memref<1000x200xf32, #tpu.memory_space<vmem>>, vector<1000x200xf32>
    %mul3A_62 = arith.mulf %logistic3A_51, %get3A_61 : vector<1000x200xf32>
    %add3A_63 = arith.addf %mul3A_58, %mul3A_62 : vector<1000x200xf32>
    %max3A = arith.constant 0.000000e+00 : f32
    %max3A_64 = vector.broadcast %max3A : f32 to vector<1000x200xf32>
    %max3A_65 = arith.maximumf %add3A_63, %max3A_64 : vector<1000x200xf32>
    %swap3A = arith.constant 0 : index
    %swap3A_66 = arith.constant 0 : index
    %swap3A_67 = vector.load %arg7[%swap3A, %swap3A_66] : memref<1000x200xf32, #tpu.memory_space<vmem>>, vector<1000x200xf32>
    tpu.vector_store %arg7[%swap3A, %swap3A_66], %max3A_65 {strides = array<i32>} : memref<1000x200xf32, #tpu.memory_space<vmem>>, vector<1000x200xf32>,
    return
  }
  func.func @transform_0(%arg0: i32) -> (i32, i32) {
    %c0_i32 = arith.constant 0 : i32
    %c0_i32_0 = arith.constant 0 : i32
    return %arg0, %c0_i32 : i32, i32
  }
  func.func @transform_1(%arg0: i32) -> (i32, i32) {
    %c0_i32 = arith.constant 0 : i32
    %c0_i32_0 = arith.constant 0 : i32
    return %arg0, %c0_i32 : i32, i32
  }
  func.func @transform_2(%arg0: i32) -> (i32, i32) {
    %c0_i32 = arith.constant 0 : i32
    %c0_i32_0 = arith.constant 0 : i32
    %c0_i32_1 = arith.constant 0 : i32
    return %c0_i32, %c0_i32_0 : i32, i32
  }
  func.func @transform_3(%arg0: i32) -> (i32, i32) {
    %c0_i32 = arith.constant 0 : i32
    %c0_i32_0 = arith.constant 0 : i32
    %c0_i32_1 = arith.constant 0 : i32
    return %c0_i32, %c0_i32_0 : i32, i32
  }
  func.func @transform_4(%arg0: i32) -> (i32, i32) {
    %c0_i32 = arith.constant 0 : i32
    %c0_i32_0 = arith.constant 0 : i32
    %c0_i32_1 = arith.constant 0 : i32
    return %c0_i32, %c0_i32_0 : i32, i32
  }
  func.func @transform_5(%arg0: i32) -> (i32, i32) {
    %c0_i32 = arith.constant 0 : i32
    %c0_i32_0 = arith.constant 0 : i32
    %c0_i32_1 = arith.constant 0 : i32
    return %c0_i32, %c0_i32_0 : i32, i32
  }
  func.func @transform_6(%arg0: i32) -> (i32, i32) {
    %c0_i32 = arith.constant 0 : i32
    %c0_i32_0 = arith.constant 0 : i32
    return %arg0, %c0_i32 : i32, i32
  }
}

</mosaic_0001>

<sc_bundles>
// kernel: kernel.11.cloned.1.call-start
scs
__scs_entry_jumppad:
0x0: {  	(pc) =	sbr.rel $0x88, $3  }
0x1: {  	(tag) =	ssettag $0x0;
	lr =	simm.s32 $0x1  }
0x2: {  	[smem:$0x3F8A] =	sst lr;
	_ =	strace $0xD0000000  }
0x3: {  	_ = 	snop  }
0x4: {  	_ = 	snop  }
0x5: {  	_ = 	snop  }
0x6: {  	_ = 	snop  }
0x7: {  	_ = 	snop  }
__scs_overlays_trampoline_lowered:
0x8: {  	[smem:$0x3F99] =	sst s0  }
0x9: {  	[smem:$0x3F9A] =	sst s1  }
0xa: {  	[smem:$0x3F9B] =	sst s2  }
0xb: {  	[smem:$0x3F9C] =	sst s3  }
0xc: {  	[smem:$0x3F9D] =	sst s4  }
0xd: {  	[smem:$0x3F9E] =	sst s5  }
0xe: {  	[smem:$0x3F9F] =	sst s6  }
0xf: {  	[smem:$0x3FA0] =	sst s7  }
0x10: {  	[smem:$0x3FA1] =	sst s8  }
0x11: {  	[smem:$0x3FA2] =	sst s9;
	s0 =	simm.s32 @!p0 $0x0  }
0x12: {  	s1 =	sld [smem:$0x3F88];
	s0 =	simm.s32 @p0 $0x1  }
0x13: {  	[smem:$0x3FA3] =	sst s0;
	s0 =	simm.s32 @!p1 $0x0  }
0x14: {  	s2 =	sld [smem:$0x3F87];
	s0 =	simm.s32 @p1 $0x1  }
0x15: {  	[smem:$0x3FA4] =	sst s0;
	s0 =	simm.s32 @!p2 $0x0  }
0x16: {  	s3 =	sld [smem:$0x3FDB];
	s0 =	simm.s32 @p2 $0x1  }
0x17: {  	s4 =	simm.s32 $0x1BF5;
	[smem:$0x3FA6] =	sst s0  }
0x18: {  	s0 =	sld [smem:$0x3F89];
	_ =	swait.ge [sflag:s4], $0x0  }
0x19: {  	s7 =	sld [smem:$0x3F8A]  }
0x1a: {  	s8 =	sadd.s32 $0xFFFFE003, lr  }
0x1b: {  	s9 =	sadd.s32 $0xFFFFFEF7, lr;
	s5 =	simm.s32 $0xFFFFFFFF;
	p2 =	slt.u32 s8, $0xFFFFF086  }
0x1c: {  	p1 =	slt.u32 s9, $0xF7A;
	s5 =	simm.s32 @!p2 $0x0  }
0x1d: {  	s5 =	simm.s32 @p1 $0x1;
	p0 =	seq.s32 s7, s2  }
0x1e: {  	s7 =	smul.u32 @!p0 $0xF7A, s2;
	p2 =	seq.s32 @!p0 s5, $0x0  }
0x1f: {  	s9 =	smul.u32 $0xF7A, s1;
	s8 =	simm.s32 @!p0 $0x1BF5;
	p2 =	por !p2, p0  }
0x20: {  	[sflag:s8] =	ssyncset.s32 @!p0 $0xFFFFF086;
	s6 =	sadd.s32 @!p0 s3, s7;
	s7 =	simm.s32 @!p0 $0x108  }
0x21: {  	s3 =	sadd.s32 s3, s9;
	s6 =	sadd.s32 @!p0 $0x88, s6;
	s7 =	simm.s32 @p2 $0x1082  }
0x22: {  	[simem:s7], [sflag:s8] =	dma.local @!p0 [hbm:s6], $0xF7A  }
0x23: {  	s9 =	sor.u32 $0xD0000000, s2;
	s6 =	simm.s32 $0x108;
	_ =	swait.ge @!p0 [sflag:s8], $0x0  }
0x24: {  	s3 =	sadd.s32 $0x88, s3;
	s6 =	simm.s32 @!p1 $0x1082;
	[sflag:s4] =	ssyncset.s32 $0xFFFFF086  }
0x25: {  	[simem:s6], [sflag:s4] =	dma.local [hbm:s3], $0xF7A  }
0x26: {  	[smem:$0x3F8A] =	sst s1;
	(tag) =	ssettag s2;
	_ =	strace s9  }
0x27: {  	s1 =	sld [smem:$0x3F9A]  }
0x28: {  	s2 =	sld [smem:$0x3F9B]  }
0x29: {  	s4 =	sld [smem:$0x3F9D]  }
0x2a: {  	p0 =	seq.s32 s5, $0x0;
	s5 =	sld [smem:$0x3F9E]  }
0x2b: {  	s6 =	sld [smem:$0x3F9F]  }
0x2c: {  	s7 =	sld [smem:$0x3FA0]  }
0x2d: {  	s3 =	simm.s32 $0x108;
	s8 =	sld [smem:$0x3FA1]  }
0x2e: {  	s3 =	simm.s32 @!p0 $0x1082;
	s9 =	sld [smem:$0x3FA2]  }
0x2f: {  	lr =	sadd.s32 s0, s3;
	s0 =	sld [smem:$0x3F99]  }
0x30: {  	s3 =	sld [smem:$0x3F9C]  }
0x31: {  	[smem:$0x3FA5] =	sst s10  }
0x32: {  	s10 =	sld [smem:$0x3FA3];
	_ =	sdelay $0x3  }
0x33: {  	p0 =	seq.s32 s10, $0x1;
	s10 =	sld [smem:$0x3FA5];
	_ =	sdelay $0x3  }
0x34: {  	[smem:$0x3FA5] =	sst s10  }
0x35: {  	s10 =	sld [smem:$0x3FA4];
	_ =	sdelay $0x3  }
0x36: {  	p1 =	seq.s32 s10, $0x1;
	s10 =	sld [smem:$0x3FA5];
	_ =	sdelay $0x3  }
0x37: {  	[smem:$0x3FA5] =	sst s10  }
0x38: {  	s10 =	sld [smem:$0x3FA6]  }
0x39: {  	_ = 	snop;
	(pc) =	sbr.ind lr, $3  }
0x3a: {  	_ = 	snop  }
0x3b: {  	_ = 	snop  }
0x3c: {  	p2 =	seq.s32 s10, $0x1;
	s10 =	sld [smem:$0x3FA5]  }
0x3d: {  	_ =	shalt  }
0x3e: {  	_ =	shalt  }
0x3f: {  	_ =	shalt  }
0x40: {  	_ =	shalt  }
0x41: {  	_ =	shalt  }
0x42: {  	_ =	shalt  }
0x43: {  	_ =	shalt  }
0x44: {  	_ =	shalt  }
0x45: {  	_ =	shalt  }
0x46: {  	_ =	shalt  }
0x47: {  	_ =	shalt  }
0x48: {  	_ =	shalt  }
0x49: {  	_ =	shalt  }
0x4a: {  	_ =	shalt  }
0x4b: {  	_ =	shalt  }
0x4c: {  	_ =	shalt  }
0x4d: {  	_ =	shalt  }
0x4e: {  	_ =	shalt  }
0x4f: {  	_ =	shalt  }
0x50: {  	_ =	shalt  }
0x51: {  	_ =	shalt  }
0x52: {  	_ =	shalt  }
0x53: {  	_ =	shalt  }
0x54: {  	_ =	shalt  }
0x55: {  	_ =	shalt  }
0x56: {  	_ =	shalt  }
0x57: {  	_ =	shalt  }
0x58: {  	_ =	shalt  }
0x59: {  	_ =	shalt  }
0x5a: {  	_ =	shalt  }
0x5b: {  	_ =	shalt  }
0x5c: {  	_ =	shalt  }
0x5d: {  	_ =	shalt  }
0x5e: {  	_ =	shalt  }
0x5f: {  	_ =	shalt  }
0x60: {  	_ =	shalt  }
0x61: {  	_ =	shalt  }
0x62: {  	_ =	shalt  }
0x63: {  	_ =	shalt  }
0x64: {  	_ =	shalt  }
0x65: {  	_ =	shalt  }
0x66: {  	_ =	shalt  }
0x67: {  	_ =	shalt  }
0x68: {  	_ =	shalt  }
0x69: {  	_ =	shalt  }
0x6a: {  	_ =	shalt  }
0x6b: {  	_ =	shalt  }
0x6c: {  	_ =	shalt  }
0x6d: {  	_ =	shalt  }
0x6e: {  	_ =	shalt  }
0x6f: {  	_ =	shalt  }
0x70: {  	_ =	shalt  }
0x71: {  	_ =	shalt  }
0x72: {  	_ =	shalt  }
0x73: {  	_ =	shalt  }
0x74: {  	_ =	shalt  }
0x75: {  	_ =	shalt  }
0x76: {  	_ =	shalt  }
0x77: {  	_ =	shalt  }
0x78: {  	_ =	shalt  }
0x79: {  	_ =	shalt  }
0x7a: {  	_ =	shalt  }
0x7b: {  	_ =	shalt  }
0x7c: {  	_ =	shalt  }
0x7d: {  	_ =	shalt  }
0x7e: {  	_ =	shalt  }
0x7f: {  	_ =	shalt  }
0x80: {  	_ =	shalt  }
0x81: {  	_ =	shalt  }
0x82: {  	_ =	shalt  }
0x83: {  	_ =	shalt  }
0x84: {  	_ =	shalt  }
0x85: {  	_ =	shalt  }
0x86: {  	_ =	shalt  }
0x87: {  	_ =	shalt  }
.Lfunc_end0:
.L_simem_size_0:
called_computation_lowered:
.L_overlay_start_0:
0x88: {  	s2 =	sld [smem:$0x3FD9]  }
0x89: {  	s3 =	sld [smem:$0x3FFE];
	_ =	sdelay $0x1  }
0x8a: {  	s1 =	srdreg.scid  }
0x8b: {  	s0 =	sand.u32 $0x1, s1  }
0x8c: {  	s17 =	sshll.u32 s0, $0xA;
	s2 =	sadd.s32 s3, s2  }
0x8d: {  	s2 =	sadd.s32 s2, s17  }
0x8e: {  	[smem:$0x3FB1] =	sst s2  }
0x8f: {  	_ = 	snop  }
0x90: {  	s2 =	sld [smem:$0x3FD0];
	(tm) =	ssettm $0x1  }
0x91: {  	s18 =	sld [smem:$0x3FFB];
	_ =	sdelay $0x3  }
0x92: {  	_ =	strace s18  }
0x93: {  	s3 =	sld [smem:$0x3FFC];
	_ =	sdelay $0x3  }
0x94: {  	_ =	strace s3  }
0x95: {  	s3 =	sld [smem:$0x3FFD];
	_ =	sdelay $0x3  }
0x96: {  	_ =	strace s3  }
0x97: {  	_ =	strace $0x8FFFFFFF  }
0x98: {  	s19 =	sld [smem:$0x3FDB];
	_ =	sdelay $0x1  }
0x99: {  	s4 =	simm.s32 $_scs_section_size  }
0x9a: {  	s5 =	simm.s32 $_size__tile_overlayer_lowered;
	s6 =	simm.s32 $_tile_overlayer_lowered  }
0x9b: {  	s22 =	simm.s32 $0x1BFF;
	s21 =	sshll.u32 s6, $0x1;
	s3 =	sadd.s32 s4, s19  }
0x9c: {  	s7 =	simm.s32 $0x0;
	s20 =	sshll.u32 s5, $0x1;
	s5 =	sadd.s32 s21, s3  }
0x9d: {  	[timem:s7], [sflag:s22] =	dma.local [hbm:s5], s20  }
0x9e: {  	_ =	swait.ge [sflag:s22], s20  }
0x9f: {  	s4 =	ssub.s32 $0x0, s20;
	[sflag:s22] =	ssyncset.done $0x0  }
0xa0: {  	[sflag:s22] =	ssyncadd.s32 s4;
	_ =	sdelay $0x1  }
0xa1: {  	s23 =	simm.s32 $0x1B8B  }
0xa2: {  	_ =	swait.ge [sflag:s23], $0x1  }
0xa3: {  	[sflag:s23] =	ssyncset.done $0x0  }
0xa4: {  	s25 =	simm.s32 $0x1B8E;
	s24 =	sld [smem:$0x3FFE];
	[sflag:s23] =	ssyncadd.s32 $0xFFFFFFFF  }
0xa5: {  	s26 =	simm.s32 $execute0_lowered;
	[smem:$0x3FD2] =	sst s25  }
0xa6: {  	s5 =	sshll.u32 s26, $0x1;
	_ =	strace $0x80000046;
	[dreg:$0x1] =	wrdreg $0xFFFFFFFF  }
0xa7: {  	s28 =	simm.s32 $_size_execute0_lowered;
	s3 =	sadd.s32 s3, s5;
	[dreg:$0x0] =	wrdreg $0x0  }
0xa8: {  	s5 =	sshll.u32 s28, $0x1;
	[dreg:$0x2] =	wrdreg s3  }
0xa9: {  	[dreg:$0x3] =	wrdreg s5  }
0xaa: {  	[dreg:$0x4] =	wrdreg $0xC0  }
0xab: {  	_ =	task [dreg:s7], $0x5FFFF  }
0xac: {  	[dreg:$0x1] =	wrdreg $0xFFFFFFFF  }
0xad: {  	[dreg:$0x0] =	wrdreg $0x60  }
0xae: {  	[dreg:$0x2] =	wrdreg s24  }
0xaf: {  	[dreg:$0x3] =	wrdreg s2  }
0xb0: {  	[dreg:$0x4] =	wrdreg $0x9  }
0xb1: {  	_ =	task.clear_ibuf [dreg:s7], $0x5FFFF;
	_ =	strace $0x90000046  }
0xb2: {  	s29 =	simm.s32 $0x9;
	_ =	strace $0x80000048  }
0xb3: {  	_ =	swait.ge [sflag:s29], $0x1  }
0xb4: {  	[sflag:s29] =	ssyncadd.s32 $0xFFFFFFFF  }
0xb5: {  	_ =	strace $0x90000048  }
0xb6: {  	_ =	sfence  }
0xb7: {  	s30 =	sld [smem:$0x0];
	_ =	sdelay $0x2  }
0xb8: {  	s31 =	sshll.u32 s1, $0xD;
	s1 =	sshrl.u32 s1, $0x2  }
0xb9: {  	s3 =	sand.u32 $0x4000, s31;
	s1 =	sadd.s32 s1, s30  }
0xba: {  	s0 =	sor.u32 s3, s0;
	s1 =	sshll.u32 s1, $0x11  }
0xbb: {  	s0 =	sor.u32 s1, s0  }
0xbc: {  	s0 =	sadd.s32 $0x8F2B, s0  }
0xbd: {  	[sflag:s0] =	ssyncadd.remote.s32 $0x1  }
0xbe: {  	_ =	sfence.sel $0xFFFF  }
0xbf: {  	[dreg:$0x0] =	wrdreg $0xFFFFFFFF;
	(pc) =	sbr.abs _section_cstart, $3  }
0xc0: {  	[dreg:$0x1] =	wrdreg $0xFFFFFFFF  }
0xc1: {  	_ =	task.clear_ibuf [dreg:s7], $0x2FFFF;
	_ =	strace $0x9FFFFFFF  }
0xc2: {  	(tm) =	ssettm $0x7FFFFFFF  }
0xc3: {  	_ =	shalt  }
tec
execute0_lowered:
.L_overlay_start_1:
0x0: {  	(tag) =	ssettag $0x1  }
0x1: {  	s5 =	rddreg [dreg:$0x0];
	s1 =	srdreg.scid  }
0x2: {  	s0 =	stileid.u32;
	s7 =	rddreg [dreg:$0x1]  }
0x3: {  	s2 =	simm.s32 $0x0;
	s14 =	simm.s32 $0x186A0;
	s15 =	simm.s32 $0x8CA0  }
0x4: {  	s16 =	simm.s32 $0x18920;
	s17 =	simm.s32 $0xCB20;
	s18 =	simm.s32 $0x18BA0  }
0x5: {  	s19 =	simm.s32 $0x109A0;
	s20 =	simm.s32 $0x18E20;
	s21 =	simm.s32 $0x14820  }
0x6: {  	s22 =	simm.s32 $0x190A0;
	s23 =	simm.s32 $0x1;
	s24 =	simm.s32 $0x0  }
0x7: {  	s6 =	sand.u32 $0x1, s1;
	s1 =	rddreg [dreg:$0x2];
	s9 =	smul.u32 $0x7A120, s0  }
0x8: {  	s3 =	sshll.u32 s0, $0x1;
	[smem:$0x7FF] =	sst s2;
	s11 =	smul.u32 $0x4E20, s0  }
0x9: {  	s4 =	sadd.s32 $0xA4800, s5;
	s3 =	sor.u32 s6, s3;
	s12 =	smul.u32 $0x3D090, s6  }
0xa: {  	_ =	strace $0x80000047;
	s10 =	ssub.s32 $0x2, s6;
	s13 =	smul.u32 $0x2710, s6  }
0xb: {  	s8 =	smul.u32 $0x2710, s3;
	s3 =	sadd.s32 $0x67600, s5;
	s9 =	sadd.s32 s9, s5  }
0xc: {  	s30 =	sshrl.u32 s10, $0x1;
	s31 =	sadd.s32 s11, s7;
	s11 =	simm.s32 $0x2710  }
0xd: {  	s10 =	ssub.s32 s10, s30;
	s9 =	sadd.s32 s12, s9;
	s8 =	sshrl.u32 s8, $0x3  }
0xe: {  	s12 =	simm.s32 $0x50;
	s7 =	smax.u32 s10, $0x1;
	s8 =	sadd.s32 s8, s5  }
0xf: {  	s9 =	sadd.s32 $0xA7000, s9;
	s10 =	simm.s32 $0x2;
	s5 =	sadd.s32 $0x5800, s8  }
0x10: {  	s6 =	sadd.s32 $0xF600, s8;
	s8 =	sadd.s32 s13, s31;
	s13 =	simm.s32 $0x4E20  }
.LBB2_1:
0x11: {  	[tilespmem:s2], [sflag:$0x2] =	stream.linear.gather [hbm4b:s5+s2], $0x2710, $0x38;
	[tilespmem:$0x19320] =	vst v63  }
0x12: {  	_ =	swait.ge [sflag:s10], $0x2710  }
0x13: {  	[sflag:s10] =	ssyncset.done $0x0  }
0x14: {  	[sflag:s10] =	ssyncadd.s32 $0xFFFFD8F0  }
0x15: {  	[tilespmem:s11], [sflag:$0x2] =	stream.linear.gather [hbm4b:s6+s2], $0x2710, $0x38;
	[tilespmem:$0x19320] =	vst v63  }
0x16: {  	_ =	swait.ge [sflag:s10], $0x2710  }
0x17: {  	[sflag:s10] =	ssyncset.done $0x0  }
0x18: {  	s25 =	simm.s32 $0x0;
	[sflag:s10] =	ssyncadd.s32 $0xFFFFD8F0  }
0x19: {  	[tilespmem:s13], [sflag:$0x1] =	stream.indirect.gather [hbm4b:s3+s12], $0xC8, s25, s12, $0xb8;
	[tilespmem:$0x19320] =	vst v63  }
0x1a: {  	s26 =	simm.s32 $0x2710  }
0x1b: {  	[tilespmem:s14], [sflag:$0x1] =	stream.indirect.gather [hbm4b:s4+s12], $0x8, s26, s12, $0xb8;
	[tilespmem:$0x19320] =	vst v63  }
0x1c: {  	s29 =	simm.s32 $0x50  }
0x1d: {  	[tilespmem:s15], [sflag:$0x1] =	stream.indirect.gather [hbm4b:s3+s12], $0xC8, s29, s12, $0xb8;
	[tilespmem:$0x19320] =	vst v63  }
0x1e: {  	s31 =	simm.s32 $0x2760  }
0x1f: {  	[tilespmem:s16], [sflag:$0x1] =	stream.indirect.gather [hbm4b:s4+s12], $0x8, s31, s12, $0xb8;
	[tilespmem:$0x19320] =	vst v63  }
0x20: {  	s26 =	simm.s32 $0xA0  }
0x21: {  	[tilespmem:s17], [sflag:$0x1] =	stream.indirect.gather [hbm4b:s3+s12], $0xC8, s26, s12, $0xb8;
	[tilespmem:$0x19320] =	vst v63  }
0x22: {  	s29 =	simm.s32 $0x27B0  }
0x23: {  	[tilespmem:s18], [sflag:$0x1] =	stream.indirect.gather [hbm4b:s4+s12], $0x8, s29, s12, $0xb8;
	[tilespmem:$0x19320] =	vst v63  }
0x24: {  	s31 =	simm.s32 $0xF0  }
0x25: {  	[tilespmem:s19], [sflag:$0x1] =	stream.indirect.gather [hbm4b:s3+s12], $0xC8, s31, s12, $0xb8;
	[tilespmem:$0x19320] =	vst v63  }
0x26: {  	s26 =	simm.s32 $0x2800  }
0x27: {  	[tilespmem:s20], [sflag:$0x1] =	stream.indirect.gather [hbm4b:s4+s12], $0x8, s26, s12, $0xb8;
	[tilespmem:$0x19320] =	vst v63  }
0x28: {  	s29 =	simm.s32 $0x140  }
0x29: {  	[tilespmem:s21], [sflag:$0x1] =	stream.indirect.gather [hbm4b:s3+s12], $0xC8, s29, s12, $0xb8;
	[tilespmem:$0x19320] =	vst v63  }
0x2a: {  	s31 =	simm.s32 $0x2850  }
0x2b: {  	[tilespmem:s22], [sflag:$0x1] =	stream.indirect.gather [hbm4b:s4+s12], $0x8, s31, s12, $0xb8;
	[tilespmem:$0x19320] =	vst v63  }
0x2c: {  	_ =	swait.ge [sflag:s23], $0x3E80  }
0x2d: {  	[sflag:s23] =	ssyncset.done $0x0  }
0x2e: {  	[sflag:s23] =	ssyncadd.s32 $0xFFFFC180  }
0x2f: {  	_ =	swait.ge [sflag:s23], $0x280  }
0x30: {  	[sflag:s23] =	ssyncset.done $0x0  }
0x31: {  	[sflag:s23] =	ssyncadd.s32 $0xFFFFFD80  }
0x32: {  	_ =	swait.ge [sflag:s23], $0x3E80  }
0x33: {  	[sflag:s23] =	ssyncset.done $0x0  }
0x34: {  	[sflag:s23] =	ssyncadd.s32 $0xFFFFC180  }
0x35: {  	_ =	swait.ge [sflag:s23], $0x280  }
0x36: {  	[sflag:s23] =	ssyncset.done $0x0  }
0x37: {  	[sflag:s23] =	ssyncadd.s32 $0xFFFFFD80  }
0x38: {  	_ =	swait.ge [sflag:s23], $0x3E80  }
0x39: {  	[sflag:s23] =	ssyncset.done $0x0  }
0x3a: {  	[sflag:s23] =	ssyncadd.s32 $0xFFFFC180  }
0x3b: {  	_ =	swait.ge [sflag:s23], $0x280  }
0x3c: {  	[sflag:s23] =	ssyncset.done $0x0  }
0x3d: {  	[sflag:s23] =	ssyncadd.s32 $0xFFFFFD80  }
0x3e: {  	_ =	swait.ge [sflag:s23], $0x3E80  }
0x3f: {  	[sflag:s23] =	ssyncset.done $0x0  }
0x40: {  	[sflag:s23] =	ssyncadd.s32 $0xFFFFC180  }
0x41: {  	_ =	swait.ge [sflag:s23], $0x280  }
0x42: {  	[sflag:s23] =	ssyncset.done $0x0  }
0x43: {  	[sflag:s23] =	ssyncadd.s32 $0xFFFFFD80  }
0x44: {  	_ =	swait.ge [sflag:s23], $0x3E80  }
0x45: {  	[sflag:s23] =	ssyncset.done $0x0  }
0x46: {  	[sflag:s23] =	ssyncadd.s32 $0xFFFFC180  }
0x47: {  	_ =	swait.ge [sflag:s23], $0x280  }
0x48: {  	[sflag:s23] =	ssyncset.done $0x0  }
0x49: {  	[sflag:s23] =	ssyncadd.s32 $0xFFFFFD80  }
0x4a: {  	[hbm4b:s9+s2] =	stream.linear.scatter [tilespmem:s13], [sflag:$0x2], $0x13880, $0x38;
	[tilespmem:$0x19320] =	vst v63  }
0x4b: {  	_ =	swait.ge [sflag:s10], $0x13880  }
0x4c: {  	[sflag:s10] =	ssyncset.done $0x0  }
0x4d: {  	[sflag:s10] =	ssyncadd.s32 $0xFFFEC780  }
0x4e: {  	[hbm4b:s8+s2] =	stream.linear.scatter [tilespmem:s14], [sflag:$0x2], $0xC80, $0x38;
	[tilespmem:$0x19320] =	vst v63  }
0x4f: {  	s28 =	simm.s32 $0x640;
	s30 =	simm.s32 $0xC80;
	_ =	swait.ge [sflag:s10], $0xC80  }
0x50: {  	s25 =	sadd.s32 $0x190, s8;
	s26 =	sadd.s32 $0x2710, s9;
	[sflag:s10] =	ssyncset.done $0x0  }
.LBB2_2:
0x51: {  	s31 =	sshra.s32 s28, $0x2  }
0x52: {  	[sflag:s10] =	ssyncadd.s32 $0xFFFFF380;
	s28 =	smov.u32 s30;
	s29 =	sadd.s32 $0x640, s30  }
0x53: {  	[tilespmem:s13], [sflag:$0x1] =	stream.indirect.gather [hbm4b:s3+s12], $0xC8, s31, s12, $0xb8;
	[tilespmem:$0x19320] =	vst v63  }
0x54: {  	p0 =	sne.s32 s30, $0x9600;
	s30 =	sadd.s32 $0x2710, s31  }
0x55: {  	[tilespmem:s14], [sflag:$0x1] =	stream.indirect.gather [hbm4b:s4+s12], $0x8, s30, s12, $0xb8;
	[tilespmem:$0x19320] =	vst v63  }
0x56: {  	s30 =	sadd.s32 $0x50, s31  }
0x57: {  	[tilespmem:s15], [sflag:$0x1] =	stream.indirect.gather [hbm4b:s3+s12], $0xC8, s30, s12, $0xb8;
	[tilespmem:$0x19320] =	vst v63  }
0x58: {  	s30 =	sadd.s32 $0x2760, s31  }
0x59: {  	[tilespmem:s16], [sflag:$0x1] =	stream.indirect.gather [hbm4b:s4+s12], $0x8, s30, s12, $0xb8;
	[tilespmem:$0x19320] =	vst v63  }
0x5a: {  	s30 =	sadd.s32 $0xA0, s31  }
0x5b: {  	[tilespmem:s17], [sflag:$0x1] =	stream.indirect.gather [hbm4b:s3+s12], $0xC8, s30, s12, $0xb8;
	[tilespmem:$0x19320] =	vst v63  }
0x5c: {  	s30 =	sadd.s32 $0x27B0, s31  }
0x5d: {  	[tilespmem:s18], [sflag:$0x1] =	stream.indirect.gather [hbm4b:s4+s12], $0x8, s30, s12, $0xb8;
	[tilespmem:$0x19320] =	vst v63  }
0x5e: {  	s30 =	sadd.s32 $0xF0, s31  }
0x5f: {  	[tilespmem:s19], [sflag:$0x1] =	stream.indirect.gather [hbm4b:s3+s12], $0xC8, s30, s12, $0xb8;
	[tilespmem:$0x19320] =	vst v63  }
0x60: {  	s30 =	sadd.s32 $0x2800, s31  }
0x61: {  	[tilespmem:s20], [sflag:$0x1] =	stream.indirect.gather [hbm4b:s4+s12], $0x8, s30, s12, $0xb8;
	[tilespmem:$0x19320] =	vst v63  }
0x62: {  	s30 =	sadd.s32 $0x140, s31  }
0x63: {  	[tilespmem:s21], [sflag:$0x1] =	stream.indirect.gather [hbm4b:s3+s12], $0xC8, s30, s12, $0xb8;
	[tilespmem:$0x19320] =	vst v63  }
0x64: {  	s30 =	sadd.s32 $0x2850, s31  }
0x65: {  	[tilespmem:s22], [sflag:$0x1] =	stream.indirect.gather [hbm4b:s4+s12], $0x8, s30, s12, $0xb8;
	[tilespmem:$0x19320] =	vst v63  }
0x66: {  	_ =	swait.ge [sflag:s23], $0x3E80  }
0x67: {  	[sflag:s23] =	ssyncset.done $0x0  }
0x68: {  	[sflag:s23] =	ssyncadd.s32 $0xFFFFC180  }
0x69: {  	_ =	swait.ge [sflag:s23], $0x280  }
0x6a: {  	[sflag:s23] =	ssyncset.done $0x0  }
0x6b: {  	[sflag:s23] =	ssyncadd.s32 $0xFFFFFD80  }
0x6c: {  	_ =	swait.ge [sflag:s23], $0x3E80  }
0x6d: {  	[sflag:s23] =	ssyncset.done $0x0  }
0x6e: {  	[sflag:s23] =	ssyncadd.s32 $0xFFFFC180  }
0x6f: {  	_ =	swait.ge [sflag:s23], $0x280  }
0x70: {  	[sflag:s23] =	ssyncset.done $0x0  }
0x71: {  	[sflag:s23] =	ssyncadd.s32 $0xFFFFFD80  }
0x72: {  	_ =	swait.ge [sflag:s23], $0x3E80  }
0x73: {  	[sflag:s23] =	ssyncset.done $0x0  }
0x74: {  	[sflag:s23] =	ssyncadd.s32 $0xFFFFC180  }
0x75: {  	_ =	swait.ge [sflag:s23], $0x280  }
0x76: {  	[sflag:s23] =	ssyncset.done $0x0  }
0x77: {  	[sflag:s23] =	ssyncadd.s32 $0xFFFFFD80  }
0x78: {  	_ =	swait.ge [sflag:s23], $0x3E80  }
0x79: {  	[sflag:s23] =	ssyncset.done $0x0  }
0x7a: {  	[sflag:s23] =	ssyncadd.s32 $0xFFFFC180  }
0x7b: {  	_ =	swait.ge [sflag:s23], $0x280  }
0x7c: {  	[sflag:s23] =	ssyncset.done $0x0  }
0x7d: {  	[sflag:s23] =	ssyncadd.s32 $0xFFFFFD80  }
0x7e: {  	_ =	swait.ge [sflag:s23], $0x3E80  }
0x7f: {  	[sflag:s23] =	ssyncset.done $0x0  }
0x80: {  	[sflag:s23] =	ssyncadd.s32 $0xFFFFC180  }
0x81: {  	_ =	swait.ge [sflag:s23], $0x280  }
0x82: {  	[sflag:s23] =	ssyncset.done $0x0  }
0x83: {  	[sflag:s23] =	ssyncadd.s32 $0xFFFFFD80  }
0x84: {  	[hbm4b:s26+s2] =	stream.linear.scatter [tilespmem:s13], [sflag:$0x2], $0x13880, $0x38;
	[tilespmem:$0x19320] =	vst v63  }
0x85: {  	_ =	swait.ge [sflag:s10], $0x13880  }
.Ltmp0:
0x86: {  	[sflag:s10] =	ssyncset.done $0x0;
	(pc) =	sbr.rel @p0 .LBB2_2-.Ltmp0, $4  }
0x87: {  	[sflag:s10] =	ssyncadd.s32 $0xFFFEC780  }
0x88: {  	[hbm4b:s25+s2] =	stream.linear.scatter [tilespmem:s14], [sflag:$0x2], $0xC80, $0x38;
	[tilespmem:$0x19320] =	vst v63  }
0x89: {  	s30 =	smov.u32 s29;
	_ =	swait.ge [sflag:s10], $0xC80  }
0x8a: {  	s26 =	sadd.s32 $0x2710, s26;
	s25 =	sadd.s32 $0x190, s25;
	[sflag:s10] =	ssyncset.done $0x0  }
0x8b: {  	s28 =	sshra.s32 s28, $0x2;
	[sflag:s10] =	ssyncadd.s32 $0xFFFFF380  }
0x8c: {  	[tilespmem:s13], [sflag:$0x1] =	stream.indirect.gather [hbm4b:s3+s12], $0xC8, s28, s12, $0xb8;
	[tilespmem:$0x19320] =	vst v63  }
0x8d: {  	s29 =	sadd.s32 $0x2710, s28  }
0x8e: {  	[tilespmem:s14], [sflag:$0x1] =	stream.indirect.gather [hbm4b:s4+s12], $0x8, s29, s12, $0xb8;
	[tilespmem:$0x19320] =	vst v63  }
0x8f: {  	s31 =	sadd.s32 $0x50, s28  }
0x90: {  	[tilespmem:s15], [sflag:$0x1] =	stream.indirect.gather [hbm4b:s3+s12], $0xC8, s31, s12, $0xb8;
	[tilespmem:$0x19320] =	vst v63  }
0x91: {  	s30 =	sadd.s32 $0x2760, s28  }
0x92: {  	[tilespmem:s16], [sflag:$0x1] =	stream.indirect.gather [hbm4b:s4+s12], $0x8, s30, s12, $0xb8;
	[tilespmem:$0x19320] =	vst v63  }
0x93: {  	s31 =	sadd.s32 $0xA0, s28  }
0x94: {  	[tilespmem:s17], [sflag:$0x1] =	stream.indirect.gather [hbm4b:s3+s12], $0xC8, s31, s12, $0xb8;
	[tilespmem:$0x19320] =	vst v63  }
0x95: {  	s30 =	sadd.s32 $0x27B0, s28  }
0x96: {  	[tilespmem:s18], [sflag:$0x1] =	stream.indirect.gather [hbm4b:s4+s12], $0x8, s30, s12, $0xb8;
	[tilespmem:$0x19320] =	vst v63  }
0x97: {  	s31 =	sadd.s32 $0xF0, s28  }
0x98: {  	[tilespmem:s19], [sflag:$0x1] =	stream.indirect.gather [hbm4b:s3+s12], $0xC8, s31, s12, $0xb8;
	[tilespmem:$0x19320] =	vst v63  }
0x99: {  	s30 =	sadd.s32 $0x2800, s28  }
0x9a: {  	[tilespmem:s20], [sflag:$0x1] =	stream.indirect.gather [hbm4b:s4+s12], $0x8, s30, s12, $0xb8;
	[tilespmem:$0x19320] =	vst v63  }
0x9b: {  	s31 =	sadd.s32 $0x140, s28  }
0x9c: {  	[tilespmem:s21], [sflag:$0x1] =	stream.indirect.gather [hbm4b:s3+s12], $0xC8, s31, s12, $0xb8;
	[tilespmem:$0x19320] =	vst v63  }
0x9d: {  	s28 =	sadd.s32 $0x2850, s28  }
0x9e: {  	[tilespmem:s22], [sflag:$0x1] =	stream.indirect.gather [hbm4b:s4+s12], $0x8, s28, s12, $0xb8;
	[tilespmem:$0x19320] =	vst v63  }
0x9f: {  	_ =	swait.ge [sflag:s23], $0x3E80  }
0xa0: {  	[sflag:s23] =	ssyncset.done $0x0  }
0xa1: {  	[sflag:s23] =	ssyncadd.s32 $0xFFFFC180  }
0xa2: {  	_ =	swait.ge [sflag:s23], $0x280  }
0xa3: {  	[sflag:s23] =	ssyncset.done $0x0  }
0xa4: {  	[sflag:s23] =	ssyncadd.s32 $0xFFFFFD80  }
0xa5: {  	_ =	swait.ge [sflag:s23], $0x3E80  }
0xa6: {  	[sflag:s23] =	ssyncset.done $0x0  }
0xa7: {  	[sflag:s23] =	ssyncadd.s32 $0xFFFFC180  }
0xa8: {  	_ =	swait.ge [sflag:s23], $0x280  }
0xa9: {  	[sflag:s23] =	ssyncset.done $0x0  }
0xaa: {  	[sflag:s23] =	ssyncadd.s32 $0xFFFFFD80  }
0xab: {  	_ =	swait.ge [sflag:s23], $0x3E80  }
0xac: {  	[sflag:s23] =	ssyncset.done $0x0  }
0xad: {  	[sflag:s23] =	ssyncadd.s32 $0xFFFFC180  }
0xae: {  	_ =	swait.ge [sflag:s23], $0x280  }
0xaf: {  	[sflag:s23] =	ssyncset.done $0x0  }
0xb0: {  	[sflag:s23] =	ssyncadd.s32 $0xFFFFFD80  }
0xb1: {  	_ =	swait.ge [sflag:s23], $0x3E80  }
0xb2: {  	[sflag:s23] =	ssyncset.done $0x0  }
0xb3: {  	[sflag:s23] =	ssyncadd.s32 $0xFFFFC180  }
0xb4: {  	_ =	swait.ge [sflag:s23], $0x280  }
0xb5: {  	[sflag:s23] =	ssyncset.done $0x0  }
0xb6: {  	[sflag:s23] =	ssyncadd.s32 $0xFFFFFD80  }
0xb7: {  	_ =	swait.ge [sflag:s23], $0x3E80  }
0xb8: {  	[sflag:s23] =	ssyncset.done $0x0  }
0xb9: {  	[sflag:s23] =	ssyncadd.s32 $0xFFFFC180  }
0xba: {  	_ =	swait.ge [sflag:s23], $0x280  }
0xbb: {  	[sflag:s23] =	ssyncset.done $0x0  }
0xbc: {  	[sflag:s23] =	ssyncadd.s32 $0xFFFFFD80  }
0xbd: {  	[hbm4b:s26+s2] =	stream.linear.scatter [tilespmem:s13], [sflag:$0x2], $0x13880, $0x38;
	[tilespmem:$0x19320] =	vst v63  }
0xbe: {  	s24 =	sadd.s32 $0x1, s24;
	_ =	swait.ge [sflag:s10], $0x13880  }
0xbf: {  	p0 =	sne.s32 s24, s7;
	[sflag:s10] =	ssyncset.done $0x0  }
.Ltmp1:
0xc0: {  	[sflag:s10] =	ssyncadd.s32 $0xFFFEC780;
	(pc) =	sbr.rel @p0 .LBB2_1-.Ltmp1, $4  }
0xc1: {  	[hbm4b:s25+s2] =	stream.linear.scatter [tilespmem:s14], [sflag:$0x2], $0xC80, $0x38;
	[tilespmem:$0x19320] =	vst v63  }
0xc2: {  	_ =	swait.ge [sflag:s10], $0xC80  }
0xc3: {  	[sflag:s10] =	ssyncset.done $0x0  }
0xc4: {  	[sflag:s10] =	ssyncadd.s32 $0xFFFFF380  }
0xc5: {  	_ =	sfence.sel $0x180000  }
0xc6: {  	[bflag:$0x0] =	sbarrier.arrive $0xFFFF  }
0xc7: {  	p0 =	sne.s32 s0, $0x0;
	_ =	strace $0x90000047  }
0xc8: {  	s0 =	sadd.s32 @!p0 $0x100000, s1;
	[bflag:$0x2] =	sbarrier.arrive $0xFFFF  }
0xc9: {  	[sflag:s0] =	ssyncadd.tile.s32 @!p0 $0x1;
	_ =	shalt  }
.Lfunc_end2:
_tile_overlayer_lowered:
.L_overlay_start_2:
0xca: {  	(tag) =	ssettag $0x2  }
0xcb: {  	s0 =	rddreg [dreg:$0x0];
	s2 =	stileid.u32  }
0xcc: {  	s1 =	rddreg [dreg:$0x1];
	p0 =	sne.s32 s2, $0x0  }
0xcd: {  	s3 =	rddreg [dreg:$0x2];
	[bflag:$0x3] =	sbarrier.arrive $0xFFFF;
	s2 =	simm.s32 @!p0 $0x1C02  }
0xce: {  	[timem:s3], [sflag:s2] =	dma.local @!p0 [hbm:s0], s1  }
0xcf: {  	s0 =	simm.s32 @!p0 $0x2  }
0xd0: {  	_ =	swait.ge @!p0 [sflag:s0], s1  }
0xd1: {  	s1 =	ssub.s32 @!p0 $0x0, s1;
	[sflag:s0] =	ssyncset.done @!p0 $0x0  }
0xd2: {  	[sflag:s0] =	ssyncadd.s32 @!p0 s1  }
0xd3: {  	[bflag:$0x3] =	sbarrier.arrive $0xFFFF  }
0xd4: {  	_ =	shalt  }

// kernel: kernel.14.cloned.1.call-start
scs
__scs_entry_jumppad:
0x0: {  	(pc) =	sbr.rel $0x88, $3  }
0x1: {  	(tag) =	ssettag $0x0;
	lr =	simm.s32 $0x1  }
0x2: {  	[smem:$0x3F8A] =	sst lr;
	_ =	strace $0xD0000000  }
0x3: {  	_ = 	snop  }
0x4: {  	_ = 	snop  }
0x5: {  	_ = 	snop  }
0x6: {  	_ = 	snop  }
0x7: {  	_ = 	snop  }
__scs_overlays_trampoline_lowered:
0x8: {  	[smem:$0x3F99] =	sst s0  }
0x9: {  	[smem:$0x3F9A] =	sst s1  }
0xa: {  	[smem:$0x3F9B] =	sst s2  }
0xb: {  	[smem:$0x3F9C] =	sst s3  }
0xc: {  	[smem:$0x3F9D] =	sst s4  }
0xd: {  	[smem:$0x3F9E] =	sst s5  }
0xe: {  	[smem:$0x3F9F] =	sst s6  }
0xf: {  	[smem:$0x3FA0] =	sst s7  }
0x10: {  	[smem:$0x3FA1] =	sst s8  }
0x11: {  	[smem:$0x3FA2] =	sst s9;
	s0 =	simm.s32 @!p0 $0x0  }
0x12: {  	s1 =	sld [smem:$0x3F88];
	s0 =	simm.s32 @p0 $0x1  }
0x13: {  	[smem:$0x3FA3] =	sst s0;
	s0 =	simm.s32 @!p1 $0x0  }
0x14: {  	s2 =	sld [smem:$0x3F87];
	s0 =	simm.s32 @p1 $0x1  }
0x15: {  	[smem:$0x3FA4] =	sst s0;
	s0 =	simm.s32 @!p2 $0x0  }
0x16: {  	s3 =	sld [smem:$0x3FDB];
	s0 =	simm.s32 @p2 $0x1  }
0x17: {  	s4 =	simm.s32 $0x1BF5;
	[smem:$0x3FA6] =	sst s0  }
0x18: {  	s0 =	sld [smem:$0x3F89];
	_ =	swait.ge [sflag:s4], $0x0  }
0x19: {  	s7 =	sld [smem:$0x3F8A]  }
0x1a: {  	s8 =	sadd.s32 $0xFFFFE003, lr  }
0x1b: {  	s9 =	sadd.s32 $0xFFFFFEF7, lr;
	s5 =	simm.s32 $0xFFFFFFFF;
	p2 =	slt.u32 s8, $0xFFFFF086  }
0x1c: {  	p1 =	slt.u32 s9, $0xF7A;
	s5 =	simm.s32 @!p2 $0x0  }
0x1d: {  	s5 =	simm.s32 @p1 $0x1;
	p0 =	seq.s32 s7, s2  }
0x1e: {  	s7 =	smul.u32 @!p0 $0xF7A, s2;
	p2 =	seq.s32 @!p0 s5, $0x0  }
0x1f: {  	s9 =	smul.u32 $0xF7A, s1;
	s8 =	simm.s32 @!p0 $0x1BF5;
	p2 =	por !p2, p0  }
0x20: {  	[sflag:s8] =	ssyncset.s32 @!p0 $0xFFFFF086;
	s6 =	sadd.s32 @!p0 s3, s7;
	s7 =	simm.s32 @!p0 $0x108  }
0x21: {  	s3 =	sadd.s32 s3, s9;
	s6 =	sadd.s32 @!p0 $0x88, s6;
	s7 =	simm.s32 @p2 $0x1082  }
0x22: {  	[simem:s7], [sflag:s8] =	dma.local @!p0 [hbm:s6], $0xF7A  }
0x23: {  	s9 =	sor.u32 $0xD0000000, s2;
	s6 =	simm.s32 $0x108;
	_ =	swait.ge @!p0 [sflag:s8], $0x0  }
0x24: {  	s3 =	sadd.s32 $0x88, s3;
	s6 =	simm.s32 @!p1 $0x1082;
	[sflag:s4] =	ssyncset.s32 $0xFFFFF086  }
0x25: {  	[simem:s6], [sflag:s4] =	dma.local [hbm:s3], $0xF7A  }
0x26: {  	[smem:$0x3F8A] =	sst s1;
	(tag) =	ssettag s2;
	_ =	strace s9  }
0x27: {  	s1 =	sld [smem:$0x3F9A]  }
0x28: {  	s2 =	sld [smem:$0x3F9B]  }
0x29: {  	s4 =	sld [smem:$0x3F9D]  }
0x2a: {  	p0 =	seq.s32 s5, $0x0;
	s5 =	sld [smem:$0x3F9E]  }
0x2b: {  	s6 =	sld [smem:$0x3F9F]  }
0x2c: {  	s7 =	sld [smem:$0x3FA0]  }
0x2d: {  	s3 =	simm.s32 $0x108;
	s8 =	sld [smem:$0x3FA1]  }
0x2e: {  	s3 =	simm.s32 @!p0 $0x1082;
	s9 =	sld [smem:$0x3FA2]  }
0x2f: {  	lr =	sadd.s32 s0, s3;
	s0 =	sld [smem:$0x3F99]  }
0x30: {  	s3 =	sld [smem:$0x3F9C]  }
0x31: {  	[smem:$0x3FA5] =	sst s10  }
0x32: {  	s10 =	sld [smem:$0x3FA3];
	_ =	sdelay $0x3  }
0x33: {  	p0 =	seq.s32 s10, $0x1;
	s10 =	sld [smem:$0x3FA5];
	_ =	sdelay $0x3  }
0x34: {  	[smem:$0x3FA5] =	sst s10  }
0x35: {  	s10 =	sld [smem:$0x3FA4];
	_ =	sdelay $0x3  }
0x36: {  	p1 =	seq.s32 s10, $0x1;
	s10 =	sld [smem:$0x3FA5];
	_ =	sdelay $0x3  }
0x37: {  	[smem:$0x3FA5] =	sst s10  }
0x38: {  	s10 =	sld [smem:$0x3FA6]  }
0x39: {  	_ = 	snop;
	(pc) =	sbr.ind lr, $3  }
0x3a: {  	_ = 	snop  }
0x3b: {  	_ = 	snop  }
0x3c: {  	p2 =	seq.s32 s10, $0x1;
	s10 =	sld [smem:$0x3FA5]  }
0x3d: {  	_ =	shalt  }
0x3e: {  	_ =	shalt  }
0x3f: {  	_ =	shalt  }
0x40: {  	_ =	shalt  }
0x41: {  	_ =	shalt  }
0x42: {  	_ =	shalt  }
0x43: {  	_ =	shalt  }
0x44: {  	_ =	shalt  }
0x45: {  	_ =	shalt  }
0x46: {  	_ =	shalt  }
0x47: {  	_ =	shalt  }
0x48: {  	_ =	shalt  }
0x49: {  	_ =	shalt  }
0x4a: {  	_ =	shalt  }
0x4b: {  	_ =	shalt  }
0x4c: {  	_ =	shalt  }
0x4d: {  	_ =	shalt  }
0x4e: {  	_ =	shalt  }
0x4f: {  	_ =	shalt  }
0x50: {  	_ =	shalt  }
0x51: {  	_ =	shalt  }
0x52: {  	_ =	shalt  }
0x53: {  	_ =	shalt  }
0x54: {  	_ =	shalt  }
0x55: {  	_ =	shalt  }
0x56: {  	_ =	shalt  }
0x57: {  	_ =	shalt  }
0x58: {  	_ =	shalt  }
0x59: {  	_ =	shalt  }
0x5a: {  	_ =	shalt  }
0x5b: {  	_ =	shalt  }
0x5c: {  	_ =	shalt  }
0x5d: {  	_ =	shalt  }
0x5e: {  	_ =	shalt  }
0x5f: {  	_ =	shalt  }
0x60: {  	_ =	shalt  }
0x61: {  	_ =	shalt  }
0x62: {  	_ =	shalt  }
0x63: {  	_ =	shalt  }
0x64: {  	_ =	shalt  }
0x65: {  	_ =	shalt  }
0x66: {  	_ =	shalt  }
0x67: {  	_ =	shalt  }
0x68: {  	_ =	shalt  }
0x69: {  	_ =	shalt  }
0x6a: {  	_ =	shalt  }
0x6b: {  	_ =	shalt  }
0x6c: {  	_ =	shalt  }
0x6d: {  	_ =	shalt  }
0x6e: {  	_ =	shalt  }
0x6f: {  	_ =	shalt  }
0x70: {  	_ =	shalt  }
0x71: {  	_ =	shalt  }
0x72: {  	_ =	shalt  }
0x73: {  	_ =	shalt  }
0x74: {  	_ =	shalt  }
0x75: {  	_ =	shalt  }
0x76: {  	_ =	shalt  }
0x77: {  	_ =	shalt  }
0x78: {  	_ =	shalt  }
0x79: {  	_ =	shalt  }
0x7a: {  	_ =	shalt  }
0x7b: {  	_ =	shalt  }
0x7c: {  	_ =	shalt  }
0x7d: {  	_ =	shalt  }
0x7e: {  	_ =	shalt  }
0x7f: {  	_ =	shalt  }
0x80: {  	_ =	shalt  }
0x81: {  	_ =	shalt  }
0x82: {  	_ =	shalt  }
0x83: {  	_ =	shalt  }
0x84: {  	_ =	shalt  }
0x85: {  	_ =	shalt  }
0x86: {  	_ =	shalt  }
0x87: {  	_ =	shalt  }
.Lfunc_end0:
.L_simem_size_0:
called_computation.1_lowered:
.L_overlay_start_0:
0x88: {  	s2 =	sld [smem:$0x3FD9]  }
0x89: {  	s3 =	sld [smem:$0x3FFE];
	_ =	sdelay $0x1  }
0x8a: {  	s1 =	srdreg.scid  }
0x8b: {  	s0 =	sand.u32 $0x1, s1  }
0x8c: {  	s16 =	sshll.u32 s0, $0xA;
	s2 =	sadd.s32 s3, s2  }
0x8d: {  	s2 =	sadd.s32 s2, s16  }
0x8e: {  	[smem:$0x3FB1] =	sst s2  }
0x8f: {  	_ = 	snop  }
0x90: {  	(tm) =	ssettm $0x1  }
0x91: {  	s17 =	sld [smem:$0x3FFB];
	_ =	sdelay $0x3  }
0x92: {  	_ =	strace s17  }
0x93: {  	s2 =	sld [smem:$0x3FFC];
	_ =	sdelay $0x3  }
0x94: {  	_ =	strace s2  }
0x95: {  	s2 =	sld [smem:$0x3FFD];
	_ =	sdelay $0x3  }
0x96: {  	_ =	strace s2  }
0x97: {  	_ =	strace $0x8FFFFFFF  }
0x98: {  	s18 =	sld [smem:$0x3FDB];
	_ =	sdelay $0x1  }
0x99: {  	s19 =	simm.s32 $_scs_section_size  }
0x9a: {  	s4 =	simm.s32 $_size__tile_overlayer_lowered;
	s5 =	simm.s32 $_tile_overlayer_lowered  }
0x9b: {  	s22 =	simm.s32 $0x1BFF;
	s21 =	sshll.u32 s5, $0x1;
	s2 =	sadd.s32 s19, s18  }
0x9c: {  	s6 =	simm.s32 $0x0;
	s20 =	sshll.u32 s4, $0x1;
	s4 =	sadd.s32 s21, s2  }
0x9d: {  	[timem:s6], [sflag:s22] =	dma.local [hbm:s4], s20  }
0x9e: {  	_ =	swait.ge [sflag:s22], s20  }
0x9f: {  	s3 =	ssub.s32 $0x0, s20;
	[sflag:s22] =	ssyncset.done $0x0  }
0xa0: {  	[sflag:s22] =	ssyncadd.s32 s3;
	_ =	sdelay $0x1  }
0xa1: {  	s23 =	simm.s32 $0x1B8B  }
0xa2: {  	_ =	swait.ge [sflag:s23], $0x1  }
0xa3: {  	[sflag:s23] =	ssyncset.done $0x0  }
0xa4: {  	s25 =	simm.s32 $0x1B8E;
	s24 =	sld [smem:$0x3FFE];
	[sflag:s23] =	ssyncadd.s32 $0xFFFFFFFF  }
0xa5: {  	s26 =	simm.s32 $execute0_lowered;
	[smem:$0x3FD2] =	sst s25  }
0xa6: {  	s4 =	sshll.u32 s26, $0x1;
	_ =	strace $0x80000049;
	[dreg:$0x1] =	wrdreg $0xFFFFFFFF  }
0xa7: {  	s28 =	simm.s32 $_size_execute0_lowered;
	s2 =	sadd.s32 s2, s4;
	[dreg:$0x0] =	wrdreg $0x0  }
0xa8: {  	s4 =	sshll.u32 s28, $0x1;
	[dreg:$0x2] =	wrdreg s2  }
0xa9: {  	[dreg:$0x3] =	wrdreg s4  }
0xaa: {  	[dreg:$0x4] =	wrdreg $0xC0  }
0xab: {  	_ =	task [dreg:s6], $0x5FFFF  }
0xac: {  	[dreg:$0x1] =	wrdreg $0xFFFFFFFF  }
0xad: {  	[dreg:$0x0] =	wrdreg $0x60  }
0xae: {  	[dreg:$0x2] =	wrdreg s24  }
0xaf: {  	[dreg:$0x3] =	wrdreg $0x82A00  }
0xb0: {  	[dreg:$0x4] =	wrdreg $0x9  }
0xb1: {  	_ =	task.clear_ibuf [dreg:s6], $0x5FFFF;
	_ =	strace $0x90000049  }
0xb2: {  	s29 =	simm.s32 $0x9;
	_ =	strace $0x8000004B  }
0xb3: {  	_ =	swait.ge [sflag:s29], $0x1  }
0xb4: {  	[sflag:s29] =	ssyncadd.s32 $0xFFFFFFFF  }
0xb5: {  	_ =	strace $0x9000004B  }
0xb6: {  	_ =	sfence  }
0xb7: {  	s30 =	sld [smem:$0x0];
	_ =	sdelay $0x2  }
0xb8: {  	s31 =	sshll.u32 s1, $0xD;
	s1 =	sshrl.u32 s1, $0x2  }
0xb9: {  	s3 =	sand.u32 $0x4000, s31;
	s1 =	sadd.s32 s1, s30  }
0xba: {  	s0 =	sor.u32 s3, s0;
	s1 =	sshll.u32 s1, $0x11  }
0xbb: {  	s0 =	sor.u32 s1, s0  }
0xbc: {  	s0 =	sadd.s32 $0x8F2B, s0  }
0xbd: {  	[sflag:s0] =	ssyncadd.remote.s32 $0x1  }
0xbe: {  	_ =	sfence.sel $0xFFFF  }
0xbf: {  	[dreg:$0x0] =	wrdreg $0xFFFFFFFF;
	(pc) =	sbr.abs _section_cstart, $3  }
0xc0: {  	[dreg:$0x1] =	wrdreg $0xFFFFFFFF  }
0xc1: {  	_ =	task.clear_ibuf [dreg:s6], $0x2FFFF;
	_ =	strace $0x9FFFFFFF  }
0xc2: {  	(tm) =	ssettm $0x7FFFFFFF  }
0xc3: {  	_ =	shalt  }
tec
execute0_lowered:
.L_overlay_start_1:
0x0: {  	(tag) =	ssettag $0x1  }
0x1: {  	s15 =	stileid.u32  }
0x2: {  	s0 =	srdreg.scid;
	s4 =	rddreg [dreg:$0x0]  }
0x3: {  	s1 =	rddreg [dreg:$0x1];
	s2 =	simm.s32 $0x0;
	s3 =	smul.u32 $0x7EF40, s15  }
0x4: {  	s14 =	simm.s32 $0x3;
	s5 =	sand.u32 $0x1, s0;
	s6 =	smul.u32 $0xC8, s15  }
0x5: {  	s0 =	rddreg [dreg:$0x2];
	s7 =	smul.u32 $0x9C4, s15;
	s8 =	sor.u32 $0x10, s15  }
0x6: {  	[smem:$0x7FF] =	sst s2;
	s11 =	smul.u32 $0x28A00, s15;
	s12 =	sadd.s32 $0x876800, s4  }
0x7: {  	p0 =	sne.s32 s15, $0x0;
	s16 =	sshll.u32 s15, $0x6;
	s17 =	smul.u32 $0x1388, s5  }
0x8: {  	p1 =	sgt.u32 s15, $0x8;
	s15 =	simm.s32 $0x2;
	s9 =	smul.u32 $0xC8, s8  }
0x9: {  	_ =	strace $0x8000004A;
	s5 =	ssub.s32 $0x2, s5;
	s8 =	smul.u32 $0x28A00, s8  }
0xa: {  	s16 =	sor.u32 $0x1C03, s16;
	s10 =	sadd.s32 s3, s4;
	s7 =	sadd.s32 s7, s4  }
0xb: {  	s3 =	sadd.s32 $0x856A00, s4;
	s29 =	sshrl.u32 s5, $0x1;
	s30 =	sshrl.u32 s11, $0x2  }
0xc: {  	s11 =	simm.s32 $0x50;
	s6 =	sadd.s32 s6, s17;
	s9 =	sadd.s32 s17, s9  }
0xd: {  	s13 =	ssub.s32 s5, s29;
	s18 =	sadd.s32 s30, s1;
	s31 =	sshrl.u32 s8, $0x2  }
0xe: {  	s7 =	sadd.s32 $0xF600, s7;
	s8 =	sadd.s32 $0x67E20, s10;
	s6 =	smul.u32 $0x1A, s6  }
0xf: {  	s10 =	simm.s32 $0xA0;
	s9 =	smul.u32 $0x1A, s9;
	s19 =	sadd.s32 s31, s1  }
0x10: {  	v0 =	vmov s17;
	s17 =	sshrl.u32 s18, $0x3;
	s18 =	sshrl.u32 @!p1 s19, $0x3;
	s19 =	simm.s32 $0x0  }
0x11: {  	s4 =	sadd.s32 s12, s6;
	s5 =	sadd.s32 s12, s9;
	s6 =	smax.u32 s13, $0x1  }
0x12: {  	s9 =	sshrl.u32 @!p0 s1, $0x3;
	s12 =	simm.s32 $0x41A0;
	s13 =	simm.s32 $0x1  }
.LBB2_1:
0x13: {  	s20 =	simm.s32 @!p0 $0x1C03  }
0x14: {  	[spmem:s9], [sflag:s20] =	dma.local @!p0 [hbm:s3], $0x1FCA0  }
0x15: {  	s20 =	simm.s32 @!p0 $0x3  }
0x16: {  	_ =	swait.ge @!p0 [sflag:s20], $0x1FCA0  }
0x17: {  	[sflag:s20] =	ssyncset.done @!p0 $0x0  }
0x18: {  	[sflag:s20] =	ssyncadd.s32 @!p0 $0xFFFE0360  }
0x19: {  	s31 =	sadd.s32 $0x0, s7;
	[bflag:$0x0] =	sbarrier.arrive $0xFFFF  }
0x1a: {  	[tilespmem:s2], [sflag:$0x1] =	stream.linear.gather [hbm4b:s31+s2], $0x50, $0x38;
	[tilespmem:$0x180F0] =	vst v63  }
0x1b: {  	s21 =	sadd.s32 $0xFFFFF7E0, s8  }
0x1c: {  	[tilespmem:s10], [sflag:$0x1] =	stream.linear.gather [hbm4b:s21+s2], $0x4100, $0x38;
	[tilespmem:$0x180F0] =	vst v63  }
0x1d: {  	s20 =	sadd.s32 $0xA, s31  }
0x1e: {  	[tilespmem:s11], [sflag:$0x2] =	stream.linear.gather [hbm4b:s20+s2], $0x50, $0x38;
	[tilespmem:$0x180F0] =	vst v63  }
0x1f: {  	_ = 	snop  }
0x20: {  	[tilespmem:s12], [sflag:$0x2] =	stream.linear.gather [hbm4b:s8+s2], $0x4100, $0x38;
	[tilespmem:$0x180F0] =	vst v63  }
0x21: {  	_ =	swait.ge [sflag:s13], $0x50  }
0x22: {  	[sflag:s13] =	ssyncset.done $0x0  }
0x23: {  	[sflag:s13] =	ssyncadd.s32 $0xFFFFFFB0  }
0x24: {  	_ =	swait.ge [sflag:s13], $0x4100  }
0x25: {  	[sflag:s13] =	ssyncset.done $0x0  }
0x26: {  	[sflag:s13] =	ssyncadd.s32 $0xFFFFBF00  }
0x27: {  	v1 =	vld [tilespmem:$0x40]  }
0x28: {  	v2 =	vld [tilespmem:$0x30]  }
0x29: {  	v3 =	vld [tilespmem:$0x10]  }
0x2a: {  	v4 =	vld [tilespmem:$0x0]  }
0x2b: {  	v5 =	vld [tilespmem:$0x20]  }
0x2c: {  	v1 =	vsub.s32 v1, v0  }
0x2d: {  	v2 =	vsub.s32 v2, v0;
	v1 =	vmin.u32 v1, $0x1388  }
0x2e: {  	v3 =	vsub.s32 v3, v0;
	v2 =	vmin.u32 v2, $0x1388;
	[tilespmem:$0x40] =	vst v1  }
0x2f: {  	v3 =	vmin.u32 v3, $0x1388;
	v1 =	vsub.s32 v4, v0;
	[tilespmem:$0x30] =	vst v2  }
0x30: {  	[tilespmem:$0x10] =	vst v3;
	v2 =	vsub.s32 v5, v0;
	v1 =	vmin.u32 v1, $0x1388  }
0x31: {  	[tilespmem:$0x0] =	vst v1;
	v1 =	vmin.u32 v2, $0x1388  }
0x32: {  	[tilespmem:$0x20] =	vst v1  }
0x33: {  	[spmem:s1] =	stream.indirect.scatter.add.f32 [tilespmem:s10], [sflag:$0x3], $0xD0, s2, s11, $0xb8;
	[tilespmem:$0x180F0] =	vst v63  }
0x34: {  	_ =	swait.ge [sflag:s14], $0x4100  }
0x35: {  	[sflag:s14] =	ssyncset.done $0x0  }
0x36: {  	[sflag:s14] =	ssyncadd.s32 $0xFFFFBF00  }
0x37: {  	_ =	swait.ge [sflag:s15], $0x50  }
0x38: {  	[sflag:s15] =	ssyncset.done $0x0  }
0x39: {  	[sflag:s15] =	ssyncadd.s32 $0xFFFFFFB0  }
0x3a: {  	_ =	swait.ge [sflag:s15], $0x4100  }
0x3b: {  	[sflag:s15] =	ssyncset.done $0x0  }
0x3c: {  	[sflag:s15] =	ssyncadd.s32 $0xFFFFBF00  }
0x3d: {  	v3 =	vld [tilespmem:$0x50]  }
0x3e: {  	v2 =	vld [tilespmem:$0x60]  }
0x3f: {  	s21 =	smov.u32 s8;
	s20 =	simm.s32 $0x14;
	v1 =	vld [tilespmem:$0x70]  }
.LBB2_2:
0x40: {  	p2 =	sne.s32 s20, $0x9B0  }
0x41: {  	v4 =	vld [tilespmem:$0x80];
	s21 =	sadd.s32 $0x1040, s21;
	s22 =	smov.u32 s20;
	s20 =	sadd.s32 $0x14, s20  }
0x42: {  	v5 =	vld [tilespmem:$0x90]  }
0x43: {  	v3 =	vsub.s32 v3, v0  }
0x44: {  	v3 =	vmin.u32 v3, $0x1388;
	v2 =	vsub.s32 v2, v0  }
0x45: {  	[tilespmem:$0x50] =	vst v3;
	v2 =	vmin.u32 v2, $0x1388;
	v1 =	vsub.s32 v1, v0  }
0x46: {  	[tilespmem:$0x60] =	vst v2;
	v1 =	vmin.u32 v1, $0x1388;
	v2 =	vsub.s32 v4, v0  }
0x47: {  	[tilespmem:$0x70] =	vst v1;
	v1 =	vmin.u32 v2, $0x1388;
	v2 =	vsub.s32 v5, v0  }
0x48: {  	[tilespmem:$0x80] =	vst v1;
	v1 =	vmin.u32 v2, $0x1388  }
0x49: {  	s22 =	sadd.s32 s22, s7;
	[tilespmem:$0x90] =	vst v1  }
0x4a: {  	[spmem:s1] =	stream.indirect.scatter.add.f32 [tilespmem:s12], [sflag:$0x3], $0xD0, s11, s11, $0xb8;
	[tilespmem:$0x180F0] =	vst v63  }
0x4b: {  	_ =	swait.ge [sflag:s14], $0x4100  }
0x4c: {  	[sflag:s14] =	ssyncset.done $0x0  }
0x4d: {  	[sflag:s14] =	ssyncadd.s32 $0xFFFFBF00  }
0x4e: {  	[tilespmem:s2], [sflag:$0x1] =	stream.linear.gather [hbm4b:s22+s2], $0x50, $0x38;
	[tilespmem:$0x180F0] =	vst v63  }
0x4f: {  	s23 =	sadd.s32 $0xFFFFF7E0, s21  }
0x50: {  	[tilespmem:s10], [sflag:$0x1] =	stream.linear.gather [hbm4b:s23+s2], $0x4100, $0x38;
	[tilespmem:$0x180F0] =	vst v63  }
0x51: {  	s22 =	sadd.s32 $0xA, s22  }
0x52: {  	[tilespmem:s11], [sflag:$0x2] =	stream.linear.gather [hbm4b:s22+s2], $0x50, $0x38;
	[tilespmem:$0x180F0] =	vst v63  }
0x53: {  	_ = 	snop  }
0x54: {  	[tilespmem:s12], [sflag:$0x2] =	stream.linear.gather [hbm4b:s21+s2], $0x4100, $0x38;
	[tilespmem:$0x180F0] =	vst v63  }
0x55: {  	_ =	swait.ge [sflag:s13], $0x50  }
0x56: {  	[sflag:s13] =	ssyncset.done $0x0  }
0x57: {  	[sflag:s13] =	ssyncadd.s32 $0xFFFFFFB0  }
0x58: {  	_ =	swait.ge [sflag:s13], $0x4100  }
0x59: {  	[sflag:s13] =	ssyncset.done $0x0  }
0x5a: {  	[sflag:s13] =	ssyncadd.s32 $0xFFFFBF00  }
0x5b: {  	v1 =	vld [tilespmem:$0x40]  }
0x5c: {  	v2 =	vld [tilespmem:$0x30]  }
0x5d: {  	v3 =	vld [tilespmem:$0x10]  }
0x5e: {  	v4 =	vld [tilespmem:$0x0]  }
0x5f: {  	v5 =	vld [tilespmem:$0x20]  }
0x60: {  	v1 =	vsub.s32 v1, v0  }
0x61: {  	v2 =	vsub.s32 v2, v0;
	v1 =	vmin.u32 v1, $0x1388  }
0x62: {  	v3 =	vsub.s32 v3, v0;
	v2 =	vmin.u32 v2, $0x1388;
	[tilespmem:$0x40] =	vst v1  }
0x63: {  	v1 =	vsub.s32 v4, v0;
	v3 =	vmin.u32 v3, $0x1388;
	[tilespmem:$0x30] =	vst v2  }
0x64: {  	v1 =	vmin.u32 v1, $0x1388;
	[tilespmem:$0x10] =	vst v3;
	v2 =	vsub.s32 v5, v0  }
0x65: {  	[tilespmem:$0x0] =	vst v1;
	v1 =	vmin.u32 v2, $0x1388  }
0x66: {  	[tilespmem:$0x20] =	vst v1  }
0x67: {  	[spmem:s1] =	stream.indirect.scatter.add.f32 [tilespmem:s10], [sflag:$0x3], $0xD0, s2, s11, $0xb8;
	[tilespmem:$0x180F0] =	vst v63  }
0x68: {  	_ =	swait.ge [sflag:s14], $0x4100  }
0x69: {  	[sflag:s14] =	ssyncset.done $0x0  }
0x6a: {  	[sflag:s14] =	ssyncadd.s32 $0xFFFFBF00  }
0x6b: {  	_ =	swait.ge [sflag:s15], $0x50  }
0x6c: {  	[sflag:s15] =	ssyncset.done $0x0  }
0x6d: {  	[sflag:s15] =	ssyncadd.s32 $0xFFFFFFB0  }
0x6e: {  	_ =	swait.ge [sflag:s15], $0x4100  }
.Ltmp0:
0x6f: {  	[sflag:s15] =	ssyncset.done $0x0;
	(pc) =	sbr.rel @p2 .LBB2_2-.Ltmp0, $4  }
0x70: {  	[sflag:s15] =	ssyncadd.s32 $0xFFFFBF00  }
0x71: {  	v3 =	vld [tilespmem:$0x50]  }
0x72: {  	v2 =	vld [tilespmem:$0x60]  }
0x73: {  	v1 =	vld [tilespmem:$0x70]  }
0x74: {  	v4 =	vld [tilespmem:$0x80]  }
0x75: {  	v5 =	vld [tilespmem:$0x90]  }
0x76: {  	v3 =	vsub.s32 v3, v0  }
0x77: {  	v3 =	vmin.u32 v3, $0x1388;
	v2 =	vsub.s32 v2, v0  }
0x78: {  	[tilespmem:$0x50] =	vst v3;
	v2 =	vmin.u32 v2, $0x1388;
	v1 =	vsub.s32 v1, v0  }
0x79: {  	[tilespmem:$0x60] =	vst v2;
	v1 =	vmin.u32 v1, $0x1388;
	v2 =	vsub.s32 v4, v0  }
0x7a: {  	[tilespmem:$0x70] =	vst v1;
	v1 =	vmin.u32 v2, $0x1388;
	v2 =	vsub.s32 v5, v0  }
0x7b: {  	[tilespmem:$0x80] =	vst v1;
	v1 =	vmin.u32 v2, $0x1388  }
0x7c: {  	[tilespmem:$0x90] =	vst v1  }
0x7d: {  	[spmem:s1] =	stream.indirect.scatter.add.f32 [tilespmem:s12], [sflag:$0x3], $0xD0, s11, s11, $0xb8;
	[tilespmem:$0x180F0] =	vst v63  }
0x7e: {  	_ =	swait.ge [sflag:s14], $0x4100  }
0x7f: {  	[sflag:s14] =	ssyncset.done $0x0  }
0x80: {  	[sflag:s14] =	ssyncadd.s32 $0xFFFFBF00  }
0x81: {  	[bflag:$0x0] =	sbarrier.arrive $0xFFFF  }
0x82: {  	[hbm:s4], [sflag:s16] =	dma.local [spmem:s17], $0x1450  }
0x83: {  	s19 =	sadd.s32 $0x1, s19;
	_ =	swait.ge [sflag:s14], $0x1450  }
0x84: {  	p2 =	sne.s32 s19, s6;
	[sflag:s14] =	ssyncset.done $0x0  }
.Ltmp1:
0x85: {  	s20 =	simm.s32 @!p1 $0x3;
	[sflag:s14] =	ssyncadd.s32 $0xFFFFEBB0;
	(pc) =	sbr.rel @p2 .LBB2_1-.Ltmp1, $4  }
0x86: {  	[hbm:s5], [sflag:s16] =	dma.local @!p1 [spmem:s18], $0x1450  }
0x87: {  	_ =	swait.ge @!p1 [sflag:s20], $0x1450  }
0x88: {  	[sflag:s20] =	ssyncset.done @!p1 $0x0  }
0x89: {  	[sflag:s20] =	ssyncadd.s32 @!p1 $0xFFFFEBB0  }
0x8a: {  	_ =	sfence.sel $0x180000  }
0x8b: {  	[bflag:$0x0] =	sbarrier.arrive $0xFFFF  }
0x8c: {  	_ =	strace $0x9000004A  }
0x8d: {  	s0 =	sadd.s32 @!p0 $0x100000, s0;
	[bflag:$0x2] =	sbarrier.arrive $0xFFFF  }
0x8e: {  	[sflag:s0] =	ssyncadd.tile.s32 @!p0 $0x1;
	_ =	shalt  }
.Lfunc_end2:
_tile_overlayer_lowered:
.L_overlay_start_2:
0x8f: {  	(tag) =	ssettag $0x2  }
0x90: {  	s0 =	rddreg [dreg:$0x0];
	s2 =	stileid.u32  }
0x91: {  	s1 =	rddreg [dreg:$0x1];
	p0 =	sne.s32 s2, $0x0  }
0x92: {  	s3 =	rddreg [dreg:$0x2];
	[bflag:$0x3] =	sbarrier.arrive $0xFFFF;
	s2 =	simm.s32 @!p0 $0x1C03  }
0x93: {  	[timem:s3], [sflag:s2] =	dma.local @!p0 [hbm:s0], s1  }
0x94: {  	s0 =	simm.s32 @!p0 $0x3  }
0x95: {  	_ =	swait.ge @!p0 [sflag:s0], s1  }
0x96: {  	s1 =	ssub.s32 @!p0 $0x0, s1;
	[sflag:s0] =	ssyncset.done @!p0 $0x0  }
0x97: {  	[sflag:s0] =	ssyncadd.s32 @!p0 s1  }
0x98: {  	[bflag:$0x3] =	sbarrier.arrive $0xFFFF  }
0x99: {  	_ =	shalt  }

// kernel: kernel.17.cloned.1.call-start
scs
__scs_entry_jumppad:
0x0: {  	(pc) =	sbr.rel $0x88, $3  }
0x1: {  	(tag) =	ssettag $0x0;
	lr =	simm.s32 $0x1  }
0x2: {  	[smem:$0x3F8A] =	sst lr;
	_ =	strace $0xD0000000  }
0x3: {  	_ = 	snop  }
0x4: {  	_ = 	snop  }
0x5: {  	_ = 	snop  }
0x6: {  	_ = 	snop  }
0x7: {  	_ = 	snop  }
__scs_overlays_trampoline_lowered:
0x8: {  	[smem:$0x3F99] =	sst s0  }
0x9: {  	[smem:$0x3F9A] =	sst s1  }
0xa: {  	[smem:$0x3F9B] =	sst s2  }
0xb: {  	[smem:$0x3F9C] =	sst s3  }
0xc: {  	[smem:$0x3F9D] =	sst s4  }
0xd: {  	[smem:$0x3F9E] =	sst s5  }
0xe: {  	[smem:$0x3F9F] =	sst s6  }
0xf: {  	[smem:$0x3FA0] =	sst s7  }
0x10: {  	[smem:$0x3FA1] =	sst s8  }
0x11: {  	[smem:$0x3FA2] =	sst s9;
	s0 =	simm.s32 @!p0 $0x0  }
0x12: {  	s1 =	sld [smem:$0x3F88];
	s0 =	simm.s32 @p0 $0x1  }
0x13: {  	[smem:$0x3FA3] =	sst s0;
	s0 =	simm.s32 @!p1 $0x0  }
0x14: {  	s2 =	sld [smem:$0x3F87];
	s0 =	simm.s32 @p1 $0x1  }
0x15: {  	[smem:$0x3FA4] =	sst s0;
	s0 =	simm.s32 @!p2 $0x0  }
0x16: {  	s3 =	sld [smem:$0x3FDB];
	s0 =	simm.s32 @p2 $0x1  }
0x17: {  	s4 =	simm.s32 $0x1BF5;
	[smem:$0x3FA6] =	sst s0  }
0x18: {  	s0 =	sld [smem:$0x3F89];
	_ =	swait.ge [sflag:s4], $0x0  }
0x19: {  	s7 =	sld [smem:$0x3F8A]  }
0x1a: {  	s8 =	sadd.s32 $0xFFFFE003, lr  }
0x1b: {  	s9 =	sadd.s32 $0xFFFFFEF7, lr;
	s5 =	simm.s32 $0xFFFFFFFF;
	p2 =	slt.u32 s8, $0xFFFFF086  }
0x1c: {  	p1 =	slt.u32 s9, $0xF7A;
	s5 =	simm.s32 @!p2 $0x0  }
0x1d: {  	s5 =	simm.s32 @p1 $0x1;
	p0 =	seq.s32 s7, s2  }
0x1e: {  	s7 =	smul.u32 @!p0 $0xF7A, s2;
	p2 =	seq.s32 @!p0 s5, $0x0  }
0x1f: {  	s9 =	smul.u32 $0xF7A, s1;
	s8 =	simm.s32 @!p0 $0x1BF5;
	p2 =	por !p2, p0  }
0x20: {  	[sflag:s8] =	ssyncset.s32 @!p0 $0xFFFFF086;
	s6 =	sadd.s32 @!p0 s3, s7;
	s7 =	simm.s32 @!p0 $0x108  }
0x21: {  	s3 =	sadd.s32 s3, s9;
	s6 =	sadd.s32 @!p0 $0x88, s6;
	s7 =	simm.s32 @p2 $0x1082  }
0x22: {  	[simem:s7], [sflag:s8] =	dma.local @!p0 [hbm:s6], $0xF7A  }
0x23: {  	s9 =	sor.u32 $0xD0000000, s2;
	s6 =	simm.s32 $0x108;
	_ =	swait.ge @!p0 [sflag:s8], $0x0  }
0x24: {  	s3 =	sadd.s32 $0x88, s3;
	s6 =	simm.s32 @!p1 $0x1082;
	[sflag:s4] =	ssyncset.s32 $0xFFFFF086  }
0x25: {  	[simem:s6], [sflag:s4] =	dma.local [hbm:s3], $0xF7A  }
0x26: {  	[smem:$0x3F8A] =	sst s1;
	(tag) =	ssettag s2;
	_ =	strace s9  }
0x27: {  	s1 =	sld [smem:$0x3F9A]  }
0x28: {  	s2 =	sld [smem:$0x3F9B]  }
0x29: {  	s4 =	sld [smem:$0x3F9D]  }
0x2a: {  	p0 =	seq.s32 s5, $0x0;
	s5 =	sld [smem:$0x3F9E]  }
0x2b: {  	s6 =	sld [smem:$0x3F9F]  }
0x2c: {  	s7 =	sld [smem:$0x3FA0]  }
0x2d: {  	s3 =	simm.s32 $0x108;
	s8 =	sld [smem:$0x3FA1]  }
0x2e: {  	s3 =	simm.s32 @!p0 $0x1082;
	s9 =	sld [smem:$0x3FA2]  }
0x2f: {  	lr =	sadd.s32 s0, s3;
	s0 =	sld [smem:$0x3F99]  }
0x30: {  	s3 =	sld [smem:$0x3F9C]  }
0x31: {  	[smem:$0x3FA5] =	sst s10  }
0x32: {  	s10 =	sld [smem:$0x3FA3];
	_ =	sdelay $0x3  }
0x33: {  	p0 =	seq.s32 s10, $0x1;
	s10 =	sld [smem:$0x3FA5];
	_ =	sdelay $0x3  }
0x34: {  	[smem:$0x3FA5] =	sst s10  }
0x35: {  	s10 =	sld [smem:$0x3FA4];
	_ =	sdelay $0x3  }
0x36: {  	p1 =	seq.s32 s10, $0x1;
	s10 =	sld [smem:$0x3FA5];
	_ =	sdelay $0x3  }
0x37: {  	[smem:$0x3FA5] =	sst s10  }
0x38: {  	s10 =	sld [smem:$0x3FA6]  }
0x39: {  	_ = 	snop;
	(pc) =	sbr.ind lr, $3  }
0x3a: {  	_ = 	snop  }
0x3b: {  	_ = 	snop  }
0x3c: {  	p2 =	seq.s32 s10, $0x1;
	s10 =	sld [smem:$0x3FA5]  }
0x3d: {  	_ =	shalt  }
0x3e: {  	_ =	shalt  }
0x3f: {  	_ =	shalt  }
0x40: {  	_ =	shalt  }
0x41: {  	_ =	shalt  }
0x42: {  	_ =	shalt  }
0x43: {  	_ =	shalt  }
0x44: {  	_ =	shalt  }
0x45: {  	_ =	shalt  }
0x46: {  	_ =	shalt  }
0x47: {  	_ =	shalt  }
0x48: {  	_ =	shalt  }
0x49: {  	_ =	shalt  }
0x4a: {  	_ =	shalt  }
0x4b: {  	_ =	shalt  }
0x4c: {  	_ =	shalt  }
0x4d: {  	_ =	shalt  }
0x4e: {  	_ =	shalt  }
0x4f: {  	_ =	shalt  }
0x50: {  	_ =	shalt  }
0x51: {  	_ =	shalt  }
0x52: {  	_ =	shalt  }
0x53: {  	_ =	shalt  }
0x54: {  	_ =	shalt  }
0x55: {  	_ =	shalt  }
0x56: {  	_ =	shalt  }
0x57: {  	_ =	shalt  }
0x58: {  	_ =	shalt  }
0x59: {  	_ =	shalt  }
0x5a: {  	_ =	shalt  }
0x5b: {  	_ =	shalt  }
0x5c: {  	_ =	shalt  }
0x5d: {  	_ =	shalt  }
0x5e: {  	_ =	shalt  }
0x5f: {  	_ =	shalt  }
0x60: {  	_ =	shalt  }
0x61: {  	_ =	shalt  }
0x62: {  	_ =	shalt  }
0x63: {  	_ =	shalt  }
0x64: {  	_ =	shalt  }
0x65: {  	_ =	shalt  }
0x66: {  	_ =	shalt  }
0x67: {  	_ =	shalt  }
0x68: {  	_ =	shalt  }
0x69: {  	_ =	shalt  }
0x6a: {  	_ =	shalt  }
0x6b: {  	_ =	shalt  }
0x6c: {  	_ =	shalt  }
0x6d: {  	_ =	shalt  }
0x6e: {  	_ =	shalt  }
0x6f: {  	_ =	shalt  }
0x70: {  	_ =	shalt  }
0x71: {  	_ =	shalt  }
0x72: {  	_ =	shalt  }
0x73: {  	_ =	shalt  }
0x74: {  	_ =	shalt  }
0x75: {  	_ =	shalt  }
0x76: {  	_ =	shalt  }
0x77: {  	_ =	shalt  }
0x78: {  	_ =	shalt  }
0x79: {  	_ =	shalt  }
0x7a: {  	_ =	shalt  }
0x7b: {  	_ =	shalt  }
0x7c: {  	_ =	shalt  }
0x7d: {  	_ =	shalt  }
0x7e: {  	_ =	shalt  }
0x7f: {  	_ =	shalt  }
0x80: {  	_ =	shalt  }
0x81: {  	_ =	shalt  }
0x82: {  	_ =	shalt  }
0x83: {  	_ =	shalt  }
0x84: {  	_ =	shalt  }
0x85: {  	_ =	shalt  }
0x86: {  	_ =	shalt  }
0x87: {  	_ =	shalt  }
.Lfunc_end0:
.L_simem_size_0:
called_computation.2_lowered:
.L_overlay_start_0:
0x88: {  	s2 =	sld [smem:$0x3FD9]  }
0x89: {  	s3 =	sld [smem:$0x3FFE];
	_ =	sdelay $0x1  }
0x8a: {  	s1 =	srdreg.scid  }
0x8b: {  	s0 =	sand.u32 $0x1, s1  }
0x8c: {  	s16 =	sshll.u32 s0, $0xA;
	s2 =	sadd.s32 s3, s2  }
0x8d: {  	s2 =	sadd.s32 s2, s16  }
0x8e: {  	[smem:$0x3FB1] =	sst s2  }
0x8f: {  	_ = 	snop  }
0x90: {  	(tm) =	ssettm $0x1  }
0x91: {  	s17 =	sld [smem:$0x3FFB];
	_ =	sdelay $0x3  }
0x92: {  	_ =	strace s17  }
0x93: {  	s2 =	sld [smem:$0x3FFC];
	_ =	sdelay $0x3  }
0x94: {  	_ =	strace s2  }
0x95: {  	s2 =	sld [smem:$0x3FFD];
	_ =	sdelay $0x3  }
0x96: {  	_ =	strace s2  }
0x97: {  	_ =	strace $0x8FFFFFFF  }
0x98: {  	s18 =	sld [smem:$0x3FDB];
	_ =	sdelay $0x1  }
0x99: {  	s19 =	simm.s32 $_scs_section_size  }
0x9a: {  	s4 =	simm.s32 $_size__tile_overlayer_lowered;
	s5 =	simm.s32 $_tile_overlayer_lowered  }
0x9b: {  	s22 =	simm.s32 $0x1BFF;
	s21 =	sshll.u32 s5, $0x1;
	s2 =	sadd.s32 s19, s18  }
0x9c: {  	s6 =	simm.s32 $0x0;
	s20 =	sshll.u32 s4, $0x1;
	s4 =	sadd.s32 s21, s2  }
0x9d: {  	[timem:s6], [sflag:s22] =	dma.local [hbm:s4], s20  }
0x9e: {  	_ =	swait.ge [sflag:s22], s20  }
0x9f: {  	s3 =	ssub.s32 $0x0, s20;
	[sflag:s22] =	ssyncset.done $0x0  }
0xa0: {  	[sflag:s22] =	ssyncadd.s32 s3;
	_ =	sdelay $0x1  }
0xa1: {  	s23 =	simm.s32 $0x1B8B  }
0xa2: {  	_ =	swait.ge [sflag:s23], $0x1  }
0xa3: {  	[sflag:s23] =	ssyncset.done $0x0  }
0xa4: {  	s25 =	simm.s32 $0x1B8E;
	s24 =	sld [smem:$0x3FFE];
	[sflag:s23] =	ssyncadd.s32 $0xFFFFFFFF  }
0xa5: {  	s26 =	simm.s32 $execute0_lowered;
	[smem:$0x3FD2] =	sst s25  }
0xa6: {  	s4 =	sshll.u32 s26, $0x1;
	_ =	strace $0x8000004C;
	[dreg:$0x1] =	wrdreg $0xFFFFFFFF  }
0xa7: {  	s28 =	simm.s32 $_size_execute0_lowered;
	s2 =	sadd.s32 s2, s4;
	[dreg:$0x0] =	wrdreg $0x0  }
0xa8: {  	s4 =	sshll.u32 s28, $0x1;
	[dreg:$0x2] =	wrdreg s2  }
0xa9: {  	[dreg:$0x3] =	wrdreg s4  }
0xaa: {  	[dreg:$0x4] =	wrdreg $0xC0  }
0xab: {  	_ =	task [dreg:s6], $0x5FFFF  }
0xac: {  	[dreg:$0x1] =	wrdreg $0xFFFFFFFF  }
0xad: {  	[dreg:$0x0] =	wrdreg $0x60  }
0xae: {  	[dreg:$0x2] =	wrdreg s24  }
0xaf: {  	[dreg:$0x3] =	wrdreg $0x9  }
0xb0: {  	_ =	task.clear_ibuf [dreg:s6], $0x4FFFF;
	_ =	strace $0x9000004C  }
0xb1: {  	s29 =	simm.s32 $0x9;
	_ =	strace $0x8000004E  }
0xb2: {  	_ =	swait.ge [sflag:s29], $0x1  }
0xb3: {  	[sflag:s29] =	ssyncadd.s32 $0xFFFFFFFF  }
0xb4: {  	_ =	strace $0x9000004E  }
0xb5: {  	_ =	sfence  }
0xb6: {  	s30 =	sld [smem:$0x0];
	_ =	sdelay $0x2  }
0xb7: {  	s31 =	sshll.u32 s1, $0xD;
	s1 =	sshrl.u32 s1, $0x2  }
0xb8: {  	s3 =	sand.u32 $0x4000, s31;
	s1 =	sadd.s32 s1, s30  }
0xb9: {  	s0 =	sor.u32 s3, s0;
	s1 =	sshll.u32 s1, $0x11  }
0xba: {  	s0 =	sor.u32 s1, s0  }
0xbb: {  	s0 =	sadd.s32 $0x8F2B, s0  }
0xbc: {  	[sflag:s0] =	ssyncadd.remote.s32 $0x1  }
0xbd: {  	_ =	sfence.sel $0xFFFF  }
0xbe: {  	[dreg:$0x0] =	wrdreg $0xFFFFFFFF;
	(pc) =	sbr.abs _section_cstart, $3  }
0xbf: {  	[dreg:$0x1] =	wrdreg $0xFFFFFFFF  }
0xc0: {  	_ =	task.clear_ibuf [dreg:s6], $0x2FFFF;
	_ =	strace $0x9FFFFFFF  }
0xc1: {  	(tm) =	ssettm $0x7FFFFFFF  }
tec
execute0_lowered:
.L_overlay_start_1:
0x0: {  	(tag) =	ssettag $0x1  }
0x1: {  	s1 =	srdreg.scid  }
0x2: {  	s0 =	stileid.u32;
	s5 =	rddreg [dreg:$0x0];
	s2 =	simm.s32 $0x0  }
0x3: {  	s14 =	simm.s32 $0x19320;
	s15 =	simm.s32 $0x8F20;
	s16 =	simm.s32 $0x195A0  }
0x4: {  	s17 =	simm.s32 $0xD020;
	s18 =	simm.s32 $0x19820;
	s19 =	simm.s32 $0x11120  }
0x5: {  	s20 =	simm.s32 $0x19AA0;
	s21 =	simm.s32 $0x15220;
	s22 =	simm.s32 $0x19D20  }
0x6: {  	s23 =	simm.s32 $0x1;
	s24 =	simm.s32 $0x0;
	s8 =	smul.u32 $0x7EF40, s0  }
0x7: {  	s6 =	sand.u32 $0x1, s1;
	s1 =	rddreg [dreg:$0x1];
	s9 =	smul.u32 $0x4E20, s0  }
0x8: {  	s3 =	sshll.u32 s0, $0x1;
	[smem:$0x7FF] =	sst s2;
	s11 =	smul.u32 $0x2710, s6  }
0x9: {  	s4 =	sadd.s32 $0x58C00, s5;
	s3 =	sor.u32 s6, s3;
	s13 =	smul.u32 $0x3F7A0, s6  }
0xa: {  	_ =	strace $0x8000004D;
	s10 =	ssub.s32 $0x2, s6;
	s7 =	smul.u32 $0x2710, s3  }
0xb: {  	s3 =	sadd.s32 $0x19400, s5;
	s12 =	sshrl.u32 s10, $0x1;
	s9 =	sadd.s32 s9, s5  }
0xc: {  	s8 =	sadd.s32 s8, s5;
	s10 =	ssub.s32 s10, s12;
	s9 =	sadd.s32 s11, s9  }
0xd: {  	s31 =	sadd.s32 s13, s8;
	s11 =	simm.s32 $0x2710;
	s7 =	sshrl.u32 s7, $0x3  }
0xe: {  	s12 =	simm.s32 $0x50;
	s13 =	simm.s32 $0x4E20;
	s7 =	sadd.s32 s7, s5  }
0xf: {  	s8 =	sadd.s32 $0x876800, s9;
	s9 =	sadd.s32 $0x5B400, s31;
	s5 =	sadd.s32 $0x5800, s7  }
0x10: {  	s6 =	sadd.s32 $0xF600, s7;
	s7 =	smax.u32 s10, $0x1;
	s10 =	simm.s32 $0x2  }
.LBB2_1:
0x11: {  	[tilespmem:s2], [sflag:$0x2] =	stream.linear.gather [hbm4b:s5+s2], $0x2710, $0x38;
	[tilespmem:$0x19FA0] =	vst v63  }
0x12: {  	_ =	swait.ge [sflag:s10], $0x2710  }
0x13: {  	[sflag:s10] =	ssyncset.done $0x0  }
0x14: {  	[sflag:s10] =	ssyncadd.s32 $0xFFFFD8F0  }
0x15: {  	[tilespmem:s11], [sflag:$0x2] =	stream.linear.gather [hbm4b:s6+s2], $0x2710, $0x38;
	[tilespmem:$0x19FA0] =	vst v63  }
0x16: {  	_ =	swait.ge [sflag:s10], $0x2710  }
0x17: {  	[sflag:s10] =	ssyncset.done $0x0  }
0x18: {  	s25 =	simm.s32 $0x0;
	[sflag:s10] =	ssyncadd.s32 $0xFFFFD8F0  }
0x19: {  	[tilespmem:s13], [sflag:$0x1] =	stream.indirect.gather [hbm4b:s3+s12], $0xD0, s25, s12, $0xb8;
	[tilespmem:$0x19FA0] =	vst v63  }
0x1a: {  	s26 =	simm.s32 $0x2710  }
0x1b: {  	[tilespmem:s14], [sflag:$0x1] =	stream.indirect.gather [hbm4b:s4+s12], $0x8, s26, s12, $0xb8;
	[tilespmem:$0x19FA0] =	vst v63  }
0x1c: {  	s29 =	simm.s32 $0x50  }
0x1d: {  	[tilespmem:s15], [sflag:$0x1] =	stream.indirect.gather [hbm4b:s3+s12], $0xD0, s29, s12, $0xb8;
	[tilespmem:$0x19FA0] =	vst v63  }
0x1e: {  	s31 =	simm.s32 $0x2760  }
0x1f: {  	[tilespmem:s16], [sflag:$0x1] =	stream.indirect.gather [hbm4b:s4+s12], $0x8, s31, s12, $0xb8;
	[tilespmem:$0x19FA0] =	vst v63  }
0x20: {  	s26 =	simm.s32 $0xA0  }
0x21: {  	[tilespmem:s17], [sflag:$0x1] =	stream.indirect.gather [hbm4b:s3+s12], $0xD0, s26, s12, $0xb8;
	[tilespmem:$0x19FA0] =	vst v63  }
0x22: {  	s29 =	simm.s32 $0x27B0  }
0x23: {  	[tilespmem:s18], [sflag:$0x1] =	stream.indirect.gather [hbm4b:s4+s12], $0x8, s29, s12, $0xb8;
	[tilespmem:$0x19FA0] =	vst v63  }
0x24: {  	s31 =	simm.s32 $0xF0  }
0x25: {  	[tilespmem:s19], [sflag:$0x1] =	stream.indirect.gather [hbm4b:s3+s12], $0xD0, s31, s12, $0xb8;
	[tilespmem:$0x19FA0] =	vst v63  }
0x26: {  	s26 =	simm.s32 $0x2800  }
0x27: {  	[tilespmem:s20], [sflag:$0x1] =	stream.indirect.gather [hbm4b:s4+s12], $0x8, s26, s12, $0xb8;
	[tilespmem:$0x19FA0] =	vst v63  }
0x28: {  	s29 =	simm.s32 $0x140  }
0x29: {  	[tilespmem:s21], [sflag:$0x1] =	stream.indirect.gather [hbm4b:s3+s12], $0xD0, s29, s12, $0xb8;
	[tilespmem:$0x19FA0] =	vst v63  }
0x2a: {  	s31 =	simm.s32 $0x2850  }
0x2b: {  	[tilespmem:s22], [sflag:$0x1] =	stream.indirect.gather [hbm4b:s4+s12], $0x8, s31, s12, $0xb8;
	[tilespmem:$0x19FA0] =	vst v63  }
0x2c: {  	_ =	swait.ge [sflag:s23], $0x4100  }
0x2d: {  	[sflag:s23] =	ssyncset.done $0x0  }
0x2e: {  	[sflag:s23] =	ssyncadd.s32 $0xFFFFBF00  }
0x2f: {  	_ =	swait.ge [sflag:s23], $0x280  }
0x30: {  	[sflag:s23] =	ssyncset.done $0x0  }
0x31: {  	[sflag:s23] =	ssyncadd.s32 $0xFFFFFD80  }
0x32: {  	_ =	swait.ge [sflag:s23], $0x4100  }
0x33: {  	[sflag:s23] =	ssyncset.done $0x0  }
0x34: {  	[sflag:s23] =	ssyncadd.s32 $0xFFFFBF00  }
0x35: {  	_ =	swait.ge [sflag:s23], $0x280  }
0x36: {  	[sflag:s23] =	ssyncset.done $0x0  }
0x37: {  	[sflag:s23] =	ssyncadd.s32 $0xFFFFFD80  }
0x38: {  	_ =	swait.ge [sflag:s23], $0x4100  }
0x39: {  	[sflag:s23] =	ssyncset.done $0x0  }
0x3a: {  	[sflag:s23] =	ssyncadd.s32 $0xFFFFBF00  }
0x3b: {  	_ =	swait.ge [sflag:s23], $0x280  }
0x3c: {  	[sflag:s23] =	ssyncset.done $0x0  }
0x3d: {  	[sflag:s23] =	ssyncadd.s32 $0xFFFFFD80  }
0x3e: {  	_ =	swait.ge [sflag:s23], $0x4100  }
0x3f: {  	[sflag:s23] =	ssyncset.done $0x0  }
0x40: {  	[sflag:s23] =	ssyncadd.s32 $0xFFFFBF00  }
0x41: {  	_ =	swait.ge [sflag:s23], $0x280  }
0x42: {  	[sflag:s23] =	ssyncset.done $0x0  }
0x43: {  	[sflag:s23] =	ssyncadd.s32 $0xFFFFFD80  }
0x44: {  	_ =	swait.ge [sflag:s23], $0x4100  }
0x45: {  	[sflag:s23] =	ssyncset.done $0x0  }
0x46: {  	[sflag:s23] =	ssyncadd.s32 $0xFFFFBF00  }
0x47: {  	_ =	swait.ge [sflag:s23], $0x280  }
0x48: {  	[sflag:s23] =	ssyncset.done $0x0  }
0x49: {  	[sflag:s23] =	ssyncadd.s32 $0xFFFFFD80  }
0x4a: {  	[hbm4b:s9+s2] =	stream.linear.scatter [tilespmem:s13], [sflag:$0x2], $0x14500, $0x38;
	[tilespmem:$0x19FA0] =	vst v63  }
0x4b: {  	_ =	swait.ge [sflag:s10], $0x14500  }
0x4c: {  	[sflag:s10] =	ssyncset.done $0x0  }
0x4d: {  	[sflag:s10] =	ssyncadd.s32 $0xFFFEBB00  }
0x4e: {  	[hbm4b:s8+s2] =	stream.linear.scatter [tilespmem:s14], [sflag:$0x2], $0xC80, $0x38;
	[tilespmem:$0x19FA0] =	vst v63  }
0x4f: {  	s28 =	simm.s32 $0x640;
	s30 =	simm.s32 $0xC80;
	_ =	swait.ge [sflag:s10], $0xC80  }
0x50: {  	s25 =	sadd.s32 $0x190, s8;
	s26 =	sadd.s32 $0x28A0, s9;
	[sflag:s10] =	ssyncset.done $0x0  }
.LBB2_2:
0x51: {  	s31 =	sshra.s32 s28, $0x2  }
0x52: {  	[sflag:s10] =	ssyncadd.s32 $0xFFFFF380;
	s28 =	smov.u32 s30;
	s29 =	sadd.s32 $0x640, s30  }
0x53: {  	[tilespmem:s13], [sflag:$0x1] =	stream.indirect.gather [hbm4b:s3+s12], $0xD0, s31, s12, $0xb8;
	[tilespmem:$0x19FA0] =	vst v63  }
0x54: {  	p0 =	sne.s32 s30, $0x9600;
	s30 =	sadd.s32 $0x2710, s31  }
0x55: {  	[tilespmem:s14], [sflag:$0x1] =	stream.indirect.gather [hbm4b:s4+s12], $0x8, s30, s12, $0xb8;
	[tilespmem:$0x19FA0] =	vst v63  }
0x56: {  	s30 =	sadd.s32 $0x50, s31  }
0x57: {  	[tilespmem:s15], [sflag:$0x1] =	stream.indirect.gather [hbm4b:s3+s12], $0xD0, s30, s12, $0xb8;
	[tilespmem:$0x19FA0] =	vst v63  }
0x58: {  	s30 =	sadd.s32 $0x2760, s31  }
0x59: {  	[tilespmem:s16], [sflag:$0x1] =	stream.indirect.gather [hbm4b:s4+s12], $0x8, s30, s12, $0xb8;
	[tilespmem:$0x19FA0] =	vst v63  }
0x5a: {  	s30 =	sadd.s32 $0xA0, s31  }
0x5b: {  	[tilespmem:s17], [sflag:$0x1] =	stream.indirect.gather [hbm4b:s3+s12], $0xD0, s30, s12, $0xb8;
	[tilespmem:$0x19FA0] =	vst v63  }
0x5c: {  	s30 =	sadd.s32 $0x27B0, s31  }
0x5d: {  	[tilespmem:s18], [sflag:$0x1] =	stream.indirect.gather [hbm4b:s4+s12], $0x8, s30, s12, $0xb8;
	[tilespmem:$0x19FA0] =	vst v63  }
0x5e: {  	s30 =	sadd.s32 $0xF0, s31  }
0x5f: {  	[tilespmem:s19], [sflag:$0x1] =	stream.indirect.gather [hbm4b:s3+s12], $0xD0, s30, s12, $0xb8;
	[tilespmem:$0x19FA0] =	vst v63  }
0x60: {  	s30 =	sadd.s32 $0x2800, s31  }
0x61: {  	[tilespmem:s20], [sflag:$0x1] =	stream.indirect.gather [hbm4b:s4+s12], $0x8, s30, s12, $0xb8;
	[tilespmem:$0x19FA0] =	vst v63  }
0x62: {  	s30 =	sadd.s32 $0x140, s31  }
0x63: {  	[tilespmem:s21], [sflag:$0x1] =	stream.indirect.gather [hbm4b:s3+s12], $0xD0, s30, s12, $0xb8;
	[tilespmem:$0x19FA0] =	vst v63  }
0x64: {  	s30 =	sadd.s32 $0x2850, s31  }
0x65: {  	[tilespmem:s22], [sflag:$0x1] =	stream.indirect.gather [hbm4b:s4+s12], $0x8, s30, s12, $0xb8;
	[tilespmem:$0x19FA0] =	vst v63  }
0x66: {  	_ =	swait.ge [sflag:s23], $0x4100  }
0x67: {  	[sflag:s23] =	ssyncset.done $0x0  }
0x68: {  	[sflag:s23] =	ssyncadd.s32 $0xFFFFBF00  }
0x69: {  	_ =	swait.ge [sflag:s23], $0x280  }
0x6a: {  	[sflag:s23] =	ssyncset.done $0x0  }
0x6b: {  	[sflag:s23] =	ssyncadd.s32 $0xFFFFFD80  }
0x6c: {  	_ =	swait.ge [sflag:s23], $0x4100  }
0x6d: {  	[sflag:s23] =	ssyncset.done $0x0  }
0x6e: {  	[sflag:s23] =	ssyncadd.s32 $0xFFFFBF00  }
0x6f: {  	_ =	swait.ge [sflag:s23], $0x280  }
0x70: {  	[sflag:s23] =	ssyncset.done $0x0  }
0x71: {  	[sflag:s23] =	ssyncadd.s32 $0xFFFFFD80  }
0x72: {  	_ =	swait.ge [sflag:s23], $0x4100  }
0x73: {  	[sflag:s23] =	ssyncset.done $0x0  }
0x74: {  	[sflag:s23] =	ssyncadd.s32 $0xFFFFBF00  }
0x75: {  	_ =	swait.ge [sflag:s23], $0x280  }
0x76: {  	[sflag:s23] =	ssyncset.done $0x0  }
0x77: {  	[sflag:s23] =	ssyncadd.s32 $0xFFFFFD80  }
0x78: {  	_ =	swait.ge [sflag:s23], $0x4100  }
0x79: {  	[sflag:s23] =	ssyncset.done $0x0  }
0x7a: {  	[sflag:s23] =	ssyncadd.s32 $0xFFFFBF00  }
0x7b: {  	_ =	swait.ge [sflag:s23], $0x280  }
0x7c: {  	[sflag:s23] =	ssyncset.done $0x0  }
0x7d: {  	[sflag:s23] =	ssyncadd.s32 $0xFFFFFD80  }
0x7e: {  	_ =	swait.ge [sflag:s23], $0x4100  }
0x7f: {  	[sflag:s23] =	ssyncset.done $0x0  }
0x80: {  	[sflag:s23] =	ssyncadd.s32 $0xFFFFBF00  }
0x81: {  	_ =	swait.ge [sflag:s23], $0x280  }
0x82: {  	[sflag:s23] =	ssyncset.done $0x0  }
0x83: {  	[sflag:s23] =	ssyncadd.s32 $0xFFFFFD80  }
0x84: {  	[hbm4b:s26+s2] =	stream.linear.scatter [tilespmem:s13], [sflag:$0x2], $0x14500, $0x38;
	[tilespmem:$0x19FA0] =	vst v63  }
0x85: {  	_ =	swait.ge [sflag:s10], $0x14500  }
.Ltmp0:
0x86: {  	[sflag:s10] =	ssyncset.done $0x0;
	(pc) =	sbr.rel @p0 .LBB2_2-.Ltmp0, $4  }
0x87: {  	[sflag:s10] =	ssyncadd.s32 $0xFFFEBB00  }
0x88: {  	[hbm4b:s25+s2] =	stream.linear.scatter [tilespmem:s14], [sflag:$0x2], $0xC80, $0x38;
	[tilespmem:$0x19FA0] =	vst v63  }
0x89: {  	s30 =	smov.u32 s29;
	_ =	swait.ge [sflag:s10], $0xC80  }
0x8a: {  	s26 =	sadd.s32 $0x28A0, s26;
	s25 =	sadd.s32 $0x190, s25;
	[sflag:s10] =	ssyncset.done $0x0  }
0x8b: {  	s28 =	sshra.s32 s28, $0x2;
	[sflag:s10] =	ssyncadd.s32 $0xFFFFF380  }
0x8c: {  	[tilespmem:s13], [sflag:$0x1] =	stream.indirect.gather [hbm4b:s3+s12], $0xD0, s28, s12, $0xb8;
	[tilespmem:$0x19FA0] =	vst v63  }
0x8d: {  	s29 =	sadd.s32 $0x2710, s28  }
0x8e: {  	[tilespmem:s14], [sflag:$0x1] =	stream.indirect.gather [hbm4b:s4+s12], $0x8, s29, s12, $0xb8;
	[tilespmem:$0x19FA0] =	vst v63  }
0x8f: {  	s31 =	sadd.s32 $0x50, s28  }
0x90: {  	[tilespmem:s15], [sflag:$0x1] =	stream.indirect.gather [hbm4b:s3+s12], $0xD0, s31, s12, $0xb8;
	[tilespmem:$0x19FA0] =	vst v63  }
0x91: {  	s30 =	sadd.s32 $0x2760, s28  }
0x92: {  	[tilespmem:s16], [sflag:$0x1] =	stream.indirect.gather [hbm4b:s4+s12], $0x8, s30, s12, $0xb8;
	[tilespmem:$0x19FA0] =	vst v63  }
0x93: {  	s31 =	sadd.s32 $0xA0, s28  }
0x94: {  	[tilespmem:s17], [sflag:$0x1] =	stream.indirect.gather [hbm4b:s3+s12], $0xD0, s31, s12, $0xb8;
	[tilespmem:$0x19FA0] =	vst v63  }
0x95: {  	s30 =	sadd.s32 $0x27B0, s28  }
0x96: {  	[tilespmem:s18], [sflag:$0x1] =	stream.indirect.gather [hbm4b:s4+s12], $0x8, s30, s12, $0xb8;
	[tilespmem:$0x19FA0] =	vst v63  }
0x97: {  	s31 =	sadd.s32 $0xF0, s28  }
0x98: {  	[tilespmem:s19], [sflag:$0x1] =	stream.indirect.gather [hbm4b:s3+s12], $0xD0, s31, s12, $0xb8;
	[tilespmem:$0x19FA0] =	vst v63  }
0x99: {  	s30 =	sadd.s32 $0x2800, s28  }
0x9a: {  	[tilespmem:s20], [sflag:$0x1] =	stream.indirect.gather [hbm4b:s4+s12], $0x8, s30, s12, $0xb8;
	[tilespmem:$0x19FA0] =	vst v63  }
0x9b: {  	s31 =	sadd.s32 $0x140, s28  }
0x9c: {  	[tilespmem:s21], [sflag:$0x1] =	stream.indirect.gather [hbm4b:s3+s12], $0xD0, s31, s12, $0xb8;
	[tilespmem:$0x19FA0] =	vst v63  }
0x9d: {  	s28 =	sadd.s32 $0x2850, s28  }
0x9e: {  	[tilespmem:s22], [sflag:$0x1] =	stream.indirect.gather [hbm4b:s4+s12], $0x8, s28, s12, $0xb8;
	[tilespmem:$0x19FA0] =	vst v63  }
0x9f: {  	_ =	swait.ge [sflag:s23], $0x4100  }
0xa0: {  	[sflag:s23] =	ssyncset.done $0x0  }
0xa1: {  	[sflag:s23] =	ssyncadd.s32 $0xFFFFBF00  }
0xa2: {  	_ =	swait.ge [sflag:s23], $0x280  }
0xa3: {  	[sflag:s23] =	ssyncset.done $0x0  }
0xa4: {  	[sflag:s23] =	ssyncadd.s32 $0xFFFFFD80  }
0xa5: {  	_ =	swait.ge [sflag:s23], $0x4100  }
0xa6: {  	[sflag:s23] =	ssyncset.done $0x0  }
0xa7: {  	[sflag:s23] =	ssyncadd.s32 $0xFFFFBF00  }
0xa8: {  	_ =	swait.ge [sflag:s23], $0x280  }
0xa9: {  	[sflag:s23] =	ssyncset.done $0x0  }
0xaa: {  	[sflag:s23] =	ssyncadd.s32 $0xFFFFFD80  }
0xab: {  	_ =	swait.ge [sflag:s23], $0x4100  }
0xac: {  	[sflag:s23] =	ssyncset.done $0x0  }
0xad: {  	[sflag:s23] =	ssyncadd.s32 $0xFFFFBF00  }
0xae: {  	_ =	swait.ge [sflag:s23], $0x280  }
0xaf: {  	[sflag:s23] =	ssyncset.done $0x0  }
0xb0: {  	[sflag:s23] =	ssyncadd.s32 $0xFFFFFD80  }
0xb1: {  	_ =	swait.ge [sflag:s23], $0x4100  }
0xb2: {  	[sflag:s23] =	ssyncset.done $0x0  }
0xb3: {  	[sflag:s23] =	ssyncadd.s32 $0xFFFFBF00  }
0xb4: {  	_ =	swait.ge [sflag:s23], $0x280  }
0xb5: {  	[sflag:s23] =	ssyncset.done $0x0  }
0xb6: {  	[sflag:s23] =	ssyncadd.s32 $0xFFFFFD80  }
0xb7: {  	_ =	swait.ge [sflag:s23], $0x4100  }
0xb8: {  	[sflag:s23] =	ssyncset.done $0x0  }
0xb9: {  	[sflag:s23] =	ssyncadd.s32 $0xFFFFBF00  }
0xba: {  	_ =	swait.ge [sflag:s23], $0x280  }
0xbb: {  	[sflag:s23] =	ssyncset.done $0x0  }
0xbc: {  	[sflag:s23] =	ssyncadd.s32 $0xFFFFFD80  }
0xbd: {  	[hbm4b:s26+s2] =	stream.linear.scatter [tilespmem:s13], [sflag:$0x2], $0x14500, $0x38;
	[tilespmem:$0x19FA0] =	vst v63  }
0xbe: {  	s24 =	sadd.s32 $0x1, s24;
	_ =	swait.ge [sflag:s10], $0x14500  }
0xbf: {  	p0 =	sne.s32 s24, s7;
	[sflag:s10] =	ssyncset.done $0x0  }
.Ltmp1:
0xc0: {  	[sflag:s10] =	ssyncadd.s32 $0xFFFEBB00;
	(pc) =	sbr.rel @p0 .LBB2_1-.Ltmp1, $4  }
0xc1: {  	[hbm4b:s25+s2] =	stream.linear.scatter [tilespmem:s14], [sflag:$0x2], $0xC80, $0x38;
	[tilespmem:$0x19FA0] =	vst v63  }
0xc2: {  	_ =	swait.ge [sflag:s10], $0xC80  }
0xc3: {  	[sflag:s10] =	ssyncset.done $0x0  }
0xc4: {  	[sflag:s10] =	ssyncadd.s32 $0xFFFFF380  }
0xc5: {  	_ =	sfence.sel $0x180000  }
0xc6: {  	[bflag:$0x0] =	sbarrier.arrive $0xFFFF  }
0xc7: {  	p0 =	sne.s32 s0, $0x0;
	_ =	strace $0x9000004D  }
0xc8: {  	s0 =	sadd.s32 @!p0 $0x100000, s1;
	[bflag:$0x2] =	sbarrier.arrive $0xFFFF  }
0xc9: {  	[sflag:s0] =	ssyncadd.tile.s32 @!p0 $0x1;
	_ =	shalt  }
.Lfunc_end2:
_tile_overlayer_lowered:
.L_overlay_start_2:
0xca: {  	(tag) =	ssettag $0x2  }
0xcb: {  	s0 =	rddreg [dreg:$0x0];
	s2 =	stileid.u32  }
0xcc: {  	s1 =	rddreg [dreg:$0x1];
	p0 =	sne.s32 s2, $0x0  }
0xcd: {  	s3 =	rddreg [dreg:$0x2];
	[bflag:$0x3] =	sbarrier.arrive $0xFFFF;
	s2 =	simm.s32 @!p0 $0x1C02  }
0xce: {  	[timem:s3], [sflag:s2] =	dma.local @!p0 [hbm:s0], s1  }
0xcf: {  	s0 =	simm.s32 @!p0 $0x2  }
0xd0: {  	_ =	swait.ge @!p0 [sflag:s0], s1  }
0xd1: {  	s1 =	ssub.s32 @!p0 $0x0, s1;
	[sflag:s0] =	ssyncset.done @!p0 $0x0  }
0xd2: {  	[sflag:s0] =	ssyncadd.s32 @!p0 s1  }
0xd3: {  	[bflag:$0x3] =	sbarrier.arrive $0xFFFF  }
0xd4: {  	_ =	shalt  }

// kernel: kernel.20.cloned.1.call-start
scs
__scs_entry_jumppad:
0x0: {  	(pc) =	sbr.rel $0x88, $3  }
0x1: {  	(tag) =	ssettag $0x0;
	lr =	simm.s32 $0x1  }
0x2: {  	[smem:$0x3F8A] =	sst lr;
	_ =	strace $0xD0000000  }
0x3: {  	_ = 	snop  }
0x4: {  	_ = 	snop  }
0x5: {  	_ = 	snop  }
0x6: {  	_ = 	snop  }
0x7: {  	_ = 	snop  }
__scs_overlays_trampoline_lowered:
0x8: {  	[smem:$0x3F99] =	sst s0  }
0x9: {  	[smem:$0x3F9A] =	sst s1  }
0xa: {  	[smem:$0x3F9B] =	sst s2  }
0xb: {  	[smem:$0x3F9C] =	sst s3  }
0xc: {  	[smem:$0x3F9D] =	sst s4  }
0xd: {  	[smem:$0x3F9E] =	sst s5  }
0xe: {  	[smem:$0x3F9F] =	sst s6  }
0xf: {  	[smem:$0x3FA0] =	sst s7  }
0x10: {  	[smem:$0x3FA1] =	sst s8  }
0x11: {  	[smem:$0x3FA2] =	sst s9;
	s0 =	simm.s32 @!p0 $0x0  }
0x12: {  	s1 =	sld [smem:$0x3F88];
	s0 =	simm.s32 @p0 $0x1  }
0x13: {  	[smem:$0x3FA3] =	sst s0;
	s0 =	simm.s32 @!p1 $0x0  }
0x14: {  	s2 =	sld [smem:$0x3F87];
	s0 =	simm.s32 @p1 $0x1  }
0x15: {  	[smem:$0x3FA4] =	sst s0;
	s0 =	simm.s32 @!p2 $0x0  }
0x16: {  	s3 =	sld [smem:$0x3FDB];
	s0 =	simm.s32 @p2 $0x1  }
0x17: {  	s4 =	simm.s32 $0x1BF5;
	[smem:$0x3FA6] =	sst s0  }
0x18: {  	s0 =	sld [smem:$0x3F89];
	_ =	swait.ge [sflag:s4], $0x0  }
0x19: {  	s7 =	sld [smem:$0x3F8A]  }
0x1a: {  	s8 =	sadd.s32 $0xFFFFE003, lr  }
0x1b: {  	s9 =	sadd.s32 $0xFFFFFEF7, lr;
	s5 =	simm.s32 $0xFFFFFFFF;
	p2 =	slt.u32 s8, $0xFFFFF086  }
0x1c: {  	p1 =	slt.u32 s9, $0xF7A;
	s5 =	simm.s32 @!p2 $0x0  }
0x1d: {  	s5 =	simm.s32 @p1 $0x1;
	p0 =	seq.s32 s7, s2  }
0x1e: {  	s7 =	smul.u32 @!p0 $0xF7A, s2;
	p2 =	seq.s32 @!p0 s5, $0x0  }
0x1f: {  	s9 =	smul.u32 $0xF7A, s1;
	s8 =	simm.s32 @!p0 $0x1BF5;
	p2 =	por !p2, p0  }
0x20: {  	[sflag:s8] =	ssyncset.s32 @!p0 $0xFFFFF086;
	s6 =	sadd.s32 @!p0 s3, s7;
	s7 =	simm.s32 @!p0 $0x108  }
0x21: {  	s3 =	sadd.s32 s3, s9;
	s6 =	sadd.s32 @!p0 $0x88, s6;
	s7 =	simm.s32 @p2 $0x1082  }
0x22: {  	[simem:s7], [sflag:s8] =	dma.local @!p0 [hbm:s6], $0xF7A  }
0x23: {  	s9 =	sor.u32 $0xD0000000, s2;
	s6 =	simm.s32 $0x108;
	_ =	swait.ge @!p0 [sflag:s8], $0x0  }
0x24: {  	s3 =	sadd.s32 $0x88, s3;
	s6 =	simm.s32 @!p1 $0x1082;
	[sflag:s4] =	ssyncset.s32 $0xFFFFF086  }
0x25: {  	[simem:s6], [sflag:s4] =	dma.local [hbm:s3], $0xF7A  }
0x26: {  	[smem:$0x3F8A] =	sst s1;
	(tag) =	ssettag s2;
	_ =	strace s9  }
0x27: {  	s1 =	sld [smem:$0x3F9A]  }
0x28: {  	s2 =	sld [smem:$0x3F9B]  }
0x29: {  	s4 =	sld [smem:$0x3F9D]  }
0x2a: {  	p0 =	seq.s32 s5, $0x0;
	s5 =	sld [smem:$0x3F9E]  }
0x2b: {  	s6 =	sld [smem:$0x3F9F]  }
0x2c: {  	s7 =	sld [smem:$0x3FA0]  }
0x2d: {  	s3 =	simm.s32 $0x108;
	s8 =	sld [smem:$0x3FA1]  }
0x2e: {  	s3 =	simm.s32 @!p0 $0x1082;
	s9 =	sld [smem:$0x3FA2]  }
0x2f: {  	lr =	sadd.s32 s0, s3;
	s0 =	sld [smem:$0x3F99]  }
0x30: {  	s3 =	sld [smem:$0x3F9C]  }
0x31: {  	[smem:$0x3FA5] =	sst s10  }
0x32: {  	s10 =	sld [smem:$0x3FA3];
	_ =	sdelay $0x3  }
0x33: {  	p0 =	seq.s32 s10, $0x1;
	s10 =	sld [smem:$0x3FA5];
	_ =	sdelay $0x3  }
0x34: {  	[smem:$0x3FA5] =	sst s10  }
0x35: {  	s10 =	sld [smem:$0x3FA4];
	_ =	sdelay $0x3  }
0x36: {  	p1 =	seq.s32 s10, $0x1;
	s10 =	sld [smem:$0x3FA5];
	_ =	sdelay $0x3  }
0x37: {  	[smem:$0x3FA5] =	sst s10  }
0x38: {  	s10 =	sld [smem:$0x3FA6]  }
0x39: {  	_ = 	snop;
	(pc) =	sbr.ind lr, $3  }
0x3a: {  	_ = 	snop  }
0x3b: {  	_ = 	snop  }
0x3c: {  	p2 =	seq.s32 s10, $0x1;
	s10 =	sld [smem:$0x3FA5]  }
0x3d: {  	_ =	shalt  }
0x3e: {  	_ =	shalt  }
0x3f: {  	_ =	shalt  }
0x40: {  	_ =	shalt  }
0x41: {  	_ =	shalt  }
0x42: {  	_ =	shalt  }
0x43: {  	_ =	shalt  }
0x44: {  	_ =	shalt  }
0x45: {  	_ =	shalt  }
0x46: {  	_ =	shalt  }
0x47: {  	_ =	shalt  }
0x48: {  	_ =	shalt  }
0x49: {  	_ =	shalt  }
0x4a: {  	_ =	shalt  }
0x4b: {  	_ =	shalt  }
0x4c: {  	_ =	shalt  }
0x4d: {  	_ =	shalt  }
0x4e: {  	_ =	shalt  }
0x4f: {  	_ =	shalt  }
0x50: {  	_ =	shalt  }
0x51: {  	_ =	shalt  }
0x52: {  	_ =	shalt  }
0x53: {  	_ =	shalt  }
0x54: {  	_ =	shalt  }
0x55: {  	_ =	shalt  }
0x56: {  	_ =	shalt  }
0x57: {  	_ =	shalt  }
0x58: {  	_ =	shalt  }
0x59: {  	_ =	shalt  }
0x5a: {  	_ =	shalt  }
0x5b: {  	_ =	shalt  }
0x5c: {  	_ =	shalt  }
0x5d: {  	_ =	shalt  }
0x5e: {  	_ =	shalt  }
0x5f: {  	_ =	shalt  }
0x60: {  	_ =	shalt  }
0x61: {  	_ =	shalt  }
0x62: {  	_ =	shalt  }
0x63: {  	_ =	shalt  }
0x64: {  	_ =	shalt  }
0x65: {  	_ =	shalt  }
0x66: {  	_ =	shalt  }
0x67: {  	_ =	shalt  }
0x68: {  	_ =	shalt  }
0x69: {  	_ =	shalt  }
0x6a: {  	_ =	shalt  }
0x6b: {  	_ =	shalt  }
0x6c: {  	_ =	shalt  }
0x6d: {  	_ =	shalt  }
0x6e: {  	_ =	shalt  }
0x6f: {  	_ =	shalt  }
0x70: {  	_ =	shalt  }
0x71: {  	_ =	shalt  }
0x72: {  	_ =	shalt  }
0x73: {  	_ =	shalt  }
0x74: {  	_ =	shalt  }
0x75: {  	_ =	shalt  }
0x76: {  	_ =	shalt  }
0x77: {  	_ =	shalt  }
0x78: {  	_ =	shalt  }
0x79: {  	_ =	shalt  }
0x7a: {  	_ =	shalt  }
0x7b: {  	_ =	shalt  }
0x7c: {  	_ =	shalt  }
0x7d: {  	_ =	shalt  }
0x7e: {  	_ =	shalt  }
0x7f: {  	_ =	shalt  }
0x80: {  	_ =	shalt  }
0x81: {  	_ =	shalt  }
0x82: {  	_ =	shalt  }
0x83: {  	_ =	shalt  }
0x84: {  	_ =	shalt  }
0x85: {  	_ =	shalt  }
0x86: {  	_ =	shalt  }
0x87: {  	_ =	shalt  }
.Lfunc_end0:
.L_simem_size_0:
called_computation.3_lowered:
.L_overlay_start_0:
0x88: {  	s2 =	sld [smem:$0x3FD9]  }
0x89: {  	s3 =	sld [smem:$0x3FFE];
	_ =	sdelay $0x1  }
0x8a: {  	s1 =	srdreg.scid  }
0x8b: {  	s0 =	sand.u32 $0x1, s1  }
0x8c: {  	s16 =	sshll.u32 s0, $0xA;
	s2 =	sadd.s32 s3, s2  }
0x8d: {  	s2 =	sadd.s32 s2, s16  }
0x8e: {  	[smem:$0x3FB1] =	sst s2  }
0x8f: {  	_ = 	snop  }
0x90: {  	(tm) =	ssettm $0x1  }
0x91: {  	s17 =	sld [smem:$0x3FFB];
	_ =	sdelay $0x3  }
0x92: {  	_ =	strace s17  }
0x93: {  	s2 =	sld [smem:$0x3FFC];
	_ =	sdelay $0x3  }
0x94: {  	_ =	strace s2  }
0x95: {  	s2 =	sld [smem:$0x3FFD];
	_ =	sdelay $0x3  }
0x96: {  	_ =	strace s2  }
0x97: {  	_ =	strace $0x8FFFFFFF  }
0x98: {  	s18 =	sld [smem:$0x3FDB];
	_ =	sdelay $0x1  }
0x99: {  	s19 =	simm.s32 $_scs_section_size  }
0x9a: {  	s4 =	simm.s32 $_size__tile_overlayer_lowered;
	s5 =	simm.s32 $_tile_overlayer_lowered  }
0x9b: {  	s22 =	simm.s32 $0x1BFF;
	s21 =	sshll.u32 s5, $0x1;
	s2 =	sadd.s32 s19, s18  }
0x9c: {  	s6 =	simm.s32 $0x0;
	s20 =	sshll.u32 s4, $0x1;
	s4 =	sadd.s32 s21, s2  }
0x9d: {  	[timem:s6], [sflag:s22] =	dma.local [hbm:s4], s20  }
0x9e: {  	_ =	swait.ge [sflag:s22], s20  }
0x9f: {  	s3 =	ssub.s32 $0x0, s20;
	[sflag:s22] =	ssyncset.done $0x0  }
0xa0: {  	[sflag:s22] =	ssyncadd.s32 s3;
	_ =	sdelay $0x1  }
0xa1: {  	s23 =	simm.s32 $0x1B8B  }
0xa2: {  	_ =	swait.ge [sflag:s23], $0x1  }
0xa3: {  	[sflag:s23] =	ssyncset.done $0x0  }
0xa4: {  	s25 =	simm.s32 $0x1B8E;
	s24 =	sld [smem:$0x3FFE];
	[sflag:s23] =	ssyncadd.s32 $0xFFFFFFFF  }
0xa5: {  	s26 =	simm.s32 $execute0_lowered;
	[smem:$0x3FD2] =	sst s25  }
0xa6: {  	s4 =	sshll.u32 s26, $0x1;
	_ =	strace $0x8000004F;
	[dreg:$0x1] =	wrdreg $0xFFFFFFFF  }
0xa7: {  	s28 =	simm.s32 $_size_execute0_lowered;
	s2 =	sadd.s32 s2, s4;
	[dreg:$0x0] =	wrdreg $0x0  }
0xa8: {  	s4 =	sshll.u32 s28, $0x1;
	[dreg:$0x2] =	wrdreg s2  }
0xa9: {  	[dreg:$0x3] =	wrdreg s4  }
0xaa: {  	[dreg:$0x4] =	wrdreg $0xC0  }
0xab: {  	_ =	task [dreg:s6], $0x5FFFF  }
0xac: {  	[dreg:$0x1] =	wrdreg $0xFFFFFFFF  }
0xad: {  	[dreg:$0x0] =	wrdreg $0x60  }
0xae: {  	[dreg:$0x2] =	wrdreg s24  }
0xaf: {  	[dreg:$0x3] =	wrdreg $0x82A00  }
0xb0: {  	[dreg:$0x4] =	wrdreg $0x9  }
0xb1: {  	_ =	task.clear_ibuf [dreg:s6], $0x5FFFF;
	_ =	strace $0x9000004F  }
0xb2: {  	s29 =	simm.s32 $0x9;
	_ =	strace $0x80000051  }
0xb3: {  	_ =	swait.ge [sflag:s29], $0x1  }
0xb4: {  	[sflag:s29] =	ssyncadd.s32 $0xFFFFFFFF  }
0xb5: {  	_ =	strace $0x90000051  }
0xb6: {  	_ =	sfence  }
0xb7: {  	s30 =	sld [smem:$0x0];
	_ =	sdelay $0x2  }
0xb8: {  	s31 =	sshll.u32 s1, $0xD;
	s1 =	sshrl.u32 s1, $0x2  }
0xb9: {  	s3 =	sand.u32 $0x4000, s31;
	s1 =	sadd.s32 s1, s30  }
0xba: {  	s0 =	sor.u32 s3, s0;
	s1 =	sshll.u32 s1, $0x11  }
0xbb: {  	s0 =	sor.u32 s1, s0  }
0xbc: {  	s0 =	sadd.s32 $0x8F2B, s0  }
0xbd: {  	[sflag:s0] =	ssyncadd.remote.s32 $0x1  }
0xbe: {  	_ =	sfence.sel $0xFFFF  }
0xbf: {  	[dreg:$0x0] =	wrdreg $0xFFFFFFFF;
	(pc) =	sbr.abs _section_cstart, $3  }
0xc0: {  	[dreg:$0x1] =	wrdreg $0xFFFFFFFF  }
0xc1: {  	_ =	task.clear_ibuf [dreg:s6], $0x2FFFF;
	_ =	strace $0x9FFFFFFF  }
0xc2: {  	(tm) =	ssettm $0x7FFFFFFF  }
0xc3: {  	_ =	shalt  }
tec
execute0_lowered:
.L_overlay_start_1:
0x0: {  	(tag) =	ssettag $0x1  }
0x1: {  	s15 =	stileid.u32  }
0x2: {  	s0 =	srdreg.scid;
	s4 =	rddreg [dreg:$0x0]  }
0x3: {  	s1 =	rddreg [dreg:$0x1];
	s2 =	simm.s32 $0x0;
	s3 =	smul.u32 $0x7EF40, s15  }
0x4: {  	s14 =	simm.s32 $0x3;
	s5 =	sand.u32 $0x1, s0;
	s6 =	smul.u32 $0xC8, s15  }
0x5: {  	s0 =	rddreg [dreg:$0x2];
	s7 =	smul.u32 $0x9C4, s15;
	s8 =	sor.u32 $0x10, s15  }
0x6: {  	[smem:$0x7FF] =	sst s2;
	s11 =	smul.u32 $0x28A00, s15;
	s12 =	sadd.s32 $0x808800, s4  }
0x7: {  	p0 =	sne.s32 s15, $0x0;
	s16 =	sshll.u32 s15, $0x6;
	s17 =	smul.u32 $0x1388, s5  }
0x8: {  	p1 =	sgt.u32 s15, $0x8;
	s15 =	simm.s32 $0x2;
	s9 =	smul.u32 $0xC8, s8  }
0x9: {  	_ =	strace $0x80000050;
	s5 =	ssub.s32 $0x2, s5;
	s8 =	smul.u32 $0x28A00, s8  }
0xa: {  	s16 =	sor.u32 $0x1C03, s16;
	s10 =	sadd.s32 s3, s4;
	s7 =	sadd.s32 s7, s4  }
0xb: {  	s3 =	sadd.s32 $0x856A00, s4;
	s29 =	sshrl.u32 s5, $0x1;
	s30 =	sshrl.u32 s11, $0x2  }
0xc: {  	s11 =	simm.s32 $0x50;
	s6 =	sadd.s32 s6, s17;
	s9 =	sadd.s32 s17, s9  }
0xd: {  	s13 =	ssub.s32 s5, s29;
	s18 =	sadd.s32 s30, s1;
	s31 =	sshrl.u32 s8, $0x2  }
0xe: {  	s7 =	sadd.s32 $0xF600, s7;
	s8 =	sadd.s32 $0x19C20, s10;
	s6 =	smul.u32 $0x1A, s6  }
0xf: {  	s10 =	simm.s32 $0xA0;
	s9 =	smul.u32 $0x1A, s9;
	s19 =	sadd.s32 s31, s1  }
0x10: {  	v0 =	vmov s17;
	s17 =	sshrl.u32 s18, $0x3;
	s18 =	sshrl.u32 @!p1 s19, $0x3;
	s19 =	simm.s32 $0x0  }
0x11: {  	s4 =	sadd.s32 s12, s6;
	s5 =	sadd.s32 s12, s9;
	s6 =	smax.u32 s13, $0x1  }
0x12: {  	s9 =	sshrl.u32 @!p0 s1, $0x3;
	s12 =	simm.s32 $0x41A0;
	s13 =	simm.s32 $0x1  }
.LBB2_1:
0x13: {  	s20 =	simm.s32 @!p0 $0x1C03  }
0x14: {  	[spmem:s9], [sflag:s20] =	dma.local @!p0 [hbm:s3], $0x1FCA0  }
0x15: {  	s20 =	simm.s32 @!p0 $0x3  }
0x16: {  	_ =	swait.ge @!p0 [sflag:s20], $0x1FCA0  }
0x17: {  	[sflag:s20] =	ssyncset.done @!p0 $0x0  }
0x18: {  	[sflag:s20] =	ssyncadd.s32 @!p0 $0xFFFE0360  }
0x19: {  	s31 =	sadd.s32 $0x0, s7;
	[bflag:$0x0] =	sbarrier.arrive $0xFFFF  }
0x1a: {  	[tilespmem:s2], [sflag:$0x1] =	stream.linear.gather [hbm4b:s31+s2], $0x50, $0x38;
	[tilespmem:$0x180F0] =	vst v63  }
0x1b: {  	s21 =	sadd.s32 $0xFFFFF7E0, s8  }
0x1c: {  	[tilespmem:s10], [sflag:$0x1] =	stream.linear.gather [hbm4b:s21+s2], $0x4100, $0x38;
	[tilespmem:$0x180F0] =	vst v63  }
0x1d: {  	s20 =	sadd.s32 $0xA, s31  }
0x1e: {  	[tilespmem:s11], [sflag:$0x2] =	stream.linear.gather [hbm4b:s20+s2], $0x50, $0x38;
	[tilespmem:$0x180F0] =	vst v63  }
0x1f: {  	_ = 	snop  }
0x20: {  	[tilespmem:s12], [sflag:$0x2] =	stream.linear.gather [hbm4b:s8+s2], $0x4100, $0x38;
	[tilespmem:$0x180F0] =	vst v63  }
0x21: {  	_ =	swait.ge [sflag:s13], $0x50  }
0x22: {  	[sflag:s13] =	ssyncset.done $0x0  }
0x23: {  	[sflag:s13] =	ssyncadd.s32 $0xFFFFFFB0  }
0x24: {  	_ =	swait.ge [sflag:s13], $0x4100  }
0x25: {  	[sflag:s13] =	ssyncset.done $0x0  }
0x26: {  	[sflag:s13] =	ssyncadd.s32 $0xFFFFBF00  }
0x27: {  	v1 =	vld [tilespmem:$0x40]  }
0x28: {  	v2 =	vld [tilespmem:$0x30]  }
0x29: {  	v3 =	vld [tilespmem:$0x10]  }
0x2a: {  	v4 =	vld [tilespmem:$0x0]  }
0x2b: {  	v5 =	vld [tilespmem:$0x20]  }
0x2c: {  	v1 =	vsub.s32 v1, v0  }
0x2d: {  	v2 =	vsub.s32 v2, v0;
	v1 =	vmin.u32 v1, $0x1388  }
0x2e: {  	v3 =	vsub.s32 v3, v0;
	v2 =	vmin.u32 v2, $0x1388;
	[tilespmem:$0x40] =	vst v1  }
0x2f: {  	v3 =	vmin.u32 v3, $0x1388;
	v1 =	vsub.s32 v4, v0;
	[tilespmem:$0x30] =	vst v2  }
0x30: {  	[tilespmem:$0x10] =	vst v3;
	v2 =	vsub.s32 v5, v0;
	v1 =	vmin.u32 v1, $0x1388  }
0x31: {  	[tilespmem:$0x0] =	vst v1;
	v1 =	vmin.u32 v2, $0x1388  }
0x32: {  	[tilespmem:$0x20] =	vst v1  }
0x33: {  	[spmem:s1] =	stream.indirect.scatter.add.f32 [tilespmem:s10], [sflag:$0x3], $0xD0, s2, s11, $0xb8;
	[tilespmem:$0x180F0] =	vst v63  }
0x34: {  	_ =	swait.ge [sflag:s14], $0x4100  }
0x35: {  	[sflag:s14] =	ssyncset.done $0x0  }
0x36: {  	[sflag:s14] =	ssyncadd.s32 $0xFFFFBF00  }
0x37: {  	_ =	swait.ge [sflag:s15], $0x50  }
0x38: {  	[sflag:s15] =	ssyncset.done $0x0  }
0x39: {  	[sflag:s15] =	ssyncadd.s32 $0xFFFFFFB0  }
0x3a: {  	_ =	swait.ge [sflag:s15], $0x4100  }
0x3b: {  	[sflag:s15] =	ssyncset.done $0x0  }
0x3c: {  	[sflag:s15] =	ssyncadd.s32 $0xFFFFBF00  }
0x3d: {  	v3 =	vld [tilespmem:$0x50]  }
0x3e: {  	v2 =	vld [tilespmem:$0x60]  }
0x3f: {  	s21 =	smov.u32 s8;
	s20 =	simm.s32 $0x14;
	v1 =	vld [tilespmem:$0x70]  }
.LBB2_2:
0x40: {  	p2 =	sne.s32 s20, $0x9B0  }
0x41: {  	v4 =	vld [tilespmem:$0x80];
	s21 =	sadd.s32 $0x1040, s21;
	s22 =	smov.u32 s20;
	s20 =	sadd.s32 $0x14, s20  }
0x42: {  	v5 =	vld [tilespmem:$0x90]  }
0x43: {  	v3 =	vsub.s32 v3, v0  }
0x44: {  	v3 =	vmin.u32 v3, $0x1388;
	v2 =	vsub.s32 v2, v0  }
0x45: {  	[tilespmem:$0x50] =	vst v3;
	v2 =	vmin.u32 v2, $0x1388;
	v1 =	vsub.s32 v1, v0  }
0x46: {  	[tilespmem:$0x60] =	vst v2;
	v1 =	vmin.u32 v1, $0x1388;
	v2 =	vsub.s32 v4, v0  }
0x47: {  	[tilespmem:$0x70] =	vst v1;
	v1 =	vmin.u32 v2, $0x1388;
	v2 =	vsub.s32 v5, v0  }
0x48: {  	[tilespmem:$0x80] =	vst v1;
	v1 =	vmin.u32 v2, $0x1388  }
0x49: {  	s22 =	sadd.s32 s22, s7;
	[tilespmem:$0x90] =	vst v1  }
0x4a: {  	[spmem:s1] =	stream.indirect.scatter.add.f32 [tilespmem:s12], [sflag:$0x3], $0xD0, s11, s11, $0xb8;
	[tilespmem:$0x180F0] =	vst v63  }
0x4b: {  	_ =	swait.ge [sflag:s14], $0x4100  }
0x4c: {  	[sflag:s14] =	ssyncset.done $0x0  }
0x4d: {  	[sflag:s14] =	ssyncadd.s32 $0xFFFFBF00  }
0x4e: {  	[tilespmem:s2], [sflag:$0x1] =	stream.linear.gather [hbm4b:s22+s2], $0x50, $0x38;
	[tilespmem:$0x180F0] =	vst v63  }
0x4f: {  	s23 =	sadd.s32 $0xFFFFF7E0, s21  }
0x50: {  	[tilespmem:s10], [sflag:$0x1] =	stream.linear.gather [hbm4b:s23+s2], $0x4100, $0x38;
	[tilespmem:$0x180F0] =	vst v63  }
0x51: {  	s22 =	sadd.s32 $0xA, s22  }
0x52: {  	[tilespmem:s11], [sflag:$0x2] =	stream.linear.gather [hbm4b:s22+s2], $0x50, $0x38;
	[tilespmem:$0x180F0] =	vst v63  }
0x53: {  	_ = 	snop  }
0x54: {  	[tilespmem:s12], [sflag:$0x2] =	stream.linear.gather [hbm4b:s21+s2], $0x4100, $0x38;
	[tilespmem:$0x180F0] =	vst v63  }
0x55: {  	_ =	swait.ge [sflag:s13], $0x50  }
0x56: {  	[sflag:s13] =	ssyncset.done $0x0  }
0x57: {  	[sflag:s13] =	ssyncadd.s32 $0xFFFFFFB0  }
0x58: {  	_ =	swait.ge [sflag:s13], $0x4100  }
0x59: {  	[sflag:s13] =	ssyncset.done $0x0  }
0x5a: {  	[sflag:s13] =	ssyncadd.s32 $0xFFFFBF00  }
0x5b: {  	v1 =	vld [tilespmem:$0x40]  }
0x5c: {  	v2 =	vld [tilespmem:$0x30]  }
0x5d: {  	v3 =	vld [tilespmem:$0x10]  }
0x5e: {  	v4 =	vld [tilespmem:$0x0]  }
0x5f: {  	v5 =	vld [tilespmem:$0x20]  }
0x60: {  	v1 =	vsub.s32 v1, v0  }
0x61: {  	v2 =	vsub.s32 v2, v0;
	v1 =	vmin.u32 v1, $0x1388  }
0x62: {  	v3 =	vsub.s32 v3, v0;
	v2 =	vmin.u32 v2, $0x1388;
	[tilespmem:$0x40] =	vst v1  }
0x63: {  	v1 =	vsub.s32 v4, v0;
	v3 =	vmin.u32 v3, $0x1388;
	[tilespmem:$0x30] =	vst v2  }
0x64: {  	v1 =	vmin.u32 v1, $0x1388;
	[tilespmem:$0x10] =	vst v3;
	v2 =	vsub.s32 v5, v0  }
0x65: {  	[tilespmem:$0x0] =	vst v1;
	v1 =	vmin.u32 v2, $0x1388  }
0x66: {  	[tilespmem:$0x20] =	vst v1  }
0x67: {  	[spmem:s1] =	stream.indirect.scatter.add.f32 [tilespmem:s10], [sflag:$0x3], $0xD0, s2, s11, $0xb8;
	[tilespmem:$0x180F0] =	vst v63  }
0x68: {  	_ =	swait.ge [sflag:s14], $0x4100  }
0x69: {  	[sflag:s14] =	ssyncset.done $0x0  }
0x6a: {  	[sflag:s14] =	ssyncadd.s32 $0xFFFFBF00  }
0x6b: {  	_ =	swait.ge [sflag:s15], $0x50  }
0x6c: {  	[sflag:s15] =	ssyncset.done $0x0  }
0x6d: {  	[sflag:s15] =	ssyncadd.s32 $0xFFFFFFB0  }
0x6e: {  	_ =	swait.ge [sflag:s15], $0x4100  }
.Ltmp0:
0x6f: {  	[sflag:s15] =	ssyncset.done $0x0;
	(pc) =	sbr.rel @p2 .LBB2_2-.Ltmp0, $4  }
0x70: {  	[sflag:s15] =	ssyncadd.s32 $0xFFFFBF00  }
0x71: {  	v3 =	vld [tilespmem:$0x50]  }
0x72: {  	v2 =	vld [tilespmem:$0x60]  }
0x73: {  	v1 =	vld [tilespmem:$0x70]  }
0x74: {  	v4 =	vld [tilespmem:$0x80]  }
0x75: {  	v5 =	vld [tilespmem:$0x90]  }
0x76: {  	v3 =	vsub.s32 v3, v0  }
0x77: {  	v3 =	vmin.u32 v3, $0x1388;
	v2 =	vsub.s32 v2, v0  }
0x78: {  	[tilespmem:$0x50] =	vst v3;
	v2 =	vmin.u32 v2, $0x1388;
	v1 =	vsub.s32 v1, v0  }
0x79: {  	[tilespmem:$0x60] =	vst v2;
	v1 =	vmin.u32 v1, $0x1388;
	v2 =	vsub.s32 v4, v0  }
0x7a: {  	[tilespmem:$0x70] =	vst v1;
	v1 =	vmin.u32 v2, $0x1388;
	v2 =	vsub.s32 v5, v0  }
0x7b: {  	[tilespmem:$0x80] =	vst v1;
	v1 =	vmin.u32 v2, $0x1388  }
0x7c: {  	[tilespmem:$0x90] =	vst v1  }
0x7d: {  	[spmem:s1] =	stream.indirect.scatter.add.f32 [tilespmem:s12], [sflag:$0x3], $0xD0, s11, s11, $0xb8;
	[tilespmem:$0x180F0] =	vst v63  }
0x7e: {  	_ =	swait.ge [sflag:s14], $0x4100  }
0x7f: {  	[sflag:s14] =	ssyncset.done $0x0  }
0x80: {  	[sflag:s14] =	ssyncadd.s32 $0xFFFFBF00  }
0x81: {  	[bflag:$0x0] =	sbarrier.arrive $0xFFFF  }
0x82: {  	[hbm:s4], [sflag:s16] =	dma.local [spmem:s17], $0x1450  }
0x83: {  	s19 =	sadd.s32 $0x1, s19;
	_ =	swait.ge [sflag:s14], $0x1450  }
0x84: {  	p2 =	sne.s32 s19, s6;
	[sflag:s14] =	ssyncset.done $0x0  }
.Ltmp1:
0x85: {  	s20 =	simm.s32 @!p1 $0x3;
	[sflag:s14] =	ssyncadd.s32 $0xFFFFEBB0;
	(pc) =	sbr.rel @p2 .LBB2_1-.Ltmp1, $4  }
0x86: {  	[hbm:s5], [sflag:s16] =	dma.local @!p1 [spmem:s18], $0x1450  }
0x87: {  	_ =	swait.ge @!p1 [sflag:s20], $0x1450  }
0x88: {  	[sflag:s20] =	ssyncset.done @!p1 $0x0  }
0x89: {  	[sflag:s20] =	ssyncadd.s32 @!p1 $0xFFFFEBB0  }
0x8a: {  	_ =	sfence.sel $0x180000  }
0x8b: {  	[bflag:$0x0] =	sbarrier.arrive $0xFFFF  }
0x8c: {  	_ =	strace $0x90000050  }
0x8d: {  	s0 =	sadd.s32 @!p0 $0x100000, s0;
	[bflag:$0x2] =	sbarrier.arrive $0xFFFF  }
0x8e: {  	[sflag:s0] =	ssyncadd.tile.s32 @!p0 $0x1;
	_ =	shalt  }
.Lfunc_end2:
_tile_overlayer_lowered:
.L_overlay_start_2:
0x8f: {  	(tag) =	ssettag $0x2  }
0x90: {  	s0 =	rddreg [dreg:$0x0];
	s2 =	stileid.u32  }
0x91: {  	s1 =	rddreg [dreg:$0x1];
	p0 =	sne.s32 s2, $0x0  }
0x92: {  	s3 =	rddreg [dreg:$0x2];
	[bflag:$0x3] =	sbarrier.arrive $0xFFFF;
	s2 =	simm.s32 @!p0 $0x1C03  }
0x93: {  	[timem:s3], [sflag:s2] =	dma.local @!p0 [hbm:s0], s1  }
0x94: {  	s0 =	simm.s32 @!p0 $0x3  }
0x95: {  	_ =	swait.ge @!p0 [sflag:s0], s1  }
0x96: {  	s1 =	ssub.s32 @!p0 $0x0, s1;
	[sflag:s0] =	ssyncset.done @!p0 $0x0  }
0x97: {  	[sflag:s0] =	ssyncadd.s32 @!p0 s1  }
0x98: {  	[bflag:$0x3] =	sbarrier.arrive $0xFFFF  }
0x99: {  	_ =	shalt  }

</sc_bundles>
